<compile_context>
chip_gen: v7x
topology: tpu7x:2x2x1
jax: 0.10.2.dev20260603
libtpu: 0.0.44.dev20260713+nightly
codegen_flags: <defaults>
</compile_context>

<pallas_src>
import dataclasses
import functools

import jax
import jax.numpy as jnp
from jax import lax
from jax.experimental import pallas as pl
from jax.experimental.pallas import tpu as pltpu
from jax.experimental.pallas import tpu_sc as plsc

_MAX_ITERS = 10
_THRESHOLD = 1e-06

_NC = 2
_NS = 16
_NW = _NC * _NS
_LANES = 16
_CHUNK = 512
_NBUF = 2


def _fast_log(q):
    bits = plsc.bitcast(q, jnp.int32)
    u = bits + (0x3F800000 - 0x3F3504F3)
    ex = (u >> 23) - 127
    m = plsc.bitcast((u & 0x007FFFFF) + 0x3F3504F3, jnp.float32)
    z = (m - 1.0) / (m + 1.0)
    z2 = z * z
    p = 2.0 + z2 * (0.66666667 + z2 * 0.4)
    return ex.astype(jnp.float32) * 0.6931472 + z * p


def _edge_update(r, lother, av, bv, cv, dv):
    x = jnp.minimum(jnp.maximum(r - lother, -25.0), 25.0)
    tau = jnp.exp(x)
    return _fast_log((av * tau + bv) / (cv * tau + dv))


def _make_edge_step(epad, npad, cpt):
    mesh = plsc.VectorSubcoreMesh(core_axis_name="c", subcore_axis_name="s")
    fdt = jnp.float32
    idt = jnp.int32
    cp = pltpu.CompilerParams()
    if "needs_layout_passes" in pltpu.CompilerParams.__dataclass_fields__:
        cp = dataclasses.replace(cp, needs_layout_passes=False)

    @functools.partial(
        pl.kernel,
        out_type=(
            jax.ShapeDtypeStruct((epad,), fdt),
            jax.ShapeDtypeStruct((epad,), fdt),
            jax.ShapeDtypeStruct((_NC, npad), fdt),
        ),
        mesh=mesh,
        compiler_params=cp,
        scratch_types=[
            pltpu.VMEM((npad,), fdt),
            pltpu.VMEM((64,), fdt),
        ] + [
            pltpu.VMEM((_CHUNK,), idt) for _ in range(4)
        ] + [
            pltpu.VMEM((_CHUNK,), t)
            for _ in range(_NBUF)
            for t in (idt, fdt, fdt, fdt, fdt)
        ] + [
            pltpu.VMEM_SHARED((npad,), fdt),
            pltpu.SemaphoreType.DMA((_NBUF,)),
            pltpu.SemaphoreType.DMA((_NBUF,)),
            pltpu.SemaphoreType.DMA((_NBUF,)),
        ],
    )
    def edge_step(lrho_hbm, src_hbm, dst_hbm, lmu_hbm, lnu_hbm, pots_hbm,
                  zeros_hbm, lmu_out, lnu_out, accs_out,
                  tab_v, pots_v, *bufs_and_rest):
        srcs = bufs_and_rest[:4]
        rest = bufs_and_rest[4:]
        bufs = [rest[5 * b:5 * b + 5] for b in range(_NBUF)]
        acc_sh, sem_in, sem_out, sem_sc = rest[5 * _NBUF:]
        cid = lax.axis_index("c")
        sid = lax.axis_index("s")
        wid = cid * _NS + sid
        tile_base = wid * cpt

        pltpu.sync_copy(lrho_hbm, tab_v)
        pltpu.sync_copy(pots_hbm, pots_v)

        @pl.when(sid == 0)
        def _():
            pltpu.sync_copy(zeros_hbm, acc_sh)

        plsc.subcore_barrier()

        av = pots_v[pl.ds(0, _LANES)]
        bv = pots_v[pl.ds(16, _LANES)]
        cv = pots_v[pl.ds(32, _LANES)]
        dv = pots_v[pl.ds(48, _LANES)]

        def issue_in(cg, db, sb):
            dst_c, lmu_c, lnu_c, _, _ = bufs[db]
            base = (tile_base + cg) * _CHUNK
            sl = pl.ds(base, _CHUNK)
            pltpu.async_copy(src_hbm.at[sl], srcs[sb], sem_in.at[db])
            pltpu.async_copy(dst_hbm.at[sl], dst_c, sem_in.at[db])
            pltpu.async_copy(lmu_hbm.at[sl], lmu_c, sem_in.at[db])
            pltpu.async_copy(lnu_hbm.at[sl], lnu_c, sem_in.at[db])

        def wait_in(db, sb):
            dst_c, lmu_c, lnu_c, _, _ = bufs[db]
            sl = pl.ds(0, _CHUNK)
            pltpu.make_async_copy(src_hbm.at[sl], srcs[sb], sem_in.at[db]).wait()
            pltpu.make_async_copy(dst_hbm.at[sl], dst_c, sem_in.at[db]).wait()
            pltpu.make_async_copy(lmu_hbm.at[sl], lmu_c, sem_in.at[db]).wait()
            pltpu.make_async_copy(lnu_hbm.at[sl], lnu_c, sem_in.at[db]).wait()

        def wait_out(db, sb):
            _, _, _, lmu_o, lnu_o = bufs[db]
            sl = pl.ds(0, _CHUNK)
            pltpu.make_async_copy(lmu_o, lmu_out.at[sl], sem_out.at[db]).wait()
            pltpu.make_async_copy(lnu_o, lnu_out.at[sl], sem_out.at[db]).wait()
            pltpu.make_async_copy(
                lnu_o, acc_sh.at[srcs[sb]], sem_sc.at[db]).wait()

        for b in range(_NBUF):
            issue_in(b, b, b)

        @pl.loop(0, cpt, step=4)
        def _(g):
            for b in range(4):
                cg = g + b
                db = b % _NBUF
                src_c = srcs[b]
                dst_c, lmu_c, lnu_c, lmu_o, lnu_o = bufs[db]
                wait_in(db, b)

                @pl.when(cg >= _NBUF)
                def _():
                    wait_out(db, (b + 2) % 4)

                @plsc.parallel_loop(0, _CHUNK, step=_LANES, unroll=4)
                def _(k):
                    s16 = src_c[pl.ds(k, _LANES)]
                    d16 = dst_c[pl.ds(k, _LANES)]
                    lmu16 = lmu_c[pl.ds(k, _LANES)]
                    lnu16 = lnu_c[pl.ds(k, _LANES)]
                    rs = plsc.load_gather(tab_v, [s16])
                    rd = plsc.load_gather(tab_v, [d16])
                    lmu_o[pl.ds(k, _LANES)] = _edge_update(
                        rs, lnu16, av, bv, cv, dv)
                    lnu_o[pl.ds(k, _LANES)] = _edge_update(
                        rd, lmu16, av, bv, cv, dv)

                base = (tile_base + cg) * _CHUNK
                sl = pl.ds(base, _CHUNK)
                pltpu.async_copy(lmu_o, lmu_out.at[sl], sem_out.at[db])
                pltpu.async_copy(lnu_o, lnu_out.at[sl], sem_out.at[db])
                pltpu.async_copy(lnu_o, acc_sh.at[src_c], sem_sc.at[db],
                                 add=True)

                @pl.when(cg + _NBUF < cpt)
                def _():
                    issue_in(cg + _NBUF, db, (b + 2) % 4)

        wait_out(0, 2)
        wait_out(1, 3)

        plsc.subcore_barrier()

        @pl.when(sid == 0)
        def _():
            pltpu.sync_copy(acc_sh, accs_out.at[cid])

    return edge_step


def kernel(priors, potential, src_nodes, dst_nodes, rev_edges):
    n = priors.shape[0]
    e = src_nodes.shape[0]
    eblk = _CHUNK * _NW * 4
    epad = ((e + eblk - 1) // eblk) * eblk
    cpt = epad // (_CHUNK * _NW)
    npad = ((n + 1 + 127) // 128) * 128

    fdt = priors.dtype
    src_p = jnp.full((epad,), n, jnp.int32).at[:e].set(src_nodes.astype(jnp.int32))
    dst_p = jnp.full((epad,), n, jnp.int32).at[:e].set(dst_nodes.astype(jnp.int32))
    lpr = jnp.log(priors[:, 0]) - jnp.log(priors[:, 1])
    pots = jnp.concatenate([
        jnp.full((16,), potential[0, 0], fdt),
        jnp.full((16,), potential[1, 0], fdt),
        jnp.full((16,), potential[0, 1], fdt),
        jnp.full((16,), potential[1, 1], fdt),
    ])
    zeros_n = jnp.zeros((npad,), fdt)
    lmu0 = jnp.zeros((epad,), fdt)
    lrho0 = lpr

    edge_step = _make_edge_step(epad, npad, cpt)

    def cond_fn(state):
        i, _, _, _, diff = state
        return jnp.logical_and(i < _MAX_ITERS, diff >= _THRESHOLD)

    def body_fn(state):
        i, lrho, lmu, lnu, _ = state
        tab = jnp.zeros((npad,), fdt).at[:n].set(lrho)
        lmu_n, lnu_n, accs = edge_step(tab, src_p, dst_p, lmu, lnu, pots,
                                       zeros_n)
        lrho_n = lpr + accs[0, :n] + accs[1, :n]
        diff = jnp.max(jnp.abs(jax.nn.sigmoid(lrho_n) - jax.nn.sigmoid(lrho)))
        return (i + 1, lrho_n, lmu_n, lnu_n, diff)

    init = (0, lrho0, lmu0, lmu0, jnp.asarray(jnp.inf, fdt))
    _, lrho, _, _, _ = lax.while_loop(cond_fn, body_fn, init)
    return jnp.stack([jax.nn.sigmoid(lrho), jax.nn.sigmoid(-lrho)], axis=1)

# --- scband reference (transcript-rebuilt; emitter-appended) ---
"""Pipeline reference for scband-inference-model-85899346453 (READ-ONLY COPY).

The authoritative reference and input builder live on the scoring server;
editing this copy changes nothing except your own understanding.
"""

import jax, jax.numpy as jnp
import numpy as np

N_NODES = 100000
AVG_DEG = 16
MAX_ITERS = 10
THRESHOLD = 1e-06
POTENTIAL = 0.95


def _build_graph():
    rng = np.random.default_rng(0)
    e_half = N_NODES * AVG_DEG // 2
    u = rng.integers(0, N_NODES, size=e_half)
    v = rng.integers(0, N_NODES, size=e_half)
    mask = u != v
    u, v = u[mask], v[mask]
    src = np.concatenate([u, v]).astype(np.int64)
    dst = np.concatenate([v, u]).astype(np.int64)
    keys = np.unique(src * N_NODES + dst)  # coalesce: sorted lexicographically by (src, dst)
    src = keys // N_NODES
    dst = keys % N_NODES
    # reverse-edge index: edge e=(u,v) maps to index of (v,u); graph is symmetric so it exists
    rev_edges = np.searchsorted(keys, dst * N_NODES + src)
    return src, dst, rev_edges


def setup_inputs(seed: int = 0) -> dict:
    key = jax.random.key(seed)
    src, dst, rev_edges = _build_graph()
    priors = jax.random.uniform(key, (N_NODES, 2), dtype=jnp.float32, minval=0.05, maxval=0.95)
    priors = priors / priors.sum(axis=1, keepdims=True)
    pot = np.full((2, 2), (1.0 - POTENTIAL) / 2.0, dtype=np.float32)
    pot[0, 0] = POTENTIAL / 2.0
    pot[1, 1] = POTENTIAL / 2.0
    return {
        'priors': priors,
        'potential': jnp.asarray(pot),
        'src_nodes': jnp.asarray(src),
        'dst_nodes': jnp.asarray(dst),
        'rev_edges': jnp.asarray(rev_edges),
    }


def reference(priors, potential, src_nodes, dst_nodes, rev_edges):
    num_dir_edges = src_nodes.shape[0]
    beliefs = priors
    messages = jnp.full((num_dir_edges, 2), 0.5, dtype=priors.dtype)
    log_priors = jnp.log(priors)

    def cond_fn(state):
        i, _, _, diff = state
        return jnp.logical_and(i < MAX_ITERS, diff >= THRESHOLD)

    def body_fn(state):
        i, beliefs, messages, _ = state
        old_beliefs = beliefs
        # update_messages
        new_beliefs = beliefs[src_nodes]            # gather [E,2]
        rev_messages = messages[rev_edges]           # gather [E,2]
        new_msgs = (new_beliefs / rev_messages) @ potential
        messages = new_msgs / new_msgs.sum(axis=1, keepdims=True)
        # compute_beliefs
        logb = log_priors.at[dst_nodes].add(jnp.log(messages))  # scatter-add [N,2]
        beliefs = jax.nn.softmax(logb, axis=1)
        diff = jnp.max(jnp.abs(beliefs - old_beliefs))
        return (i + 1, beliefs, messages, diff)

    init_diff = jnp.asarray(jnp.inf, dtype=priors.dtype)
    _, beliefs, _, _ = jax.lax.while_loop(cond_fn, body_fn, (0, beliefs, messages, init_diff))
    return beliefs

if __name__ == "__main__":
    import jax
    _d = setup_inputs()
    print(jax.jit(kernel)(*tuple(_d.values())))

</pallas_src>

<mosaic_0001>
#map = affine_map<(d0, d1) -> (0)>
#map1 = affine_map<(d0, d1) -> (0, 0)>
module attributes {stable_mosaic.version = 14 : i64} {
  func.func @edge_step(%arg0: i32, %arg1: i32, %arg2: memref<100096xf32, #tpu.memory_space<hbm>>, %arg3: memref<1638400xi32, #tpu.memory_space<hbm>>, %arg4: memref<1638400xi32, #tpu.memory_space<hbm>>, %arg5: memref<1638400xf32, #tpu.memory_space<hbm>>, %arg6: memref<1638400xf32, #tpu.memory_space<hbm>>, %arg7: memref<64xf32, #tpu.memory_space<hbm>>, %arg8: memref<100096xf32, #tpu.memory_space<hbm>>, %arg9: memref<1638400xf32, #tpu.memory_space<hbm>>, %arg10: memref<1638400xf32, #tpu.memory_space<hbm>>, %arg11: memref<2x100096xf32, #tpu.memory_space<hbm>>, %arg12: memref<100096xf32, #tpu.memory_space<vmem>>, %arg13: memref<64xf32, #tpu.memory_space<vmem>>, %arg14: memref<512xi32, #tpu.memory_space<vmem>>, %arg15: memref<512xi32, #tpu.memory_space<vmem>>, %arg16: memref<512xi32, #tpu.memory_space<vmem>>, %arg17: memref<512xi32, #tpu.memory_space<vmem>>, %arg18: memref<512xi32, #tpu.memory_space<vmem>>, %arg19: memref<512xf32, #tpu.memory_space<vmem>>, %arg20: memref<512xf32, #tpu.memory_space<vmem>>, %arg21: memref<512xf32, #tpu.memory_space<vmem>>, %arg22: memref<512xf32, #tpu.memory_space<vmem>>, %arg23: memref<512xi32, #tpu.memory_space<vmem>>, %arg24: memref<512xf32, #tpu.memory_space<vmem>>, %arg25: memref<512xf32, #tpu.memory_space<vmem>>, %arg26: memref<512xf32, #tpu.memory_space<vmem>>, %arg27: memref<512xf32, #tpu.memory_space<vmem>>, %arg28: memref<100096xf32, #tpu.memory_space<vmem_shared>>, %arg29: memref<2x!tpu.dma_semaphore, #tpu.memory_space<semaphore_mem>>, %arg30: memref<2x!tpu.dma_semaphore, #tpu.memory_space<semaphore_mem>>, %arg31: memref<2x!tpu.dma_semaphore, #tpu.memory_space<semaphore_mem>>) attributes {dimension_semantics = [#tpu.dimension_semantics<core_parallel>, #tpu.dimension_semantics<subcore_parallel>], iteration_bounds = array<i64: 2, 16>, scalar_prefetch = 0 : i64, scratch_operands = 20 : i64, tpu.core_type = #tpu.core_type<sc_vector_subcore>, window_params = [{transform_indices = #map}, {transform_indices = #map}, {transform_indices = #map}, {transform_indices = #map}, {transform_indices = #map}, {transform_indices = #map}, {transform_indices = #map}, {transform_indices = #map}, {transform_indices = #map}, {transform_indices = #map1}]} {
    %mul3A = arith.constant 16 : i32
    %mul3A_0 = arith.muli %arg0, %mul3A : i32
    %add3A = arith.addi %mul3A_0, %arg1 : i32
    %mul3A_1 = arith.constant 100 : i32
    %mul3A_2 = arith.muli %add3A, %mul3A_1 : i32
    "tpu.region"() ({
      %run_scoped3A = tpu.sem_alloc : memref<!tpu.dma_semaphore, #tpu.memory_space<semaphore_mem>>
      tpu.enqueue_dma source(%arg2 : memref<100096xf32, #tpu.memory_space<hbm>>) target(%arg12 : memref<100096xf32, #tpu.memory_space<vmem>>) target_semaphore(%run_scoped3A : memref<!tpu.dma_semaphore, #tpu.memory_space<semaphore_mem>>)
      tpu.wait_dma2 semaphore(%run_scoped3A : memref<!tpu.dma_semaphore, #tpu.memory_space<semaphore_mem>>) src(%arg2 : memref<100096xf32, #tpu.memory_space<hbm>>) dst(%arg12 : memref<100096xf32, #tpu.memory_space<vmem>>)
      tpu.yield
    }) : () -> ()
    "tpu.region"() ({
      %run_scoped3A = tpu.sem_alloc : memref<!tpu.dma_semaphore, #tpu.memory_space<semaphore_mem>>
      tpu.enqueue_dma source(%arg7 : memref<64xf32, #tpu.memory_space<hbm>>) target(%arg13 : memref<64xf32, #tpu.memory_space<vmem>>) target_semaphore(%run_scoped3A : memref<!tpu.dma_semaphore, #tpu.memory_space<semaphore_mem>>)
      tpu.wait_dma2 semaphore(%run_scoped3A : memref<!tpu.dma_semaphore, #tpu.memory_space<semaphore_mem>>) src(%arg7 : memref<64xf32, #tpu.memory_space<hbm>>) dst(%arg13 : memref<64xf32, #tpu.memory_space<vmem>>)
      tpu.yield
    }) : () -> ()
    %eq3A = arith.constant 0 : i32
    %eq3A_3 = arith.cmpi eq, %arg1, %eq3A : i32
    %convert_element_type3A = arith.extui %eq3A_3 : i1 to i32
    %cond3A = arith.constant 0 : i32
    %cond3A_4 = arith.cmpi ne, %convert_element_type3A, %cond3A : i32
    scf.if %cond3A_4 {
      "tpu.region"() ({
        %run_scoped3A = tpu.sem_alloc : memref<!tpu.dma_semaphore, #tpu.memory_space<semaphore_mem>>
        tpu.enqueue_dma source(%arg8 : memref<100096xf32, #tpu.memory_space<hbm>>) target(%arg28 : memref<100096xf32, #tpu.memory_space<vmem_shared>>) target_semaphore(%run_scoped3A : memref<!tpu.dma_semaphore, #tpu.memory_space<semaphore_mem>>)
        tpu.wait_dma2 semaphore(%run_scoped3A : memref<!tpu.dma_semaphore, #tpu.memory_space<semaphore_mem>>) src(%arg8 : memref<100096xf32, #tpu.memory_space<hbm>>) dst(%arg28 : memref<100096xf32, #tpu.memory_space<vmem_shared>>)
        tpu.yield
      }) : () -> ()
    } else {
    }
    %barrier3A = arith.constant 0 : index
    tpu.barrier barrier_id(%barrier3A)
    %get3A = arith.constant 0 : index
    %get3A_5 = tpu.vector_load %arg13[%get3A] {strides = array<i32>} : memref<64xf32, #tpu.memory_space<vmem>>, vector<16xf32>,
    %get3A_6 = arith.constant 16 : index
    %get3A_7 = tpu.vector_load %arg13[%get3A_6] {strides = array<i32>} : memref<64xf32, #tpu.memory_space<vmem>>, vector<16xf32>,
    %get3A_8 = arith.constant 32 : index
    %get3A_9 = tpu.vector_load %arg13[%get3A_8] {strides = array<i32>} : memref<64xf32, #tpu.memory_space<vmem>>, vector<16xf32>,
    %get3A_10 = arith.constant 48 : index
    %get3A_11 = tpu.vector_load %arg13[%get3A_10] {strides = array<i32>} : memref<64xf32, #tpu.memory_space<vmem>>, vector<16xf32>,
    %add3A_12 = arith.constant 0 : i32
    %add3A_13 = arith.addi %mul3A_2, %add3A_12 : i32
    %mul3A_14 = arith.constant 512 : i32
    %mul3A_15 = arith.muli %add3A_13, %mul3A_14 : i32
    %dma_start3A = arith.constant 0 : i32
    %dma_start3A_16 = tpu.memref_slice %arg3[%mul3A_15] : memref<1638400xi32, #tpu.memory_space<hbm>> -> memref<512xi32, #tpu.memory_space<hbm>>
    %dma_start3A_17 = tpu.memref_slice %arg29[%dma_start3A] : memref<2x!tpu.dma_semaphore, #tpu.memory_space<semaphore_mem>> -> memref<1x!tpu.dma_semaphore, #tpu.memory_space<semaphore_mem>>
    %dma_start3A_18 = tpu.memref_squeeze %dma_start3A_17 : memref<1x!tpu.dma_semaphore, #tpu.memory_space<semaphore_mem>> -> memref<!tpu.dma_semaphore, #tpu.memory_space<semaphore_mem>>
    %dma_start3A_19 = tpu.memref_slice %arg3[%mul3A_15] : memref<1638400xi32, #tpu.memory_space<hbm>> -> memref<512xi32, #tpu.memory_space<hbm>>
    tpu.enqueue_dma source(%dma_start3A_19 : memref<512xi32, #tpu.memory_space<hbm>>) target(%arg14 : memref<512xi32, #tpu.memory_space<vmem>>) target_semaphore(%dma_start3A_18 : memref<!tpu.dma_semaphore, #tpu.memory_space<semaphore_mem>>)
    %dma_start3A_20 = arith.constant 0 : i32
    %dma_start3A_21 = tpu.memref_slice %arg4[%mul3A_15] : memref<1638400xi32, #tpu.memory_space<hbm>> -> memref<512xi32, #tpu.memory_space<hbm>>
    %dma_start3A_22 = tpu.memref_slice %arg29[%dma_start3A_20] : memref<2x!tpu.dma_semaphore, #tpu.memory_space<semaphore_mem>> -> memref<1x!tpu.dma_semaphore, #tpu.memory_space<semaphore_mem>>
    %dma_start3A_23 = tpu.memref_squeeze %dma_start3A_22 : memref<1x!tpu.dma_semaphore, #tpu.memory_space<semaphore_mem>> -> memref<!tpu.dma_semaphore, #tpu.memory_space<semaphore_mem>>
    %dma_start3A_24 = tpu.memref_slice %arg4[%mul3A_15] : memref<1638400xi32, #tpu.memory_space<hbm>> -> memref<512xi32, #tpu.memory_space<hbm>>
    tpu.enqueue_dma source(%dma_start3A_24 : memref<512xi32, #tpu.memory_space<hbm>>) target(%arg18 : memref<512xi32, #tpu.memory_space<vmem>>) target_semaphore(%dma_start3A_23 : memref<!tpu.dma_semaphore, #tpu.memory_space<semaphore_mem>>)
    %dma_start3A_25 = arith.constant 0 : i32
    %dma_start3A_26 = tpu.memref_slice %arg5[%mul3A_15] : memref<1638400xf32, #tpu.memory_space<hbm>> -> memref<512xf32, #tpu.memory_space<hbm>>
    %dma_start3A_27 = tpu.memref_slice %arg29[%dma_start3A_25] : memref<2x!tpu.dma_semaphore, #tpu.memory_space<semaphore_mem>> -> memref<1x!tpu.dma_semaphore, #tpu.memory_space<semaphore_mem>>
    %dma_start3A_28 = tpu.memref_squeeze %dma_start3A_27 : memref<1x!tpu.dma_semaphore, #tpu.memory_space<semaphore_mem>> -> memref<!tpu.dma_semaphore, #tpu.memory_space<semaphore_mem>>
    %dma_start3A_29 = tpu.memref_slice %arg5[%mul3A_15] : memref<1638400xf32, #tpu.memory_space<hbm>> -> memref<512xf32, #tpu.memory_space<hbm>>
    tpu.enqueue_dma source(%dma_start3A_29 : memref<512xf32, #tpu.memory_space<hbm>>) target(%arg19 : memref<512xf32, #tpu.memory_space<vmem>>) target_semaphore(%dma_start3A_28 : memref<!tpu.dma_semaphore, #tpu.memory_space<semaphore_mem>>)
    %dma_start3A_30 = arith.constant 0 : i32
    %dma_start3A_31 = tpu.memref_slice %arg6[%mul3A_15] : memref<1638400xf32, #tpu.memory_space<hbm>> -> memref<512xf32, #tpu.memory_space<hbm>>
    %dma_start3A_32 = tpu.memref_slice %arg29[%dma_start3A_30] : memref<2x!tpu.dma_semaphore, #tpu.memory_space<semaphore_mem>> -> memref<1x!tpu.dma_semaphore, #tpu.memory_space<semaphore_mem>>
    %dma_start3A_33 = tpu.memref_squeeze %dma_start3A_32 : memref<1x!tpu.dma_semaphore, #tpu.memory_space<semaphore_mem>> -> memref<!tpu.dma_semaphore, #tpu.memory_space<semaphore_mem>>
    %dma_start3A_34 = tpu.memref_slice %arg6[%mul3A_15] : memref<1638400xf32, #tpu.memory_space<hbm>> -> memref<512xf32, #tpu.memory_space<hbm>>
    tpu.enqueue_dma source(%dma_start3A_34 : memref<512xf32, #tpu.memory_space<hbm>>) target(%arg20 : memref<512xf32, #tpu.memory_space<vmem>>) target_semaphore(%dma_start3A_33 : memref<!tpu.dma_semaphore, #tpu.memory_space<semaphore_mem>>)
    %add3A_35 = arith.constant 1 : i32
    %add3A_36 = arith.addi %mul3A_2, %add3A_35 : i32
    %mul3A_37 = arith.constant 512 : i32
    %mul3A_38 = arith.muli %add3A_36, %mul3A_37 : i32
    %dma_start3A_39 = arith.constant 1 : i32
    %dma_start3A_40 = tpu.memref_slice %arg3[%mul3A_38] : memref<1638400xi32, #tpu.memory_space<hbm>> -> memref<512xi32, #tpu.memory_space<hbm>>
    %dma_start3A_41 = tpu.memref_slice %arg29[%dma_start3A_39] : memref<2x!tpu.dma_semaphore, #tpu.memory_space<semaphore_mem>> -> memref<1x!tpu.dma_semaphore, #tpu.memory_space<semaphore_mem>>
    %dma_start3A_42 = tpu.memref_squeeze %dma_start3A_41 : memref<1x!tpu.dma_semaphore, #tpu.memory_space<semaphore_mem>> -> memref<!tpu.dma_semaphore, #tpu.memory_space<semaphore_mem>>
    %dma_start3A_43 = tpu.memref_slice %arg3[%mul3A_38] : memref<1638400xi32, #tpu.memory_space<hbm>> -> memref<512xi32, #tpu.memory_space<hbm>>
    tpu.enqueue_dma source(%dma_start3A_43 : memref<512xi32, #tpu.memory_space<hbm>>) target(%arg15 : memref<512xi32, #tpu.memory_space<vmem>>) target_semaphore(%dma_start3A_42 : memref<!tpu.dma_semaphore, #tpu.memory_space<semaphore_mem>>)
    %dma_start3A_44 = arith.constant 1 : i32
    %dma_start3A_45 = tpu.memref_slice %arg4[%mul3A_38] : memref<1638400xi32, #tpu.memory_space<hbm>> -> memref<512xi32, #tpu.memory_space<hbm>>
    %dma_start3A_46 = tpu.memref_slice %arg29[%dma_start3A_44] : memref<2x!tpu.dma_semaphore, #tpu.memory_space<semaphore_mem>> -> memref<1x!tpu.dma_semaphore, #tpu.memory_space<semaphore_mem>>
    %dma_start3A_47 = tpu.memref_squeeze %dma_start3A_46 : memref<1x!tpu.dma_semaphore, #tpu.memory_space<semaphore_mem>> -> memref<!tpu.dma_semaphore, #tpu.memory_space<semaphore_mem>>
    %dma_start3A_48 = tpu.memref_slice %arg4[%mul3A_38] : memref<1638400xi32, #tpu.memory_space<hbm>> -> memref<512xi32, #tpu.memory_space<hbm>>
    tpu.enqueue_dma source(%dma_start3A_48 : memref<512xi32, #tpu.memory_space<hbm>>) target(%arg23 : memref<512xi32, #tpu.memory_space<vmem>>) target_semaphore(%dma_start3A_47 : memref<!tpu.dma_semaphore, #tpu.memory_space<semaphore_mem>>)
    %dma_start3A_49 = arith.constant 1 : i32
    %dma_start3A_50 = tpu.memref_slice %arg5[%mul3A_38] : memref<1638400xf32, #tpu.memory_space<hbm>> -> memref<512xf32, #tpu.memory_space<hbm>>
    %dma_start3A_51 = tpu.memref_slice %arg29[%dma_start3A_49] : memref<2x!tpu.dma_semaphore, #tpu.memory_space<semaphore_mem>> -> memref<1x!tpu.dma_semaphore, #tpu.memory_space<semaphore_mem>>
    %dma_start3A_52 = tpu.memref_squeeze %dma_start3A_51 : memref<1x!tpu.dma_semaphore, #tpu.memory_space<semaphore_mem>> -> memref<!tpu.dma_semaphore, #tpu.memory_space<semaphore_mem>>
    %dma_start3A_53 = tpu.memref_slice %arg5[%mul3A_38] : memref<1638400xf32, #tpu.memory_space<hbm>> -> memref<512xf32, #tpu.memory_space<hbm>>
    tpu.enqueue_dma source(%dma_start3A_53 : memref<512xf32, #tpu.memory_space<hbm>>) target(%arg24 : memref<512xf32, #tpu.memory_space<vmem>>) target_semaphore(%dma_start3A_52 : memref<!tpu.dma_semaphore, #tpu.memory_space<semaphore_mem>>)
    %dma_start3A_54 = arith.constant 1 : i32
    %dma_start3A_55 = tpu.memref_slice %arg6[%mul3A_38] : memref<1638400xf32, #tpu.memory_space<hbm>> -> memref<512xf32, #tpu.memory_space<hbm>>
    %dma_start3A_56 = tpu.memref_slice %arg29[%dma_start3A_54] : memref<2x!tpu.dma_semaphore, #tpu.memory_space<semaphore_mem>> -> memref<1x!tpu.dma_semaphore, #tpu.memory_space<semaphore_mem>>
    %dma_start3A_57 = tpu.memref_squeeze %dma_start3A_56 : memref<1x!tpu.dma_semaphore, #tpu.memory_space<semaphore_mem>> -> memref<!tpu.dma_semaphore, #tpu.memory_space<semaphore_mem>>
    %dma_start3A_58 = tpu.memref_slice %arg6[%mul3A_38] : memref<1638400xf32, #tpu.memory_space<hbm>> -> memref<512xf32, #tpu.memory_space<hbm>>
    tpu.enqueue_dma source(%dma_start3A_58 : memref<512xf32, #tpu.memory_space<hbm>>) target(%arg25 : memref<512xf32, #tpu.memory_space<vmem>>) target_semaphore(%dma_start3A_57 : memref<!tpu.dma_semaphore, #tpu.memory_space<semaphore_mem>>)
    %scan3A = arith.constant 0 : i32
    %scan3A_59 = arith.constant 25 : i32
    %scan3A_60 = arith.addi %scan3A, %scan3A_59 : i32
    %scan3A_61 = arith.constant 1 : i32
    scf.for %scan3A_106 = %scan3A to %scan3A_60 step %scan3A_61  : i32 {
      %mul3A_107 = arith.constant 4 : i32
      %mul3A_108 = arith.muli %scan3A_106, %mul3A_107 : i32
      %add3A_109 = arith.constant 0 : i32
      %add3A_110 = arith.addi %add3A_109, %mul3A_108 : i32
      %add3A_111 = arith.constant 0 : i32
      %add3A_112 = arith.addi %add3A_110, %add3A_111 : i32
      %dma_wait3A_113 = arith.constant 0 : i32
      %dma_wait3A_114 = arith.constant 0 : i32
      %dma_wait3A_115 = tpu.memref_slice %arg3[%dma_wait3A_114] : memref<1638400xi32, #tpu.memory_space<hbm>> -> memref<512xi32, #tpu.memory_space<hbm>>
      %dma_wait3A_116 = tpu.memref_slice %arg29[%dma_wait3A_113] : memref<2x!tpu.dma_semaphore, #tpu.memory_space<semaphore_mem>> -> memref<1x!tpu.dma_semaphore, #tpu.memory_space<semaphore_mem>>
      %dma_wait3A_117 = tpu.memref_squeeze %dma_wait3A_116 : memref<1x!tpu.dma_semaphore, #tpu.memory_space<semaphore_mem>> -> memref<!tpu.dma_semaphore, #tpu.memory_space<semaphore_mem>>
      %dma_wait3A_118 = arith.constant 0 : i32
      %dma_wait3A_119 = tpu.memref_slice %arg3[%dma_wait3A_118] : memref<1638400xi32, #tpu.memory_space<hbm>> -> memref<512xi32, #tpu.memory_space<hbm>>
      tpu.wait_dma2 semaphore(%dma_wait3A_117 : memref<!tpu.dma_semaphore, #tpu.memory_space<semaphore_mem>>) src(%dma_wait3A_119 : memref<512xi32, #tpu.memory_space<hbm>>) dst(%arg14 : memref<512xi32, #tpu.memory_space<vmem>>)
      %dma_wait3A_120 = arith.constant 0 : i32
      %dma_wait3A_121 = arith.constant 0 : i32
      %dma_wait3A_122 = tpu.memref_slice %arg4[%dma_wait3A_121] : memref<1638400xi32, #tpu.memory_space<hbm>> -> memref<512xi32, #tpu.memory_space<hbm>>
      %dma_wait3A_123 = tpu.memref_slice %arg29[%dma_wait3A_120] : memref<2x!tpu.dma_semaphore, #tpu.memory_space<semaphore_mem>> -> memref<1x!tpu.dma_semaphore, #tpu.memory_space<semaphore_mem>>
      %dma_wait3A_124 = tpu.memref_squeeze %dma_wait3A_123 : memref<1x!tpu.dma_semaphore, #tpu.memory_space<semaphore_mem>> -> memref<!tpu.dma_semaphore, #tpu.memory_space<semaphore_mem>>
      %dma_wait3A_125 = arith.constant 0 : i32
      %dma_wait3A_126 = tpu.memref_slice %arg4[%dma_wait3A_125] : memref<1638400xi32, #tpu.memory_space<hbm>> -> memref<512xi32, #tpu.memory_space<hbm>>
      tpu.wait_dma2 semaphore(%dma_wait3A_124 : memref<!tpu.dma_semaphore, #tpu.memory_space<semaphore_mem>>) src(%dma_wait3A_126 : memref<512xi32, #tpu.memory_space<hbm>>) dst(%arg18 : memref<512xi32, #tpu.memory_space<vmem>>)
      %dma_wait3A_127 = arith.constant 0 : i32
      %dma_wait3A_128 = arith.constant 0 : i32
      %dma_wait3A_129 = tpu.memref_slice %arg5[%dma_wait3A_128] : memref<1638400xf32, #tpu.memory_space<hbm>> -> memref<512xf32, #tpu.memory_space<hbm>>
      %dma_wait3A_130 = tpu.memref_slice %arg29[%dma_wait3A_127] : memref<2x!tpu.dma_semaphore, #tpu.memory_space<semaphore_mem>> -> memref<1x!tpu.dma_semaphore, #tpu.memory_space<semaphore_mem>>
      %dma_wait3A_131 = tpu.memref_squeeze %dma_wait3A_130 : memref<1x!tpu.dma_semaphore, #tpu.memory_space<semaphore_mem>> -> memref<!tpu.dma_semaphore, #tpu.memory_space<semaphore_mem>>
      %dma_wait3A_132 = arith.constant 0 : i32
      %dma_wait3A_133 = tpu.memref_slice %arg5[%dma_wait3A_132] : memref<1638400xf32, #tpu.memory_space<hbm>> -> memref<512xf32, #tpu.memory_space<hbm>>
      tpu.wait_dma2 semaphore(%dma_wait3A_131 : memref<!tpu.dma_semaphore, #tpu.memory_space<semaphore_mem>>) src(%dma_wait3A_133 : memref<512xf32, #tpu.memory_space<hbm>>) dst(%arg19 : memref<512xf32, #tpu.memory_space<vmem>>)
      %dma_wait3A_134 = arith.constant 0 : i32
      %dma_wait3A_135 = arith.constant 0 : i32
      %dma_wait3A_136 = tpu.memref_slice %arg6[%dma_wait3A_135] : memref<1638400xf32, #tpu.memory_space<hbm>> -> memref<512xf32, #tpu.memory_space<hbm>>
      %dma_wait3A_137 = tpu.memref_slice %arg29[%dma_wait3A_134] : memref<2x!tpu.dma_semaphore, #tpu.memory_space<semaphore_mem>> -> memref<1x!tpu.dma_semaphore, #tpu.memory_space<semaphore_mem>>
      %dma_wait3A_138 = tpu.memref_squeeze %dma_wait3A_137 : memref<1x!tpu.dma_semaphore, #tpu.memory_space<semaphore_mem>> -> memref<!tpu.dma_semaphore, #tpu.memory_space<semaphore_mem>>
      %dma_wait3A_139 = arith.constant 0 : i32
      %dma_wait3A_140 = tpu.memref_slice %arg6[%dma_wait3A_139] : memref<1638400xf32, #tpu.memory_space<hbm>> -> memref<512xf32, #tpu.memory_space<hbm>>
      tpu.wait_dma2 semaphore(%dma_wait3A_138 : memref<!tpu.dma_semaphore, #tpu.memory_space<semaphore_mem>>) src(%dma_wait3A_140 : memref<512xf32, #tpu.memory_space<hbm>>) dst(%arg20 : memref<512xf32, #tpu.memory_space<vmem>>)
      %ge3A = arith.constant 2 : i32
      %ge3A_141 = arith.cmpi sge, %add3A_112, %ge3A : i32
      %convert_element_type3A_142 = arith.extui %ge3A_141 : i1 to i32
      %cond3A_143 = arith.constant 0 : i32
      %cond3A_144 = arith.cmpi ne, %convert_element_type3A_142, %cond3A_143 : i32
      scf.if %cond3A_144 {
        %dma_wait3A_360 = arith.constant 0 : i32
        %dma_wait3A_361 = arith.constant 0 : i32
        %dma_wait3A_362 = tpu.memref_slice %arg9[%dma_wait3A_361] : memref<1638400xf32, #tpu.memory_space<hbm>> -> memref<512xf32, #tpu.memory_space<hbm>>
        %dma_wait3A_363 = tpu.memref_slice %arg30[%dma_wait3A_360] : memref<2x!tpu.dma_semaphore, #tpu.memory_space<semaphore_mem>> -> memref<1x!tpu.dma_semaphore, #tpu.memory_space<semaphore_mem>>
        %dma_wait3A_364 = tpu.memref_squeeze %dma_wait3A_363 : memref<1x!tpu.dma_semaphore, #tpu.memory_space<semaphore_mem>> -> memref<!tpu.dma_semaphore, #tpu.memory_space<semaphore_mem>>
        %dma_wait3A_365 = arith.constant 0 : i32
        %dma_wait3A_366 = tpu.memref_slice %arg9[%dma_wait3A_365] : memref<1638400xf32, #tpu.memory_space<hbm>> -> memref<512xf32, #tpu.memory_space<hbm>>
        tpu.wait_dma2 semaphore(%dma_wait3A_364 : memref<!tpu.dma_semaphore, #tpu.memory_space<semaphore_mem>>) src(%arg21 : memref<512xf32, #tpu.memory_space<vmem>>) dst(%dma_wait3A_366 : memref<512xf32, #tpu.memory_space<hbm>>)
        %dma_wait3A_367 = arith.constant 0 : i32
        %dma_wait3A_368 = arith.constant 0 : i32
        %dma_wait3A_369 = tpu.memref_slice %arg10[%dma_wait3A_368] : memref<1638400xf32, #tpu.memory_space<hbm>> -> memref<512xf32, #tpu.memory_space<hbm>>
        %dma_wait3A_370 = tpu.memref_slice %arg30[%dma_wait3A_367] : memref<2x!tpu.dma_semaphore, #tpu.memory_space<semaphore_mem>> -> memref<1x!tpu.dma_semaphore, #tpu.memory_space<semaphore_mem>>
        %dma_wait3A_371 = tpu.memref_squeeze %dma_wait3A_370 : memref<1x!tpu.dma_semaphore, #tpu.memory_space<semaphore_mem>> -> memref<!tpu.dma_semaphore, #tpu.memory_space<semaphore_mem>>
        %dma_wait3A_372 = arith.constant 0 : i32
        %dma_wait3A_373 = tpu.memref_slice %arg10[%dma_wait3A_372] : memref<1638400xf32, #tpu.memory_space<hbm>> -> memref<512xf32, #tpu.memory_space<hbm>>
        tpu.wait_dma2 semaphore(%dma_wait3A_371 : memref<!tpu.dma_semaphore, #tpu.memory_space<semaphore_mem>>) src(%arg22 : memref<512xf32, #tpu.memory_space<vmem>>) dst(%dma_wait3A_373 : memref<512xf32, #tpu.memory_space<hbm>>)
        %dma_wait3A_374 = arith.constant 0 : i32
        %dma_wait3A_375 = arith.constant 0 : i32
        %dma_wait3A_376 = tpu.memref_slice %arg28[%dma_wait3A_375] : memref<100096xf32, #tpu.memory_space<vmem_shared>> -> memref<100096xf32, #tpu.memory_space<vmem_shared>>
        %dma_wait3A_377 = tpu.memref_slice %arg31[%dma_wait3A_374] : memref<2x!tpu.dma_semaphore, #tpu.memory_space<semaphore_mem>> -> memref<1x!tpu.dma_semaphore, #tpu.memory_space<semaphore_mem>>
        %dma_wait3A_378 = tpu.memref_squeeze %dma_wait3A_377 : memref<1x!tpu.dma_semaphore, #tpu.memory_space<semaphore_mem>> -> memref<!tpu.dma_semaphore, #tpu.memory_space<semaphore_mem>>
        tpu.wait_indirect_dma semaphore(%dma_wait3A_378 : memref<!tpu.dma_semaphore, #tpu.memory_space<semaphore_mem>>) src(%arg22 : memref<512xf32, #tpu.memory_space<vmem>>) dst(%dma_wait3A_376 : memref<100096xf32, #tpu.memory_space<vmem_shared>>)
      } else {
      }
      %parallel_loop3A = arith.constant 0 : i32
      %parallel_loop3A_145 = arith.constant 512 : i32
      %parallel_loop3A_146 = arith.constant 16 : i32
      scf.for %parallel_loop3A_360 = %parallel_loop3A to %parallel_loop3A_145 step %parallel_loop3A_146  : i32 {
        %parallel_loop3A_361 = arith.index_cast %parallel_loop3A_360 : i32 to index
        %parallel_loop3A_362 = tpu.vector_load %arg14[%parallel_loop3A_361] {strides = array<i32>} : memref<512xi32, #tpu.memory_space<vmem>>, vector<16xi32>,
        %parallel_loop3A_363 = arith.index_cast %parallel_loop3A_360 : i32 to index
        %parallel_loop3A_364 = tpu.vector_load %arg18[%parallel_loop3A_363] {strides = array<i32>} : memref<512xi32, #tpu.memory_space<vmem>>, vector<16xi32>,
        %parallel_loop3A_365 = arith.index_cast %parallel_loop3A_360 : i32 to index
        %parallel_loop3A_366 = tpu.vector_load %arg19[%parallel_loop3A_365] {strides = array<i32>} : memref<512xf32, #tpu.memory_space<vmem>>, vector<16xf32>,
        %parallel_loop3A_367 = arith.index_cast %parallel_loop3A_360 : i32 to index
        %parallel_loop3A_368 = tpu.vector_load %arg20[%parallel_loop3A_367] {strides = array<i32>} : memref<512xf32, #tpu.memory_space<vmem>>, vector<16xf32>,
        %parallel_loop3A_369 = tpu.vector_load_idx %arg12[%parallel_loop3A_362] : memref<100096xf32, #tpu.memory_space<vmem>>[vector<16xi32>], vector<16xf32>,
        %parallel_loop3A_370 = tpu.vector_load_idx %arg12[%parallel_loop3A_364] : memref<100096xf32, #tpu.memory_space<vmem>>[vector<16xi32>], vector<16xf32>,
        %parallel_loop3A_371 = arith.subf %parallel_loop3A_369, %parallel_loop3A_368 : vector<16xf32>
        %parallel_loop3A_372 = arith.constant -2.500000e+01 : f32
        %parallel_loop3A_373 = vector.broadcast %parallel_loop3A_372 : f32 to vector<16xf32>
        %parallel_loop3A_374 = arith.maximumf %parallel_loop3A_371, %parallel_loop3A_373 : vector<16xf32>
        %parallel_loop3A_375 = arith.constant 2.500000e+01 : f32
        %parallel_loop3A_376 = vector.broadcast %parallel_loop3A_375 : f32 to vector<16xf32>
        %parallel_loop3A_377 = arith.minimumf %parallel_loop3A_374, %parallel_loop3A_376 : vector<16xf32>
        %parallel_loop3A_378 = math.exp %parallel_loop3A_377 : vector<16xf32>
        %parallel_loop3A_379 = arith.mulf %get3A_5, %parallel_loop3A_378 : vector<16xf32>
        %parallel_loop3A_380 = arith.addf %parallel_loop3A_379, %get3A_7 : vector<16xf32>
        %parallel_loop3A_381 = arith.mulf %get3A_9, %parallel_loop3A_378 : vector<16xf32>
        %parallel_loop3A_382 = arith.addf %parallel_loop3A_381, %get3A_11 : vector<16xf32>
        %parallel_loop3A_383 = arith.divf %parallel_loop3A_380, %parallel_loop3A_382 : vector<16xf32>
        %parallel_loop3A_384 = vector.bitcast %parallel_loop3A_383 : vector<16xf32> to vector<16xi32>
        %parallel_loop3A_385 = arith.constant 4913933 : i32
        %parallel_loop3A_386 = vector.broadcast %parallel_loop3A_385 : i32 to vector<16xi32>
        %parallel_loop3A_387 = arith.addi %parallel_loop3A_384, %parallel_loop3A_386 : vector<16xi32>
        %parallel_loop3A_388 = arith.constant 23 : i32
        %parallel_loop3A_389 = vector.broadcast %parallel_loop3A_388 : i32 to vector<16xi32>
        %parallel_loop3A_390 = arith.shrsi %parallel_loop3A_387, %parallel_loop3A_389 : vector<16xi32>
        %parallel_loop3A_391 = arith.constant 127 : i32
        %parallel_loop3A_392 = vector.broadcast %parallel_loop3A_391 : i32 to vector<16xi32>
        %parallel_loop3A_393 = arith.subi %parallel_loop3A_390, %parallel_loop3A_392 : vector<16xi32>
        %parallel_loop3A_394 = arith.constant 8388607 : i32
        %parallel_loop3A_395 = vector.broadcast %parallel_loop3A_394 : i32 to vector<16xi32>
        %parallel_loop3A_396 = arith.andi %parallel_loop3A_387, %parallel_loop3A_395 : vector<16xi32>
        %parallel_loop3A_397 = arith.constant 1060439283 : i32
        %parallel_loop3A_398 = vector.broadcast %parallel_loop3A_397 : i32 to vector<16xi32>
        %parallel_loop3A_399 = arith.addi %parallel_loop3A_396, %parallel_loop3A_398 : vector<16xi32>
        %parallel_loop3A_400 = vector.bitcast %parallel_loop3A_399 : vector<16xi32> to vector<16xf32>
        %parallel_loop3A_401 = arith.constant 1.000000e+00 : f32
        %parallel_loop3A_402 = vector.broadcast %parallel_loop3A_401 : f32 to vector<16xf32>
        %parallel_loop3A_403 = arith.subf %parallel_loop3A_400, %parallel_loop3A_402 : vector<16xf32>
        %parallel_loop3A_404 = arith.constant 1.000000e+00 : f32
        %parallel_loop3A_405 = vector.broadcast %parallel_loop3A_404 : f32 to vector<16xf32>
        %parallel_loop3A_406 = arith.addf %parallel_loop3A_400, %parallel_loop3A_405 : vector<16xf32>
        %parallel_loop3A_407 = arith.divf %parallel_loop3A_403, %parallel_loop3A_406 : vector<16xf32>
        %parallel_loop3A_408 = arith.mulf %parallel_loop3A_407, %parallel_loop3A_407 : vector<16xf32>
        %parallel_loop3A_409 = arith.constant 4.000000e-01 : f32
        %parallel_loop3A_410 = vector.broadcast %parallel_loop3A_409 : f32 to vector<16xf32>
        %parallel_loop3A_411 = arith.mulf %parallel_loop3A_408, %parallel_loop3A_410 : vector<16xf32>
        %parallel_loop3A_412 = arith.constant 0.666666686 : f32
        %parallel_loop3A_413 = vector.broadcast %parallel_loop3A_412 : f32 to vector<16xf32>
        %parallel_loop3A_414 = arith.addf %parallel_loop3A_413, %parallel_loop3A_411 : vector<16xf32>
        %parallel_loop3A_415 = arith.mulf %parallel_loop3A_408, %parallel_loop3A_414 : vector<16xf32>
        %parallel_loop3A_416 = arith.constant 2.000000e+00 : f32
        %parallel_loop3A_417 = vector.broadcast %parallel_loop3A_416 : f32 to vector<16xf32>
        %parallel_loop3A_418 = arith.addf %parallel_loop3A_417, %parallel_loop3A_415 : vector<16xf32>
        %parallel_loop3A_419 = arith.sitofp %parallel_loop3A_393 : vector<16xi32> to vector<16xf32>
        %parallel_loop3A_420 = arith.constant 0.693147182 : f32
        %parallel_loop3A_421 = vector.broadcast %parallel_loop3A_420 : f32 to vector<16xf32>
        %parallel_loop3A_422 = arith.mulf %parallel_loop3A_419, %parallel_loop3A_421 : vector<16xf32>
        %parallel_loop3A_423 = arith.mulf %parallel_loop3A_407, %parallel_loop3A_418 : vector<16xf32>
        %parallel_loop3A_424 = arith.addf %parallel_loop3A_422, %parallel_loop3A_423 : vector<16xf32>
        %parallel_loop3A_425 = arith.index_cast %parallel_loop3A_360 : i32 to index
        %parallel_loop3A_426 = tpu.vector_load %arg21[%parallel_loop3A_425] {strides = array<i32>} : memref<512xf32, #tpu.memory_space<vmem>>, vector<16xf32>,
        tpu.vector_store %arg21[%parallel_loop3A_425], %parallel_loop3A_424 {strides = array<i32>} : memref<512xf32, #tpu.memory_space<vmem>>, vector<16xf32>,
        %parallel_loop3A_427 = arith.subf %parallel_loop3A_370, %parallel_loop3A_366 : vector<16xf32>
        %parallel_loop3A_428 = arith.constant -2.500000e+01 : f32
        %parallel_loop3A_429 = vector.broadcast %parallel_loop3A_428 : f32 to vector<16xf32>
        %parallel_loop3A_430 = arith.maximumf %parallel_loop3A_427, %parallel_loop3A_429 : vector<16xf32>
        %parallel_loop3A_431 = arith.constant 2.500000e+01 : f32
        %parallel_loop3A_432 = vector.broadcast %parallel_loop3A_431 : f32 to vector<16xf32>
        %parallel_loop3A_433 = arith.minimumf %parallel_loop3A_430, %parallel_loop3A_432 : vector<16xf32>
        %parallel_loop3A_434 = math.exp %parallel_loop3A_433 : vector<16xf32>
        %parallel_loop3A_435 = arith.mulf %get3A_5, %parallel_loop3A_434 : vector<16xf32>
        %parallel_loop3A_436 = arith.addf %parallel_loop3A_435, %get3A_7 : vector<16xf32>
        %parallel_loop3A_437 = arith.mulf %get3A_9, %parallel_loop3A_434 : vector<16xf32>
        %parallel_loop3A_438 = arith.addf %parallel_loop3A_437, %get3A_11 : vector<16xf32>
        %parallel_loop3A_439 = arith.divf %parallel_loop3A_436, %parallel_loop3A_438 : vector<16xf32>
        %parallel_loop3A_440 = vector.bitcast %parallel_loop3A_439 : vector<16xf32> to vector<16xi32>
        %parallel_loop3A_441 = arith.constant 4913933 : i32
        %parallel_loop3A_442 = vector.broadcast %parallel_loop3A_441 : i32 to vector<16xi32>
        %parallel_loop3A_443 = arith.addi %parallel_loop3A_440, %parallel_loop3A_442 : vector<16xi32>
        %parallel_loop3A_444 = arith.constant 23 : i32
        %parallel_loop3A_445 = vector.broadcast %parallel_loop3A_444 : i32 to vector<16xi32>
        %parallel_loop3A_446 = arith.shrsi %parallel_loop3A_443, %parallel_loop3A_445 : vector<16xi32>
        %parallel_loop3A_447 = arith.constant 127 : i32
        %parallel_loop3A_448 = vector.broadcast %parallel_loop3A_447 : i32 to vector<16xi32>
        %parallel_loop3A_449 = arith.subi %parallel_loop3A_446, %parallel_loop3A_448 : vector<16xi32>
        %parallel_loop3A_450 = arith.constant 8388607 : i32
        %parallel_loop3A_451 = vector.broadcast %parallel_loop3A_450 : i32 to vector<16xi32>
        %parallel_loop3A_452 = arith.andi %parallel_loop3A_443, %parallel_loop3A_451 : vector<16xi32>
        %parallel_loop3A_453 = arith.constant 1060439283 : i32
        %parallel_loop3A_454 = vector.broadcast %parallel_loop3A_453 : i32 to vector<16xi32>
        %parallel_loop3A_455 = arith.addi %parallel_loop3A_452, %parallel_loop3A_454 : vector<16xi32>
        %parallel_loop3A_456 = vector.bitcast %parallel_loop3A_455 : vector<16xi32> to vector<16xf32>
        %parallel_loop3A_457 = arith.constant 1.000000e+00 : f32
        %parallel_loop3A_458 = vector.broadcast %parallel_loop3A_457 : f32 to vector<16xf32>
        %parallel_loop3A_459 = arith.subf %parallel_loop3A_456, %parallel_loop3A_458 : vector<16xf32>
        %parallel_loop3A_460 = arith.constant 1.000000e+00 : f32
        %parallel_loop3A_461 = vector.broadcast %parallel_loop3A_460 : f32 to vector<16xf32>
        %parallel_loop3A_462 = arith.addf %parallel_loop3A_456, %parallel_loop3A_461 : vector<16xf32>
        %parallel_loop3A_463 = arith.divf %parallel_loop3A_459, %parallel_loop3A_462 : vector<16xf32>
        %parallel_loop3A_464 = arith.mulf %parallel_loop3A_463, %parallel_loop3A_463 : vector<16xf32>
        %parallel_loop3A_465 = arith.constant 4.000000e-01 : f32
        %parallel_loop3A_466 = vector.broadcast %parallel_loop3A_465 : f32 to vector<16xf32>
        %parallel_loop3A_467 = arith.mulf %parallel_loop3A_464, %parallel_loop3A_466 : vector<16xf32>
        %parallel_loop3A_468 = arith.constant 0.666666686 : f32
        %parallel_loop3A_469 = vector.broadcast %parallel_loop3A_468 : f32 to vector<16xf32>
        %parallel_loop3A_470 = arith.addf %parallel_loop3A_469, %parallel_loop3A_467 : vector<16xf32>
        %parallel_loop3A_471 = arith.mulf %parallel_loop3A_464, %parallel_loop3A_470 : vector<16xf32>
        %parallel_loop3A_472 = arith.constant 2.000000e+00 : f32
        %parallel_loop3A_473 = vector.broadcast %parallel_loop3A_472 : f32 to vector<16xf32>
        %parallel_loop3A_474 = arith.addf %parallel_loop3A_473, %parallel_loop3A_471 : vector<16xf32>
        %parallel_loop3A_475 = arith.sitofp %parallel_loop3A_449 : vector<16xi32> to vector<16xf32>
        %parallel_loop3A_476 = arith.constant 0.693147182 : f32
        %parallel_loop3A_477 = vector.broadcast %parallel_loop3A_476 : f32 to vector<16xf32>
        %parallel_loop3A_478 = arith.mulf %parallel_loop3A_475, %parallel_loop3A_477 : vector<16xf32>
        %parallel_loop3A_479 = arith.mulf %parallel_loop3A_463, %parallel_loop3A_474 : vector<16xf32>
        %parallel_loop3A_480 = arith.addf %parallel_loop3A_478, %parallel_loop3A_479 : vector<16xf32>
        %parallel_loop3A_481 = arith.index_cast %parallel_loop3A_360 : i32 to index
        %parallel_loop3A_482 = tpu.vector_load %arg22[%parallel_loop3A_481] {strides = array<i32>} : memref<512xf32, #tpu.memory_space<vmem>>, vector<16xf32>,
        tpu.vector_store %arg22[%parallel_loop3A_481], %parallel_loop3A_480 {strides = array<i32>} : memref<512xf32, #tpu.memory_space<vmem>>, vector<16xf32>,
      } {sc.loop_unroll_factor = 4 : i64, sc.parallel_access}
      %add3A_147 = arith.addi %mul3A_2, %add3A_112 : i32
      %mul3A_148 = arith.constant 512 : i32
      %mul3A_149 = arith.muli %add3A_147, %mul3A_148 : i32
      %dma_start3A_150 = arith.constant 0 : i32
      %dma_start3A_151 = tpu.memref_slice %arg9[%mul3A_149] : memref<1638400xf32, #tpu.memory_space<hbm>> -> memref<512xf32, #tpu.memory_space<hbm>>
      %dma_start3A_152 = tpu.memref_slice %arg30[%dma_start3A_150] : memref<2x!tpu.dma_semaphore, #tpu.memory_space<semaphore_mem>> -> memref<1x!tpu.dma_semaphore, #tpu.memory_space<semaphore_mem>>
      %dma_start3A_153 = tpu.memref_squeeze %dma_start3A_152 : memref<1x!tpu.dma_semaphore, #tpu.memory_space<semaphore_mem>> -> memref<!tpu.dma_semaphore, #tpu.memory_space<semaphore_mem>>
      %dma_start3A_154 = tpu.memref_slice %arg9[%mul3A_149] : memref<1638400xf32, #tpu.memory_space<hbm>> -> memref<512xf32, #tpu.memory_space<hbm>>
      tpu.enqueue_dma source(%arg21 : memref<512xf32, #tpu.memory_space<vmem>>) target(%dma_start3A_154 : memref<512xf32, #tpu.memory_space<hbm>>) target_semaphore(%dma_start3A_153 : memref<!tpu.dma_semaphore, #tpu.memory_space<semaphore_mem>>)
      %dma_start3A_155 = arith.constant 0 : i32
      %dma_start3A_156 = tpu.memref_slice %arg10[%mul3A_149] : memref<1638400xf32, #tpu.memory_space<hbm>> -> memref<512xf32, #tpu.memory_space<hbm>>
      %dma_start3A_157 = tpu.memref_slice %arg30[%dma_start3A_155] : memref<2x!tpu.dma_semaphore, #tpu.memory_space<semaphore_mem>> -> memref<1x!tpu.dma_semaphore, #tpu.memory_space<semaphore_mem>>
      %dma_start3A_158 = tpu.memref_squeeze %dma_start3A_157 : memref<1x!tpu.dma_semaphore, #tpu.memory_space<semaphore_mem>> -> memref<!tpu.dma_semaphore, #tpu.memory_space<semaphore_mem>>
      %dma_start3A_159 = tpu.memref_slice %arg10[%mul3A_149] : memref<1638400xf32, #tpu.memory_space<hbm>> -> memref<512xf32, #tpu.memory_space<hbm>>
      tpu.enqueue_dma source(%arg22 : memref<512xf32, #tpu.memory_space<vmem>>) target(%dma_start3A_159 : memref<512xf32, #tpu.memory_space<hbm>>) target_semaphore(%dma_start3A_158 : memref<!tpu.dma_semaphore, #tpu.memory_space<semaphore_mem>>)
      %dma_start3A_160 = arith.constant 0 : i32
      %dma_start3A_161 = arith.constant 0 : i32
      %dma_start3A_162 = tpu.memref_slice %arg28[%dma_start3A_161] : memref<100096xf32, #tpu.memory_space<vmem_shared>> -> memref<100096xf32, #tpu.memory_space<vmem_shared>>
      %dma_start3A_163 = tpu.memref_slice %arg31[%dma_start3A_160] : memref<2x!tpu.dma_semaphore, #tpu.memory_space<semaphore_mem>> -> memref<1x!tpu.dma_semaphore, #tpu.memory_space<semaphore_mem>>
      %dma_start3A_164 = tpu.memref_squeeze %dma_start3A_163 : memref<1x!tpu.dma_semaphore, #tpu.memory_space<semaphore_mem>> -> memref<!tpu.dma_semaphore, #tpu.memory_space<semaphore_mem>>
      tpu.enqueue_indirect_dma source(%arg22 : memref<512xf32, #tpu.memory_space<vmem>>) target(%dma_start3A_162 : memref<100096xf32, #tpu.memory_space<vmem_shared>>) offsets(%arg14 : memref<512xi32, #tpu.memory_space<vmem>>) semaphore(%dma_start3A_164 : memref<!tpu.dma_semaphore, #tpu.memory_space<semaphore_mem>>) {add = true}
      %add3A_165 = arith.constant 2 : i32
      %add3A_166 = arith.addi %add3A_112, %add3A_165 : i32
      %lt3A = arith.constant 100 : i32
      %lt3A_167 = arith.cmpi slt, %add3A_166, %lt3A : i32
      %convert_element_type3A_168 = arith.extui %lt3A_167 : i1 to i32
      %cond3A_169 = arith.constant 0 : i32
      %cond3A_170 = arith.cmpi ne, %convert_element_type3A_168, %cond3A_169 : i32
      scf.if %cond3A_170 {
        %add3A_360 = arith.constant 2 : i32
        %add3A_361 = arith.addi %add3A_112, %add3A_360 : i32
        %add3A_362 = arith.addi %mul3A_2, %add3A_361 : i32
        %mul3A_363 = arith.constant 512 : i32
        %mul3A_364 = arith.muli %add3A_362, %mul3A_363 : i32
        %dma_start3A_365 = arith.constant 0 : i32
        %dma_start3A_366 = tpu.memref_slice %arg3[%mul3A_364] : memref<1638400xi32, #tpu.memory_space<hbm>> -> memref<512xi32, #tpu.memory_space<hbm>>
        %dma_start3A_367 = tpu.memref_slice %arg29[%dma_start3A_365] : memref<2x!tpu.dma_semaphore, #tpu.memory_space<semaphore_mem>> -> memref<1x!tpu.dma_semaphore, #tpu.memory_space<semaphore_mem>>
        %dma_start3A_368 = tpu.memref_squeeze %dma_start3A_367 : memref<1x!tpu.dma_semaphore, #tpu.memory_space<semaphore_mem>> -> memref<!tpu.dma_semaphore, #tpu.memory_space<semaphore_mem>>
        %dma_start3A_369 = tpu.memref_slice %arg3[%mul3A_364] : memref<1638400xi32, #tpu.memory_space<hbm>> -> memref<512xi32, #tpu.memory_space<hbm>>
        tpu.enqueue_dma source(%dma_start3A_369 : memref<512xi32, #tpu.memory_space<hbm>>) target(%arg16 : memref<512xi32, #tpu.memory_space<vmem>>) target_semaphore(%dma_start3A_368 : memref<!tpu.dma_semaphore, #tpu.memory_space<semaphore_mem>>)
        %dma_start3A_370 = arith.constant 0 : i32
        %dma_start3A_371 = tpu.memref_slice %arg4[%mul3A_364] : memref<1638400xi32, #tpu.memory_space<hbm>> -> memref<512xi32, #tpu.memory_space<hbm>>
        %dma_start3A_372 = tpu.memref_slice %arg29[%dma_start3A_370] : memref<2x!tpu.dma_semaphore, #tpu.memory_space<semaphore_mem>> -> memref<1x!tpu.dma_semaphore, #tpu.memory_space<semaphore_mem>>
        %dma_start3A_373 = tpu.memref_squeeze %dma_start3A_372 : memref<1x!tpu.dma_semaphore, #tpu.memory_space<semaphore_mem>> -> memref<!tpu.dma_semaphore, #tpu.memory_space<semaphore_mem>>
        %dma_start3A_374 = tpu.memref_slice %arg4[%mul3A_364] : memref<1638400xi32, #tpu.memory_space<hbm>> -> memref<512xi32, #tpu.memory_space<hbm>>
        tpu.enqueue_dma source(%dma_start3A_374 : memref<512xi32, #tpu.memory_space<hbm>>) target(%arg18 : memref<512xi32, #tpu.memory_space<vmem>>) target_semaphore(%dma_start3A_373 : memref<!tpu.dma_semaphore, #tpu.memory_space<semaphore_mem>>)
        %dma_start3A_375 = arith.constant 0 : i32
        %dma_start3A_376 = tpu.memref_slice %arg5[%mul3A_364] : memref<1638400xf32, #tpu.memory_space<hbm>> -> memref<512xf32, #tpu.memory_space<hbm>>
        %dma_start3A_377 = tpu.memref_slice %arg29[%dma_start3A_375] : memref<2x!tpu.dma_semaphore, #tpu.memory_space<semaphore_mem>> -> memref<1x!tpu.dma_semaphore, #tpu.memory_space<semaphore_mem>>
        %dma_start3A_378 = tpu.memref_squeeze %dma_start3A_377 : memref<1x!tpu.dma_semaphore, #tpu.memory_space<semaphore_mem>> -> memref<!tpu.dma_semaphore, #tpu.memory_space<semaphore_mem>>
        %dma_start3A_379 = tpu.memref_slice %arg5[%mul3A_364] : memref<1638400xf32, #tpu.memory_space<hbm>> -> memref<512xf32, #tpu.memory_space<hbm>>
        tpu.enqueue_dma source(%dma_start3A_379 : memref<512xf32, #tpu.memory_space<hbm>>) target(%arg19 : memref<512xf32, #tpu.memory_space<vmem>>) target_semaphore(%dma_start3A_378 : memref<!tpu.dma_semaphore, #tpu.memory_space<semaphore_mem>>)
        %dma_start3A_380 = arith.constant 0 : i32
        %dma_start3A_381 = tpu.memref_slice %arg6[%mul3A_364] : memref<1638400xf32, #tpu.memory_space<hbm>> -> memref<512xf32, #tpu.memory_space<hbm>>
        %dma_start3A_382 = tpu.memref_slice %arg29[%dma_start3A_380] : memref<2x!tpu.dma_semaphore, #tpu.memory_space<semaphore_mem>> -> memref<1x!tpu.dma_semaphore, #tpu.memory_space<semaphore_mem>>
        %dma_start3A_383 = tpu.memref_squeeze %dma_start3A_382 : memref<1x!tpu.dma_semaphore, #tpu.memory_space<semaphore_mem>> -> memref<!tpu.dma_semaphore, #tpu.memory_space<semaphore_mem>>
        %dma_start3A_384 = tpu.memref_slice %arg6[%mul3A_364] : memref<1638400xf32, #tpu.memory_space<hbm>> -> memref<512xf32, #tpu.memory_space<hbm>>
        tpu.enqueue_dma source(%dma_start3A_384 : memref<512xf32, #tpu.memory_space<hbm>>) target(%arg20 : memref<512xf32, #tpu.memory_space<vmem>>) target_semaphore(%dma_start3A_383 : memref<!tpu.dma_semaphore, #tpu.memory_space<semaphore_mem>>)
      } else {
      }
      %add3A_171 = arith.constant 1 : i32
      %add3A_172 = arith.addi %add3A_110, %add3A_171 : i32
      %dma_wait3A_173 = arith.constant 1 : i32
      %dma_wait3A_174 = arith.constant 0 : i32
      %dma_wait3A_175 = tpu.memref_slice %arg3[%dma_wait3A_174] : memref<1638400xi32, #tpu.memory_space<hbm>> -> memref<512xi32, #tpu.memory_space<hbm>>
      %dma_wait3A_176 = tpu.memref_slice %arg29[%dma_wait3A_173] : memref<2x!tpu.dma_semaphore, #tpu.memory_space<semaphore_mem>> -> memref<1x!tpu.dma_semaphore, #tpu.memory_space<semaphore_mem>>
      %dma_wait3A_177 = tpu.memref_squeeze %dma_wait3A_176 : memref<1x!tpu.dma_semaphore, #tpu.memory_space<semaphore_mem>> -> memref<!tpu.dma_semaphore, #tpu.memory_space<semaphore_mem>>
      %dma_wait3A_178 = arith.constant 0 : i32
      %dma_wait3A_179 = tpu.memref_slice %arg3[%dma_wait3A_178] : memref<1638400xi32, #tpu.memory_space<hbm>> -> memref<512xi32, #tpu.memory_space<hbm>>
      tpu.wait_dma2 semaphore(%dma_wait3A_177 : memref<!tpu.dma_semaphore, #tpu.memory_space<semaphore_mem>>) src(%dma_wait3A_179 : memref<512xi32, #tpu.memory_space<hbm>>) dst(%arg15 : memref<512xi32, #tpu.memory_space<vmem>>)
      %dma_wait3A_180 = arith.constant 1 : i32
      %dma_wait3A_181 = arith.constant 0 : i32
      %dma_wait3A_182 = tpu.memref_slice %arg4[%dma_wait3A_181] : memref<1638400xi32, #tpu.memory_space<hbm>> -> memref<512xi32, #tpu.memory_space<hbm>>
      %dma_wait3A_183 = tpu.memref_slice %arg29[%dma_wait3A_180] : memref<2x!tpu.dma_semaphore, #tpu.memory_space<semaphore_mem>> -> memref<1x!tpu.dma_semaphore, #tpu.memory_space<semaphore_mem>>
      %dma_wait3A_184 = tpu.memref_squeeze %dma_wait3A_183 : memref<1x!tpu.dma_semaphore, #tpu.memory_space<semaphore_mem>> -> memref<!tpu.dma_semaphore, #tpu.memory_space<semaphore_mem>>
      %dma_wait3A_185 = arith.constant 0 : i32
      %dma_wait3A_186 = tpu.memref_slice %arg4[%dma_wait3A_185] : memref<1638400xi32, #tpu.memory_space<hbm>> -> memref<512xi32, #tpu.memory_space<hbm>>
      tpu.wait_dma2 semaphore(%dma_wait3A_184 : memref<!tpu.dma_semaphore, #tpu.memory_space<semaphore_mem>>) src(%dma_wait3A_186 : memref<512xi32, #tpu.memory_space<hbm>>) dst(%arg23 : memref<512xi32, #tpu.memory_space<vmem>>)
      %dma_wait3A_187 = arith.constant 1 : i32
      %dma_wait3A_188 = arith.constant 0 : i32
      %dma_wait3A_189 = tpu.memref_slice %arg5[%dma_wait3A_188] : memref<1638400xf32, #tpu.memory_space<hbm>> -> memref<512xf32, #tpu.memory_space<hbm>>
      %dma_wait3A_190 = tpu.memref_slice %arg29[%dma_wait3A_187] : memref<2x!tpu.dma_semaphore, #tpu.memory_space<semaphore_mem>> -> memref<1x!tpu.dma_semaphore, #tpu.memory_space<semaphore_mem>>
      %dma_wait3A_191 = tpu.memref_squeeze %dma_wait3A_190 : memref<1x!tpu.dma_semaphore, #tpu.memory_space<semaphore_mem>> -> memref<!tpu.dma_semaphore, #tpu.memory_space<semaphore_mem>>
      %dma_wait3A_192 = arith.constant 0 : i32
      %dma_wait3A_193 = tpu.memref_slice %arg5[%dma_wait3A_192] : memref<1638400xf32, #tpu.memory_space<hbm>> -> memref<512xf32, #tpu.memory_space<hbm>>
      tpu.wait_dma2 semaphore(%dma_wait3A_191 : memref<!tpu.dma_semaphore, #tpu.memory_space<semaphore_mem>>) src(%dma_wait3A_193 : memref<512xf32, #tpu.memory_space<hbm>>) dst(%arg24 : memref<512xf32, #tpu.memory_space<vmem>>)
      %dma_wait3A_194 = arith.constant 1 : i32
      %dma_wait3A_195 = arith.constant 0 : i32
      %dma_wait3A_196 = tpu.memref_slice %arg6[%dma_wait3A_195] : memref<1638400xf32, #tpu.memory_space<hbm>> -> memref<512xf32, #tpu.memory_space<hbm>>
      %dma_wait3A_197 = tpu.memref_slice %arg29[%dma_wait3A_194] : memref<2x!tpu.dma_semaphore, #tpu.memory_space<semaphore_mem>> -> memref<1x!tpu.dma_semaphore, #tpu.memory_space<semaphore_mem>>
      %dma_wait3A_198 = tpu.memref_squeeze %dma_wait3A_197 : memref<1x!tpu.dma_semaphore, #tpu.memory_space<semaphore_mem>> -> memref<!tpu.dma_semaphore, #tpu.memory_space<semaphore_mem>>
      %dma_wait3A_199 = arith.constant 0 : i32
      %dma_wait3A_200 = tpu.memref_slice %arg6[%dma_wait3A_199] : memref<1638400xf32, #tpu.memory_space<hbm>> -> memref<512xf32, #tpu.memory_space<hbm>>
      tpu.wait_dma2 semaphore(%dma_wait3A_198 : memref<!tpu.dma_semaphore, #tpu.memory_space<semaphore_mem>>) src(%dma_wait3A_200 : memref<512xf32, #tpu.memory_space<hbm>>) dst(%arg25 : memref<512xf32, #tpu.memory_space<vmem>>)
      %ge3A_201 = arith.constant 2 : i32
      %ge3A_202 = arith.cmpi sge, %add3A_172, %ge3A_201 : i32
      %convert_element_type3A_203 = arith.extui %ge3A_202 : i1 to i32
      %cond3A_204 = arith.constant 0 : i32
      %cond3A_205 = arith.cmpi ne, %convert_element_type3A_203, %cond3A_204 : i32
      scf.if %cond3A_205 {
        %dma_wait3A_360 = arith.constant 1 : i32
        %dma_wait3A_361 = arith.constant 0 : i32
        %dma_wait3A_362 = tpu.memref_slice %arg9[%dma_wait3A_361] : memref<1638400xf32, #tpu.memory_space<hbm>> -> memref<512xf32, #tpu.memory_space<hbm>>
        %dma_wait3A_363 = tpu.memref_slice %arg30[%dma_wait3A_360] : memref<2x!tpu.dma_semaphore, #tpu.memory_space<semaphore_mem>> -> memref<1x!tpu.dma_semaphore, #tpu.memory_space<semaphore_mem>>
        %dma_wait3A_364 = tpu.memref_squeeze %dma_wait3A_363 : memref<1x!tpu.dma_semaphore, #tpu.memory_space<semaphore_mem>> -> memref<!tpu.dma_semaphore, #tpu.memory_space<semaphore_mem>>
        %dma_wait3A_365 = arith.constant 0 : i32
        %dma_wait3A_366 = tpu.memref_slice %arg9[%dma_wait3A_365] : memref<1638400xf32, #tpu.memory_space<hbm>> -> memref<512xf32, #tpu.memory_space<hbm>>
        tpu.wait_dma2 semaphore(%dma_wait3A_364 : memref<!tpu.dma_semaphore, #tpu.memory_space<semaphore_mem>>) src(%arg26 : memref<512xf32, #tpu.memory_space<vmem>>) dst(%dma_wait3A_366 : memref<512xf32, #tpu.memory_space<hbm>>)
        %dma_wait3A_367 = arith.constant 1 : i32
        %dma_wait3A_368 = arith.constant 0 : i32
        %dma_wait3A_369 = tpu.memref_slice %arg10[%dma_wait3A_368] : memref<1638400xf32, #tpu.memory_space<hbm>> -> memref<512xf32, #tpu.memory_space<hbm>>
        %dma_wait3A_370 = tpu.memref_slice %arg30[%dma_wait3A_367] : memref<2x!tpu.dma_semaphore, #tpu.memory_space<semaphore_mem>> -> memref<1x!tpu.dma_semaphore, #tpu.memory_space<semaphore_mem>>
        %dma_wait3A_371 = tpu.memref_squeeze %dma_wait3A_370 : memref<1x!tpu.dma_semaphore, #tpu.memory_space<semaphore_mem>> -> memref<!tpu.dma_semaphore, #tpu.memory_space<semaphore_mem>>
        %dma_wait3A_372 = arith.constant 0 : i32
        %dma_wait3A_373 = tpu.memref_slice %arg10[%dma_wait3A_372] : memref<1638400xf32, #tpu.memory_space<hbm>> -> memref<512xf32, #tpu.memory_space<hbm>>
        tpu.wait_dma2 semaphore(%dma_wait3A_371 : memref<!tpu.dma_semaphore, #tpu.memory_space<semaphore_mem>>) src(%arg27 : memref<512xf32, #tpu.memory_space<vmem>>) dst(%dma_wait3A_373 : memref<512xf32, #tpu.memory_space<hbm>>)
        %dma_wait3A_374 = arith.constant 1 : i32
        %dma_wait3A_375 = arith.constant 0 : i32
        %dma_wait3A_376 = tpu.memref_slice %arg28[%dma_wait3A_375] : memref<100096xf32, #tpu.memory_space<vmem_shared>> -> memref<100096xf32, #tpu.memory_space<vmem_shared>>
        %dma_wait3A_377 = tpu.memref_slice %arg31[%dma_wait3A_374] : memref<2x!tpu.dma_semaphore, #tpu.memory_space<semaphore_mem>> -> memref<1x!tpu.dma_semaphore, #tpu.memory_space<semaphore_mem>>
        %dma_wait3A_378 = tpu.memref_squeeze %dma_wait3A_377 : memref<1x!tpu.dma_semaphore, #tpu.memory_space<semaphore_mem>> -> memref<!tpu.dma_semaphore, #tpu.memory_space<semaphore_mem>>
        tpu.wait_indirect_dma semaphore(%dma_wait3A_378 : memref<!tpu.dma_semaphore, #tpu.memory_space<semaphore_mem>>) src(%arg27 : memref<512xf32, #tpu.memory_space<vmem>>) dst(%dma_wait3A_376 : memref<100096xf32, #tpu.memory_space<vmem_shared>>)
      } else {
      }
      %parallel_loop3A_206 = arith.constant 0 : i32
      %parallel_loop3A_207 = arith.constant 512 : i32
      %parallel_loop3A_208 = arith.constant 16 : i32
      scf.for %parallel_loop3A_360 = %parallel_loop3A_206 to %parallel_loop3A_207 step %parallel_loop3A_208  : i32 {
        %parallel_loop3A_361 = arith.index_cast %parallel_loop3A_360 : i32 to index
        %parallel_loop3A_362 = tpu.vector_load %arg15[%parallel_loop3A_361] {strides = array<i32>} : memref<512xi32, #tpu.memory_space<vmem>>, vector<16xi32>,
        %parallel_loop3A_363 = arith.index_cast %parallel_loop3A_360 : i32 to index
        %parallel_loop3A_364 = tpu.vector_load %arg23[%parallel_loop3A_363] {strides = array<i32>} : memref<512xi32, #tpu.memory_space<vmem>>, vector<16xi32>,
        %parallel_loop3A_365 = arith.index_cast %parallel_loop3A_360 : i32 to index
        %parallel_loop3A_366 = tpu.vector_load %arg24[%parallel_loop3A_365] {strides = array<i32>} : memref<512xf32, #tpu.memory_space<vmem>>, vector<16xf32>,
        %parallel_loop3A_367 = arith.index_cast %parallel_loop3A_360 : i32 to index
        %parallel_loop3A_368 = tpu.vector_load %arg25[%parallel_loop3A_367] {strides = array<i32>} : memref<512xf32, #tpu.memory_space<vmem>>, vector<16xf32>,
        %parallel_loop3A_369 = tpu.vector_load_idx %arg12[%parallel_loop3A_362] : memref<100096xf32, #tpu.memory_space<vmem>>[vector<16xi32>], vector<16xf32>,
        %parallel_loop3A_370 = tpu.vector_load_idx %arg12[%parallel_loop3A_364] : memref<100096xf32, #tpu.memory_space<vmem>>[vector<16xi32>], vector<16xf32>,
        %parallel_loop3A_371 = arith.subf %parallel_loop3A_369, %parallel_loop3A_368 : vector<16xf32>
        %parallel_loop3A_372 = arith.constant -2.500000e+01 : f32
        %parallel_loop3A_373 = vector.broadcast %parallel_loop3A_372 : f32 to vector<16xf32>
        %parallel_loop3A_374 = arith.maximumf %parallel_loop3A_371, %parallel_loop3A_373 : vector<16xf32>
        %parallel_loop3A_375 = arith.constant 2.500000e+01 : f32
        %parallel_loop3A_376 = vector.broadcast %parallel_loop3A_375 : f32 to vector<16xf32>
        %parallel_loop3A_377 = arith.minimumf %parallel_loop3A_374, %parallel_loop3A_376 : vector<16xf32>
        %parallel_loop3A_378 = math.exp %parallel_loop3A_377 : vector<16xf32>
        %parallel_loop3A_379 = arith.mulf %get3A_5, %parallel_loop3A_378 : vector<16xf32>
        %parallel_loop3A_380 = arith.addf %parallel_loop3A_379, %get3A_7 : vector<16xf32>
        %parallel_loop3A_381 = arith.mulf %get3A_9, %parallel_loop3A_378 : vector<16xf32>
        %parallel_loop3A_382 = arith.addf %parallel_loop3A_381, %get3A_11 : vector<16xf32>
        %parallel_loop3A_383 = arith.divf %parallel_loop3A_380, %parallel_loop3A_382 : vector<16xf32>
        %parallel_loop3A_384 = vector.bitcast %parallel_loop3A_383 : vector<16xf32> to vector<16xi32>
        %parallel_loop3A_385 = arith.constant 4913933 : i32
        %parallel_loop3A_386 = vector.broadcast %parallel_loop3A_385 : i32 to vector<16xi32>
        %parallel_loop3A_387 = arith.addi %parallel_loop3A_384, %parallel_loop3A_386 : vector<16xi32>
        %parallel_loop3A_388 = arith.constant 23 : i32
        %parallel_loop3A_389 = vector.broadcast %parallel_loop3A_388 : i32 to vector<16xi32>
        %parallel_loop3A_390 = arith.shrsi %parallel_loop3A_387, %parallel_loop3A_389 : vector<16xi32>
        %parallel_loop3A_391 = arith.constant 127 : i32
        %parallel_loop3A_392 = vector.broadcast %parallel_loop3A_391 : i32 to vector<16xi32>
        %parallel_loop3A_393 = arith.subi %parallel_loop3A_390, %parallel_loop3A_392 : vector<16xi32>
        %parallel_loop3A_394 = arith.constant 8388607 : i32
        %parallel_loop3A_395 = vector.broadcast %parallel_loop3A_394 : i32 to vector<16xi32>
        %parallel_loop3A_396 = arith.andi %parallel_loop3A_387, %parallel_loop3A_395 : vector<16xi32>
        %parallel_loop3A_397 = arith.constant 1060439283 : i32
        %parallel_loop3A_398 = vector.broadcast %parallel_loop3A_397 : i32 to vector<16xi32>
        %parallel_loop3A_399 = arith.addi %parallel_loop3A_396, %parallel_loop3A_398 : vector<16xi32>
        %parallel_loop3A_400 = vector.bitcast %parallel_loop3A_399 : vector<16xi32> to vector<16xf32>
        %parallel_loop3A_401 = arith.constant 1.000000e+00 : f32
        %parallel_loop3A_402 = vector.broadcast %parallel_loop3A_401 : f32 to vector<16xf32>
        %parallel_loop3A_403 = arith.subf %parallel_loop3A_400, %parallel_loop3A_402 : vector<16xf32>
        %parallel_loop3A_404 = arith.constant 1.000000e+00 : f32
        %parallel_loop3A_405 = vector.broadcast %parallel_loop3A_404 : f32 to vector<16xf32>
        %parallel_loop3A_406 = arith.addf %parallel_loop3A_400, %parallel_loop3A_405 : vector<16xf32>
        %parallel_loop3A_407 = arith.divf %parallel_loop3A_403, %parallel_loop3A_406 : vector<16xf32>
        %parallel_loop3A_408 = arith.mulf %parallel_loop3A_407, %parallel_loop3A_407 : vector<16xf32>
        %parallel_loop3A_409 = arith.constant 4.000000e-01 : f32
        %parallel_loop3A_410 = vector.broadcast %parallel_loop3A_409 : f32 to vector<16xf32>
        %parallel_loop3A_411 = arith.mulf %parallel_loop3A_408, %parallel_loop3A_410 : vector<16xf32>
        %parallel_loop3A_412 = arith.constant 0.666666686 : f32
        %parallel_loop3A_413 = vector.broadcast %parallel_loop3A_412 : f32 to vector<16xf32>
        %parallel_loop3A_414 = arith.addf %parallel_loop3A_413, %parallel_loop3A_411 : vector<16xf32>
        %parallel_loop3A_415 = arith.mulf %parallel_loop3A_408, %parallel_loop3A_414 : vector<16xf32>
        %parallel_loop3A_416 = arith.constant 2.000000e+00 : f32
        %parallel_loop3A_417 = vector.broadcast %parallel_loop3A_416 : f32 to vector<16xf32>
        %parallel_loop3A_418 = arith.addf %parallel_loop3A_417, %parallel_loop3A_415 : vector<16xf32>
        %parallel_loop3A_419 = arith.sitofp %parallel_loop3A_393 : vector<16xi32> to vector<16xf32>
        %parallel_loop3A_420 = arith.constant 0.693147182 : f32
        %parallel_loop3A_421 = vector.broadcast %parallel_loop3A_420 : f32 to vector<16xf32>
        %parallel_loop3A_422 = arith.mulf %parallel_loop3A_419, %parallel_loop3A_421 : vector<16xf32>
        %parallel_loop3A_423 = arith.mulf %parallel_loop3A_407, %parallel_loop3A_418 : vector<16xf32>
        %parallel_loop3A_424 = arith.addf %parallel_loop3A_422, %parallel_loop3A_423 : vector<16xf32>
        %parallel_loop3A_425 = arith.index_cast %parallel_loop3A_360 : i32 to index
        %parallel_loop3A_426 = tpu.vector_load %arg26[%parallel_loop3A_425] {strides = array<i32>} : memref<512xf32, #tpu.memory_space<vmem>>, vector<16xf32>,
        tpu.vector_store %arg26[%parallel_loop3A_425], %parallel_loop3A_424 {strides = array<i32>} : memref<512xf32, #tpu.memory_space<vmem>>, vector<16xf32>,
        %parallel_loop3A_427 = arith.subf %parallel_loop3A_370, %parallel_loop3A_366 : vector<16xf32>
        %parallel_loop3A_428 = arith.constant -2.500000e+01 : f32
        %parallel_loop3A_429 = vector.broadcast %parallel_loop3A_428 : f32 to vector<16xf32>
        %parallel_loop3A_430 = arith.maximumf %parallel_loop3A_427, %parallel_loop3A_429 : vector<16xf32>
        %parallel_loop3A_431 = arith.constant 2.500000e+01 : f32
        %parallel_loop3A_432 = vector.broadcast %parallel_loop3A_431 : f32 to vector<16xf32>
        %parallel_loop3A_433 = arith.minimumf %parallel_loop3A_430, %parallel_loop3A_432 : vector<16xf32>
        %parallel_loop3A_434 = math.exp %parallel_loop3A_433 : vector<16xf32>
        %parallel_loop3A_435 = arith.mulf %get3A_5, %parallel_loop3A_434 : vector<16xf32>
        %parallel_loop3A_436 = arith.addf %parallel_loop3A_435, %get3A_7 : vector<16xf32>
        %parallel_loop3A_437 = arith.mulf %get3A_9, %parallel_loop3A_434 : vector<16xf32>
        %parallel_loop3A_438 = arith.addf %parallel_loop3A_437, %get3A_11 : vector<16xf32>
        %parallel_loop3A_439 = arith.divf %parallel_loop3A_436, %parallel_loop3A_438 : vector<16xf32>
        %parallel_loop3A_440 = vector.bitcast %parallel_loop3A_439 : vector<16xf32> to vector<16xi32>
        %parallel_loop3A_441 = arith.constant 4913933 : i32
        %parallel_loop3A_442 = vector.broadcast %parallel_loop3A_441 : i32 to vector<16xi32>
        %parallel_loop3A_443 = arith.addi %parallel_loop3A_440, %parallel_loop3A_442 : vector<16xi32>
        %parallel_loop3A_444 = arith.constant 23 : i32
        %parallel_loop3A_445 = vector.broadcast %parallel_loop3A_444 : i32 to vector<16xi32>
        %parallel_loop3A_446 = arith.shrsi %parallel_loop3A_443, %parallel_loop3A_445 : vector<16xi32>
        %parallel_loop3A_447 = arith.constant 127 : i32
        %parallel_loop3A_448 = vector.broadcast %parallel_loop3A_447 : i32 to vector<16xi32>
        %parallel_loop3A_449 = arith.subi %parallel_loop3A_446, %parallel_loop3A_448 : vector<16xi32>
        %parallel_loop3A_450 = arith.constant 8388607 : i32
        %parallel_loop3A_451 = vector.broadcast %parallel_loop3A_450 : i32 to vector<16xi32>
        %parallel_loop3A_452 = arith.andi %parallel_loop3A_443, %parallel_loop3A_451 : vector<16xi32>
        %parallel_loop3A_453 = arith.constant 1060439283 : i32
        %parallel_loop3A_454 = vector.broadcast %parallel_loop3A_453 : i32 to vector<16xi32>
        %parallel_loop3A_455 = arith.addi %parallel_loop3A_452, %parallel_loop3A_454 : vector<16xi32>
        %parallel_loop3A_456 = vector.bitcast %parallel_loop3A_455 : vector<16xi32> to vector<16xf32>
        %parallel_loop3A_457 = arith.constant 1.000000e+00 : f32
        %parallel_loop3A_458 = vector.broadcast %parallel_loop3A_457 : f32 to vector<16xf32>
        %parallel_loop3A_459 = arith.subf %parallel_loop3A_456, %parallel_loop3A_458 : vector<16xf32>
        %parallel_loop3A_460 = arith.constant 1.000000e+00 : f32
        %parallel_loop3A_461 = vector.broadcast %parallel_loop3A_460 : f32 to vector<16xf32>
        %parallel_loop3A_462 = arith.addf %parallel_loop3A_456, %parallel_loop3A_461 : vector<16xf32>
        %parallel_loop3A_463 = arith.divf %parallel_loop3A_459, %parallel_loop3A_462 : vector<16xf32>
        %parallel_loop3A_464 = arith.mulf %parallel_loop3A_463, %parallel_loop3A_463 : vector<16xf32>
        %parallel_loop3A_465 = arith.constant 4.000000e-01 : f32
        %parallel_loop3A_466 = vector.broadcast %parallel_loop3A_465 : f32 to vector<16xf32>
        %parallel_loop3A_467 = arith.mulf %parallel_loop3A_464, %parallel_loop3A_466 : vector<16xf32>
        %parallel_loop3A_468 = arith.constant 0.666666686 : f32
        %parallel_loop3A_469 = vector.broadcast %parallel_loop3A_468 : f32 to vector<16xf32>
        %parallel_loop3A_470 = arith.addf %parallel_loop3A_469, %parallel_loop3A_467 : vector<16xf32>
        %parallel_loop3A_471 = arith.mulf %parallel_loop3A_464, %parallel_loop3A_470 : vector<16xf32>
        %parallel_loop3A_472 = arith.constant 2.000000e+00 : f32
        %parallel_loop3A_473 = vector.broadcast %parallel_loop3A_472 : f32 to vector<16xf32>
        %parallel_loop3A_474 = arith.addf %parallel_loop3A_473, %parallel_loop3A_471 : vector<16xf32>
        %parallel_loop3A_475 = arith.sitofp %parallel_loop3A_449 : vector<16xi32> to vector<16xf32>
        %parallel_loop3A_476 = arith.constant 0.693147182 : f32
        %parallel_loop3A_477 = vector.broadcast %parallel_loop3A_476 : f32 to vector<16xf32>
        %parallel_loop3A_478 = arith.mulf %parallel_loop3A_475, %parallel_loop3A_477 : vector<16xf32>
        %parallel_loop3A_479 = arith.mulf %parallel_loop3A_463, %parallel_loop3A_474 : vector<16xf32>
        %parallel_loop3A_480 = arith.addf %parallel_loop3A_478, %parallel_loop3A_479 : vector<16xf32>
        %parallel_loop3A_481 = arith.index_cast %parallel_loop3A_360 : i32 to index
        %parallel_loop3A_482 = tpu.vector_load %arg27[%parallel_loop3A_481] {strides = array<i32>} : memref<512xf32, #tpu.memory_space<vmem>>, vector<16xf32>,
        tpu.vector_store %arg27[%parallel_loop3A_481], %parallel_loop3A_480 {strides = array<i32>} : memref<512xf32, #tpu.memory_space<vmem>>, vector<16xf32>,
      } {sc.loop_unroll_factor = 4 : i64, sc.parallel_access}
      %add3A_209 = arith.addi %mul3A_2, %add3A_172 : i32
      %mul3A_210 = arith.constant 512 : i32
      %mul3A_211 = arith.muli %add3A_209, %mul3A_210 : i32
      %dma_start3A_212 = arith.constant 1 : i32
      %dma_start3A_213 = tpu.memref_slice %arg9[%mul3A_211] : memref<1638400xf32, #tpu.memory_space<hbm>> -> memref<512xf32, #tpu.memory_space<hbm>>
      %dma_start3A_214 = tpu.memref_slice %arg30[%dma_start3A_212] : memref<2x!tpu.dma_semaphore, #tpu.memory_space<semaphore_mem>> -> memref<1x!tpu.dma_semaphore, #tpu.memory_space<semaphore_mem>>
      %dma_start3A_215 = tpu.memref_squeeze %dma_start3A_214 : memref<1x!tpu.dma_semaphore, #tpu.memory_space<semaphore_mem>> -> memref<!tpu.dma_semaphore, #tpu.memory_space<semaphore_mem>>
      %dma_start3A_216 = tpu.memref_slice %arg9[%mul3A_211] : memref<1638400xf32, #tpu.memory_space<hbm>> -> memref<512xf32, #tpu.memory_space<hbm>>
      tpu.enqueue_dma source(%arg26 : memref<512xf32, #tpu.memory_space<vmem>>) target(%dma_start3A_216 : memref<512xf32, #tpu.memory_space<hbm>>) target_semaphore(%dma_start3A_215 : memref<!tpu.dma_semaphore, #tpu.memory_space<semaphore_mem>>)
      %dma_start3A_217 = arith.constant 1 : i32
      %dma_start3A_218 = tpu.memref_slice %arg10[%mul3A_211] : memref<1638400xf32, #tpu.memory_space<hbm>> -> memref<512xf32, #tpu.memory_space<hbm>>
      %dma_start3A_219 = tpu.memref_slice %arg30[%dma_start3A_217] : memref<2x!tpu.dma_semaphore, #tpu.memory_space<semaphore_mem>> -> memref<1x!tpu.dma_semaphore, #tpu.memory_space<semaphore_mem>>
      %dma_start3A_220 = tpu.memref_squeeze %dma_start3A_219 : memref<1x!tpu.dma_semaphore, #tpu.memory_space<semaphore_mem>> -> memref<!tpu.dma_semaphore, #tpu.memory_space<semaphore_mem>>
      %dma_start3A_221 = tpu.memref_slice %arg10[%mul3A_211] : memref<1638400xf32, #tpu.memory_space<hbm>> -> memref<512xf32, #tpu.memory_space<hbm>>
      tpu.enqueue_dma source(%arg27 : memref<512xf32, #tpu.memory_space<vmem>>) target(%dma_start3A_221 : memref<512xf32, #tpu.memory_space<hbm>>) target_semaphore(%dma_start3A_220 : memref<!tpu.dma_semaphore, #tpu.memory_space<semaphore_mem>>)
      %dma_start3A_222 = arith.constant 1 : i32
      %dma_start3A_223 = arith.constant 0 : i32
      %dma_start3A_224 = tpu.memref_slice %arg28[%dma_start3A_223] : memref<100096xf32, #tpu.memory_space<vmem_shared>> -> memref<100096xf32, #tpu.memory_space<vmem_shared>>
      %dma_start3A_225 = tpu.memref_slice %arg31[%dma_start3A_222] : memref<2x!tpu.dma_semaphore, #tpu.memory_space<semaphore_mem>> -> memref<1x!tpu.dma_semaphore, #tpu.memory_space<semaphore_mem>>
      %dma_start3A_226 = tpu.memref_squeeze %dma_start3A_225 : memref<1x!tpu.dma_semaphore, #tpu.memory_space<semaphore_mem>> -> memref<!tpu.dma_semaphore, #tpu.memory_space<semaphore_mem>>
      tpu.enqueue_indirect_dma source(%arg27 : memref<512xf32, #tpu.memory_space<vmem>>) target(%dma_start3A_224 : memref<100096xf32, #tpu.memory_space<vmem_shared>>) offsets(%arg15 : memref<512xi32, #tpu.memory_space<vmem>>) semaphore(%dma_start3A_226 : memref<!tpu.dma_semaphore, #tpu.memory_space<semaphore_mem>>) {add = true}
      %add3A_227 = arith.constant 2 : i32
      %add3A_228 = arith.addi %add3A_172, %add3A_227 : i32
      %lt3A_229 = arith.constant 100 : i32
      %lt3A_230 = arith.cmpi slt, %add3A_228, %lt3A_229 : i32
      %convert_element_type3A_231 = arith.extui %lt3A_230 : i1 to i32
      %cond3A_232 = arith.constant 0 : i32
      %cond3A_233 = arith.cmpi ne, %convert_element_type3A_231, %cond3A_232 : i32
      scf.if %cond3A_233 {
        %add3A_360 = arith.constant 2 : i32
        %add3A_361 = arith.addi %add3A_172, %add3A_360 : i32
        %add3A_362 = arith.addi %mul3A_2, %add3A_361 : i32
        %mul3A_363 = arith.constant 512 : i32
        %mul3A_364 = arith.muli %add3A_362, %mul3A_363 : i32
        %dma_start3A_365 = arith.constant 1 : i32
        %dma_start3A_366 = tpu.memref_slice %arg3[%mul3A_364] : memref<1638400xi32, #tpu.memory_space<hbm>> -> memref<512xi32, #tpu.memory_space<hbm>>
        %dma_start3A_367 = tpu.memref_slice %arg29[%dma_start3A_365] : memref<2x!tpu.dma_semaphore, #tpu.memory_space<semaphore_mem>> -> memref<1x!tpu.dma_semaphore, #tpu.memory_space<semaphore_mem>>
        %dma_start3A_368 = tpu.memref_squeeze %dma_start3A_367 : memref<1x!tpu.dma_semaphore, #tpu.memory_space<semaphore_mem>> -> memref<!tpu.dma_semaphore, #tpu.memory_space<semaphore_mem>>
        %dma_start3A_369 = tpu.memref_slice %arg3[%mul3A_364] : memref<1638400xi32, #tpu.memory_space<hbm>> -> memref<512xi32, #tpu.memory_space<hbm>>
        tpu.enqueue_dma source(%dma_start3A_369 : memref<512xi32, #tpu.memory_space<hbm>>) target(%arg17 : memref<512xi32, #tpu.memory_space<vmem>>) target_semaphore(%dma_start3A_368 : memref<!tpu.dma_semaphore, #tpu.memory_space<semaphore_mem>>)
        %dma_start3A_370 = arith.constant 1 : i32
        %dma_start3A_371 = tpu.memref_slice %arg4[%mul3A_364] : memref<1638400xi32, #tpu.memory_space<hbm>> -> memref<512xi32, #tpu.memory_space<hbm>>
        %dma_start3A_372 = tpu.memref_slice %arg29[%dma_start3A_370] : memref<2x!tpu.dma_semaphore, #tpu.memory_space<semaphore_mem>> -> memref<1x!tpu.dma_semaphore, #tpu.memory_space<semaphore_mem>>
        %dma_start3A_373 = tpu.memref_squeeze %dma_start3A_372 : memref<1x!tpu.dma_semaphore, #tpu.memory_space<semaphore_mem>> -> memref<!tpu.dma_semaphore, #tpu.memory_space<semaphore_mem>>
        %dma_start3A_374 = tpu.memref_slice %arg4[%mul3A_364] : memref<1638400xi32, #tpu.memory_space<hbm>> -> memref<512xi32, #tpu.memory_space<hbm>>
        tpu.enqueue_dma source(%dma_start3A_374 : memref<512xi32, #tpu.memory_space<hbm>>) target(%arg23 : memref<512xi32, #tpu.memory_space<vmem>>) target_semaphore(%dma_start3A_373 : memref<!tpu.dma_semaphore, #tpu.memory_space<semaphore_mem>>)
        %dma_start3A_375 = arith.constant 1 : i32
        %dma_start3A_376 = tpu.memref_slice %arg5[%mul3A_364] : memref<1638400xf32, #tpu.memory_space<hbm>> -> memref<512xf32, #tpu.memory_space<hbm>>
        %dma_start3A_377 = tpu.memref_slice %arg29[%dma_start3A_375] : memref<2x!tpu.dma_semaphore, #tpu.memory_space<semaphore_mem>> -> memref<1x!tpu.dma_semaphore, #tpu.memory_space<semaphore_mem>>
        %dma_start3A_378 = tpu.memref_squeeze %dma_start3A_377 : memref<1x!tpu.dma_semaphore, #tpu.memory_space<semaphore_mem>> -> memref<!tpu.dma_semaphore, #tpu.memory_space<semaphore_mem>>
        %dma_start3A_379 = tpu.memref_slice %arg5[%mul3A_364] : memref<1638400xf32, #tpu.memory_space<hbm>> -> memref<512xf32, #tpu.memory_space<hbm>>
        tpu.enqueue_dma source(%dma_start3A_379 : memref<512xf32, #tpu.memory_space<hbm>>) target(%arg24 : memref<512xf32, #tpu.memory_space<vmem>>) target_semaphore(%dma_start3A_378 : memref<!tpu.dma_semaphore, #tpu.memory_space<semaphore_mem>>)
        %dma_start3A_380 = arith.constant 1 : i32
        %dma_start3A_381 = tpu.memref_slice %arg6[%mul3A_364] : memref<1638400xf32, #tpu.memory_space<hbm>> -> memref<512xf32, #tpu.memory_space<hbm>>
        %dma_start3A_382 = tpu.memref_slice %arg29[%dma_start3A_380] : memref<2x!tpu.dma_semaphore, #tpu.memory_space<semaphore_mem>> -> memref<1x!tpu.dma_semaphore, #tpu.memory_space<semaphore_mem>>
        %dma_start3A_383 = tpu.memref_squeeze %dma_start3A_382 : memref<1x!tpu.dma_semaphore, #tpu.memory_space<semaphore_mem>> -> memref<!tpu.dma_semaphore, #tpu.memory_space<semaphore_mem>>
        %dma_start3A_384 = tpu.memref_slice %arg6[%mul3A_364] : memref<1638400xf32, #tpu.memory_space<hbm>> -> memref<512xf32, #tpu.memory_space<hbm>>
        tpu.enqueue_dma source(%dma_start3A_384 : memref<512xf32, #tpu.memory_space<hbm>>) target(%arg25 : memref<512xf32, #tpu.memory_space<vmem>>) target_semaphore(%dma_start3A_383 : memref<!tpu.dma_semaphore, #tpu.memory_space<semaphore_mem>>)
      } else {
      }
      %add3A_234 = arith.constant 2 : i32
      %add3A_235 = arith.addi %add3A_110, %add3A_234 : i32
      %dma_wait3A_236 = arith.constant 0 : i32
      %dma_wait3A_237 = arith.constant 0 : i32
      %dma_wait3A_238 = tpu.memref_slice %arg3[%dma_wait3A_237] : memref<1638400xi32, #tpu.memory_space<hbm>> -> memref<512xi32, #tpu.memory_space<hbm>>
      %dma_wait3A_239 = tpu.memref_slice %arg29[%dma_wait3A_236] : memref<2x!tpu.dma_semaphore, #tpu.memory_space<semaphore_mem>> -> memref<1x!tpu.dma_semaphore, #tpu.memory_space<semaphore_mem>>
      %dma_wait3A_240 = tpu.memref_squeeze %dma_wait3A_239 : memref<1x!tpu.dma_semaphore, #tpu.memory_space<semaphore_mem>> -> memref<!tpu.dma_semaphore, #tpu.memory_space<semaphore_mem>>
      %dma_wait3A_241 = arith.constant 0 : i32
      %dma_wait3A_242 = tpu.memref_slice %arg3[%dma_wait3A_241] : memref<1638400xi32, #tpu.memory_space<hbm>> -> memref<512xi32, #tpu.memory_space<hbm>>
      tpu.wait_dma2 semaphore(%dma_wait3A_240 : memref<!tpu.dma_semaphore, #tpu.memory_space<semaphore_mem>>) src(%dma_wait3A_242 : memref<512xi32, #tpu.memory_space<hbm>>) dst(%arg16 : memref<512xi32, #tpu.memory_space<vmem>>)
      %dma_wait3A_243 = arith.constant 0 : i32
      %dma_wait3A_244 = arith.constant 0 : i32
      %dma_wait3A_245 = tpu.memref_slice %arg4[%dma_wait3A_244] : memref<1638400xi32, #tpu.memory_space<hbm>> -> memref<512xi32, #tpu.memory_space<hbm>>
      %dma_wait3A_246 = tpu.memref_slice %arg29[%dma_wait3A_243] : memref<2x!tpu.dma_semaphore, #tpu.memory_space<semaphore_mem>> -> memref<1x!tpu.dma_semaphore, #tpu.memory_space<semaphore_mem>>
      %dma_wait3A_247 = tpu.memref_squeeze %dma_wait3A_246 : memref<1x!tpu.dma_semaphore, #tpu.memory_space<semaphore_mem>> -> memref<!tpu.dma_semaphore, #tpu.memory_space<semaphore_mem>>
      %dma_wait3A_248 = arith.constant 0 : i32
      %dma_wait3A_249 = tpu.memref_slice %arg4[%dma_wait3A_248] : memref<1638400xi32, #tpu.memory_space<hbm>> -> memref<512xi32, #tpu.memory_space<hbm>>
      tpu.wait_dma2 semaphore(%dma_wait3A_247 : memref<!tpu.dma_semaphore, #tpu.memory_space<semaphore_mem>>) src(%dma_wait3A_249 : memref<512xi32, #tpu.memory_space<hbm>>) dst(%arg18 : memref<512xi32, #tpu.memory_space<vmem>>)
      %dma_wait3A_250 = arith.constant 0 : i32
      %dma_wait3A_251 = arith.constant 0 : i32
      %dma_wait3A_252 = tpu.memref_slice %arg5[%dma_wait3A_251] : memref<1638400xf32, #tpu.memory_space<hbm>> -> memref<512xf32, #tpu.memory_space<hbm>>
      %dma_wait3A_253 = tpu.memref_slice %arg29[%dma_wait3A_250] : memref<2x!tpu.dma_semaphore, #tpu.memory_space<semaphore_mem>> -> memref<1x!tpu.dma_semaphore, #tpu.memory_space<semaphore_mem>>
      %dma_wait3A_254 = tpu.memref_squeeze %dma_wait3A_253 : memref<1x!tpu.dma_semaphore, #tpu.memory_space<semaphore_mem>> -> memref<!tpu.dma_semaphore, #tpu.memory_space<semaphore_mem>>
      %dma_wait3A_255 = arith.constant 0 : i32
      %dma_wait3A_256 = tpu.memref_slice %arg5[%dma_wait3A_255] : memref<1638400xf32, #tpu.memory_space<hbm>> -> memref<512xf32, #tpu.memory_space<hbm>>
      tpu.wait_dma2 semaphore(%dma_wait3A_254 : memref<!tpu.dma_semaphore, #tpu.memory_space<semaphore_mem>>) src(%dma_wait3A_256 : memref<512xf32, #tpu.memory_space<hbm>>) dst(%arg19 : memref<512xf32, #tpu.memory_space<vmem>>)
      %dma_wait3A_257 = arith.constant 0 : i32
      %dma_wait3A_258 = arith.constant 0 : i32
      %dma_wait3A_259 = tpu.memref_slice %arg6[%dma_wait3A_258] : memref<1638400xf32, #tpu.memory_space<hbm>> -> memref<512xf32, #tpu.memory_space<hbm>>
      %dma_wait3A_260 = tpu.memref_slice %arg29[%dma_wait3A_257] : memref<2x!tpu.dma_semaphore, #tpu.memory_space<semaphore_mem>> -> memref<1x!tpu.dma_semaphore, #tpu.memory_space<semaphore_mem>>
      %dma_wait3A_261 = tpu.memref_squeeze %dma_wait3A_260 : memref<1x!tpu.dma_semaphore, #tpu.memory_space<semaphore_mem>> -> memref<!tpu.dma_semaphore, #tpu.memory_space<semaphore_mem>>
      %dma_wait3A_262 = arith.constant 0 : i32
      %dma_wait3A_263 = tpu.memref_slice %arg6[%dma_wait3A_262] : memref<1638400xf32, #tpu.memory_space<hbm>> -> memref<512xf32, #tpu.memory_space<hbm>>
      tpu.wait_dma2 semaphore(%dma_wait3A_261 : memref<!tpu.dma_semaphore, #tpu.memory_space<semaphore_mem>>) src(%dma_wait3A_263 : memref<512xf32, #tpu.memory_space<hbm>>) dst(%arg20 : memref<512xf32, #tpu.memory_space<vmem>>)
      %ge3A_264 = arith.constant 2 : i32
      %ge3A_265 = arith.cmpi sge, %add3A_235, %ge3A_264 : i32
      %convert_element_type3A_266 = arith.extui %ge3A_265 : i1 to i32
      %cond3A_267 = arith.constant 0 : i32
      %cond3A_268 = arith.cmpi ne, %convert_element_type3A_266, %cond3A_267 : i32
      scf.if %cond3A_268 {
        %dma_wait3A_360 = arith.constant 0 : i32
        %dma_wait3A_361 = arith.constant 0 : i32
        %dma_wait3A_362 = tpu.memref_slice %arg9[%dma_wait3A_361] : memref<1638400xf32, #tpu.memory_space<hbm>> -> memref<512xf32, #tpu.memory_space<hbm>>
        %dma_wait3A_363 = tpu.memref_slice %arg30[%dma_wait3A_360] : memref<2x!tpu.dma_semaphore, #tpu.memory_space<semaphore_mem>> -> memref<1x!tpu.dma_semaphore, #tpu.memory_space<semaphore_mem>>
        %dma_wait3A_364 = tpu.memref_squeeze %dma_wait3A_363 : memref<1x!tpu.dma_semaphore, #tpu.memory_space<semaphore_mem>> -> memref<!tpu.dma_semaphore, #tpu.memory_space<semaphore_mem>>
        %dma_wait3A_365 = arith.constant 0 : i32
        %dma_wait3A_366 = tpu.memref_slice %arg9[%dma_wait3A_365] : memref<1638400xf32, #tpu.memory_space<hbm>> -> memref<512xf32, #tpu.memory_space<hbm>>
        tpu.wait_dma2 semaphore(%dma_wait3A_364 : memref<!tpu.dma_semaphore, #tpu.memory_space<semaphore_mem>>) src(%arg21 : memref<512xf32, #tpu.memory_space<vmem>>) dst(%dma_wait3A_366 : memref<512xf32, #tpu.memory_space<hbm>>)
        %dma_wait3A_367 = arith.constant 0 : i32
        %dma_wait3A_368 = arith.constant 0 : i32
        %dma_wait3A_369 = tpu.memref_slice %arg10[%dma_wait3A_368] : memref<1638400xf32, #tpu.memory_space<hbm>> -> memref<512xf32, #tpu.memory_space<hbm>>
        %dma_wait3A_370 = tpu.memref_slice %arg30[%dma_wait3A_367] : memref<2x!tpu.dma_semaphore, #tpu.memory_space<semaphore_mem>> -> memref<1x!tpu.dma_semaphore, #tpu.memory_space<semaphore_mem>>
        %dma_wait3A_371 = tpu.memref_squeeze %dma_wait3A_370 : memref<1x!tpu.dma_semaphore, #tpu.memory_space<semaphore_mem>> -> memref<!tpu.dma_semaphore, #tpu.memory_space<semaphore_mem>>
        %dma_wait3A_372 = arith.constant 0 : i32
        %dma_wait3A_373 = tpu.memref_slice %arg10[%dma_wait3A_372] : memref<1638400xf32, #tpu.memory_space<hbm>> -> memref<512xf32, #tpu.memory_space<hbm>>
        tpu.wait_dma2 semaphore(%dma_wait3A_371 : memref<!tpu.dma_semaphore, #tpu.memory_space<semaphore_mem>>) src(%arg22 : memref<512xf32, #tpu.memory_space<vmem>>) dst(%dma_wait3A_373 : memref<512xf32, #tpu.memory_space<hbm>>)
        %dma_wait3A_374 = arith.constant 0 : i32
        %dma_wait3A_375 = arith.constant 0 : i32
        %dma_wait3A_376 = tpu.memref_slice %arg28[%dma_wait3A_375] : memref<100096xf32, #tpu.memory_space<vmem_shared>> -> memref<100096xf32, #tpu.memory_space<vmem_shared>>
        %dma_wait3A_377 = tpu.memref_slice %arg31[%dma_wait3A_374] : memref<2x!tpu.dma_semaphore, #tpu.memory_space<semaphore_mem>> -> memref<1x!tpu.dma_semaphore, #tpu.memory_space<semaphore_mem>>
        %dma_wait3A_378 = tpu.memref_squeeze %dma_wait3A_377 : memref<1x!tpu.dma_semaphore, #tpu.memory_space<semaphore_mem>> -> memref<!tpu.dma_semaphore, #tpu.memory_space<semaphore_mem>>
        tpu.wait_indirect_dma semaphore(%dma_wait3A_378 : memref<!tpu.dma_semaphore, #tpu.memory_space<semaphore_mem>>) src(%arg22 : memref<512xf32, #tpu.memory_space<vmem>>) dst(%dma_wait3A_376 : memref<100096xf32, #tpu.memory_space<vmem_shared>>)
      } else {
      }
      %parallel_loop3A_269 = arith.constant 0 : i32
      %parallel_loop3A_270 = arith.constant 512 : i32
      %parallel_loop3A_271 = arith.constant 16 : i32
      scf.for %parallel_loop3A_360 = %parallel_loop3A_269 to %parallel_loop3A_270 step %parallel_loop3A_271  : i32 {
        %parallel_loop3A_361 = arith.index_cast %parallel_loop3A_360 : i32 to index
        %parallel_loop3A_362 = tpu.vector_load %arg16[%parallel_loop3A_361] {strides = array<i32>} : memref<512xi32, #tpu.memory_space<vmem>>, vector<16xi32>,
        %parallel_loop3A_363 = arith.index_cast %parallel_loop3A_360 : i32 to index
        %parallel_loop3A_364 = tpu.vector_load %arg18[%parallel_loop3A_363] {strides = array<i32>} : memref<512xi32, #tpu.memory_space<vmem>>, vector<16xi32>,
        %parallel_loop3A_365 = arith.index_cast %parallel_loop3A_360 : i32 to index
        %parallel_loop3A_366 = tpu.vector_load %arg19[%parallel_loop3A_365] {strides = array<i32>} : memref<512xf32, #tpu.memory_space<vmem>>, vector<16xf32>,
        %parallel_loop3A_367 = arith.index_cast %parallel_loop3A_360 : i32 to index
        %parallel_loop3A_368 = tpu.vector_load %arg20[%parallel_loop3A_367] {strides = array<i32>} : memref<512xf32, #tpu.memory_space<vmem>>, vector<16xf32>,
        %parallel_loop3A_369 = tpu.vector_load_idx %arg12[%parallel_loop3A_362] : memref<100096xf32, #tpu.memory_space<vmem>>[vector<16xi32>], vector<16xf32>,
        %parallel_loop3A_370 = tpu.vector_load_idx %arg12[%parallel_loop3A_364] : memref<100096xf32, #tpu.memory_space<vmem>>[vector<16xi32>], vector<16xf32>,
        %parallel_loop3A_371 = arith.subf %parallel_loop3A_369, %parallel_loop3A_368 : vector<16xf32>
        %parallel_loop3A_372 = arith.constant -2.500000e+01 : f32
        %parallel_loop3A_373 = vector.broadcast %parallel_loop3A_372 : f32 to vector<16xf32>
        %parallel_loop3A_374 = arith.maximumf %parallel_loop3A_371, %parallel_loop3A_373 : vector<16xf32>
        %parallel_loop3A_375 = arith.constant 2.500000e+01 : f32
        %parallel_loop3A_376 = vector.broadcast %parallel_loop3A_375 : f32 to vector<16xf32>
        %parallel_loop3A_377 = arith.minimumf %parallel_loop3A_374, %parallel_loop3A_376 : vector<16xf32>
        %parallel_loop3A_378 = math.exp %parallel_loop3A_377 : vector<16xf32>
        %parallel_loop3A_379 = arith.mulf %get3A_5, %parallel_loop3A_378 : vector<16xf32>
        %parallel_loop3A_380 = arith.addf %parallel_loop3A_379, %get3A_7 : vector<16xf32>
        %parallel_loop3A_381 = arith.mulf %get3A_9, %parallel_loop3A_378 : vector<16xf32>
        %parallel_loop3A_382 = arith.addf %parallel_loop3A_381, %get3A_11 : vector<16xf32>
        %parallel_loop3A_383 = arith.divf %parallel_loop3A_380, %parallel_loop3A_382 : vector<16xf32>
        %parallel_loop3A_384 = vector.bitcast %parallel_loop3A_383 : vector<16xf32> to vector<16xi32>
        %parallel_loop3A_385 = arith.constant 4913933 : i32
        %parallel_loop3A_386 = vector.broadcast %parallel_loop3A_385 : i32 to vector<16xi32>
        %parallel_loop3A_387 = arith.addi %parallel_loop3A_384, %parallel_loop3A_386 : vector<16xi32>
        %parallel_loop3A_388 = arith.constant 23 : i32
        %parallel_loop3A_389 = vector.broadcast %parallel_loop3A_388 : i32 to vector<16xi32>
        %parallel_loop3A_390 = arith.shrsi %parallel_loop3A_387, %parallel_loop3A_389 : vector<16xi32>
        %parallel_loop3A_391 = arith.constant 127 : i32
        %parallel_loop3A_392 = vector.broadcast %parallel_loop3A_391 : i32 to vector<16xi32>
        %parallel_loop3A_393 = arith.subi %parallel_loop3A_390, %parallel_loop3A_392 : vector<16xi32>
        %parallel_loop3A_394 = arith.constant 8388607 : i32
        %parallel_loop3A_395 = vector.broadcast %parallel_loop3A_394 : i32 to vector<16xi32>
        %parallel_loop3A_396 = arith.andi %parallel_loop3A_387, %parallel_loop3A_395 : vector<16xi32>
        %parallel_loop3A_397 = arith.constant 1060439283 : i32
        %parallel_loop3A_398 = vector.broadcast %parallel_loop3A_397 : i32 to vector<16xi32>
        %parallel_loop3A_399 = arith.addi %parallel_loop3A_396, %parallel_loop3A_398 : vector<16xi32>
        %parallel_loop3A_400 = vector.bitcast %parallel_loop3A_399 : vector<16xi32> to vector<16xf32>
        %parallel_loop3A_401 = arith.constant 1.000000e+00 : f32
        %parallel_loop3A_402 = vector.broadcast %parallel_loop3A_401 : f32 to vector<16xf32>
        %parallel_loop3A_403 = arith.subf %parallel_loop3A_400, %parallel_loop3A_402 : vector<16xf32>
        %parallel_loop3A_404 = arith.constant 1.000000e+00 : f32
        %parallel_loop3A_405 = vector.broadcast %parallel_loop3A_404 : f32 to vector<16xf32>
        %parallel_loop3A_406 = arith.addf %parallel_loop3A_400, %parallel_loop3A_405 : vector<16xf32>
        %parallel_loop3A_407 = arith.divf %parallel_loop3A_403, %parallel_loop3A_406 : vector<16xf32>
        %parallel_loop3A_408 = arith.mulf %parallel_loop3A_407, %parallel_loop3A_407 : vector<16xf32>
        %parallel_loop3A_409 = arith.constant 4.000000e-01 : f32
        %parallel_loop3A_410 = vector.broadcast %parallel_loop3A_409 : f32 to vector<16xf32>
        %parallel_loop3A_411 = arith.mulf %parallel_loop3A_408, %parallel_loop3A_410 : vector<16xf32>
        %parallel_loop3A_412 = arith.constant 0.666666686 : f32
        %parallel_loop3A_413 = vector.broadcast %parallel_loop3A_412 : f32 to vector<16xf32>
        %parallel_loop3A_414 = arith.addf %parallel_loop3A_413, %parallel_loop3A_411 : vector<16xf32>
        %parallel_loop3A_415 = arith.mulf %parallel_loop3A_408, %parallel_loop3A_414 : vector<16xf32>
        %parallel_loop3A_416 = arith.constant 2.000000e+00 : f32
        %parallel_loop3A_417 = vector.broadcast %parallel_loop3A_416 : f32 to vector<16xf32>
        %parallel_loop3A_418 = arith.addf %parallel_loop3A_417, %parallel_loop3A_415 : vector<16xf32>
        %parallel_loop3A_419 = arith.sitofp %parallel_loop3A_393 : vector<16xi32> to vector<16xf32>
        %parallel_loop3A_420 = arith.constant 0.693147182 : f32
        %parallel_loop3A_421 = vector.broadcast %parallel_loop3A_420 : f32 to vector<16xf32>
        %parallel_loop3A_422 = arith.mulf %parallel_loop3A_419, %parallel_loop3A_421 : vector<16xf32>
        %parallel_loop3A_423 = arith.mulf %parallel_loop3A_407, %parallel_loop3A_418 : vector<16xf32>
        %parallel_loop3A_424 = arith.addf %parallel_loop3A_422, %parallel_loop3A_423 : vector<16xf32>
        %parallel_loop3A_425 = arith.index_cast %parallel_loop3A_360 : i32 to index
        %parallel_loop3A_426 = tpu.vector_load %arg21[%parallel_loop3A_425] {strides = array<i32>} : memref<512xf32, #tpu.memory_space<vmem>>, vector<16xf32>,
        tpu.vector_store %arg21[%parallel_loop3A_425], %parallel_loop3A_424 {strides = array<i32>} : memref<512xf32, #tpu.memory_space<vmem>>, vector<16xf32>,
        %parallel_loop3A_427 = arith.subf %parallel_loop3A_370, %parallel_loop3A_366 : vector<16xf32>
        %parallel_loop3A_428 = arith.constant -2.500000e+01 : f32
        %parallel_loop3A_429 = vector.broadcast %parallel_loop3A_428 : f32 to vector<16xf32>
        %parallel_loop3A_430 = arith.maximumf %parallel_loop3A_427, %parallel_loop3A_429 : vector<16xf32>
        %parallel_loop3A_431 = arith.constant 2.500000e+01 : f32
        %parallel_loop3A_432 = vector.broadcast %parallel_loop3A_431 : f32 to vector<16xf32>
        %parallel_loop3A_433 = arith.minimumf %parallel_loop3A_430, %parallel_loop3A_432 : vector<16xf32>
        %parallel_loop3A_434 = math.exp %parallel_loop3A_433 : vector<16xf32>
        %parallel_loop3A_435 = arith.mulf %get3A_5, %parallel_loop3A_434 : vector<16xf32>
        %parallel_loop3A_436 = arith.addf %parallel_loop3A_435, %get3A_7 : vector<16xf32>
        %parallel_loop3A_437 = arith.mulf %get3A_9, %parallel_loop3A_434 : vector<16xf32>
        %parallel_loop3A_438 = arith.addf %parallel_loop3A_437, %get3A_11 : vector<16xf32>
        %parallel_loop3A_439 = arith.divf %parallel_loop3A_436, %parallel_loop3A_438 : vector<16xf32>
        %parallel_loop3A_440 = vector.bitcast %parallel_loop3A_439 : vector<16xf32> to vector<16xi32>
        %parallel_loop3A_441 = arith.constant 4913933 : i32
        %parallel_loop3A_442 = vector.broadcast %parallel_loop3A_441 : i32 to vector<16xi32>
        %parallel_loop3A_443 = arith.addi %parallel_loop3A_440, %parallel_loop3A_442 : vector<16xi32>
        %parallel_loop3A_444 = arith.constant 23 : i32
        %parallel_loop3A_445 = vector.broadcast %parallel_loop3A_444 : i32 to vector<16xi32>
        %parallel_loop3A_446 = arith.shrsi %parallel_loop3A_443, %parallel_loop3A_445 : vector<16xi32>
        %parallel_loop3A_447 = arith.constant 127 : i32
        %parallel_loop3A_448 = vector.broadcast %parallel_loop3A_447 : i32 to vector<16xi32>
        %parallel_loop3A_449 = arith.subi %parallel_loop3A_446, %parallel_loop3A_448 : vector<16xi32>
        %parallel_loop3A_450 = arith.constant 8388607 : i32
        %parallel_loop3A_451 = vector.broadcast %parallel_loop3A_450 : i32 to vector<16xi32>
        %parallel_loop3A_452 = arith.andi %parallel_loop3A_443, %parallel_loop3A_451 : vector<16xi32>
        %parallel_loop3A_453 = arith.constant 1060439283 : i32
        %parallel_loop3A_454 = vector.broadcast %parallel_loop3A_453 : i32 to vector<16xi32>
        %parallel_loop3A_455 = arith.addi %parallel_loop3A_452, %parallel_loop3A_454 : vector<16xi32>
        %parallel_loop3A_456 = vector.bitcast %parallel_loop3A_455 : vector<16xi32> to vector<16xf32>
        %parallel_loop3A_457 = arith.constant 1.000000e+00 : f32
        %parallel_loop3A_458 = vector.broadcast %parallel_loop3A_457 : f32 to vector<16xf32>
        %parallel_loop3A_459 = arith.subf %parallel_loop3A_456, %parallel_loop3A_458 : vector<16xf32>
        %parallel_loop3A_460 = arith.constant 1.000000e+00 : f32
        %parallel_loop3A_461 = vector.broadcast %parallel_loop3A_460 : f32 to vector<16xf32>
        %parallel_loop3A_462 = arith.addf %parallel_loop3A_456, %parallel_loop3A_461 : vector<16xf32>
        %parallel_loop3A_463 = arith.divf %parallel_loop3A_459, %parallel_loop3A_462 : vector<16xf32>
        %parallel_loop3A_464 = arith.mulf %parallel_loop3A_463, %parallel_loop3A_463 : vector<16xf32>
        %parallel_loop3A_465 = arith.constant 4.000000e-01 : f32
        %parallel_loop3A_466 = vector.broadcast %parallel_loop3A_465 : f32 to vector<16xf32>
        %parallel_loop3A_467 = arith.mulf %parallel_loop3A_464, %parallel_loop3A_466 : vector<16xf32>
        %parallel_loop3A_468 = arith.constant 0.666666686 : f32
        %parallel_loop3A_469 = vector.broadcast %parallel_loop3A_468 : f32 to vector<16xf32>
        %parallel_loop3A_470 = arith.addf %parallel_loop3A_469, %parallel_loop3A_467 : vector<16xf32>
        %parallel_loop3A_471 = arith.mulf %parallel_loop3A_464, %parallel_loop3A_470 : vector<16xf32>
        %parallel_loop3A_472 = arith.constant 2.000000e+00 : f32
        %parallel_loop3A_473 = vector.broadcast %parallel_loop3A_472 : f32 to vector<16xf32>
        %parallel_loop3A_474 = arith.addf %parallel_loop3A_473, %parallel_loop3A_471 : vector<16xf32>
        %parallel_loop3A_475 = arith.sitofp %parallel_loop3A_449 : vector<16xi32> to vector<16xf32>
        %parallel_loop3A_476 = arith.constant 0.693147182 : f32
        %parallel_loop3A_477 = vector.broadcast %parallel_loop3A_476 : f32 to vector<16xf32>
        %parallel_loop3A_478 = arith.mulf %parallel_loop3A_475, %parallel_loop3A_477 : vector<16xf32>
        %parallel_loop3A_479 = arith.mulf %parallel_loop3A_463, %parallel_loop3A_474 : vector<16xf32>
        %parallel_loop3A_480 = arith.addf %parallel_loop3A_478, %parallel_loop3A_479 : vector<16xf32>
        %parallel_loop3A_481 = arith.index_cast %parallel_loop3A_360 : i32 to index
        %parallel_loop3A_482 = tpu.vector_load %arg22[%parallel_loop3A_481] {strides = array<i32>} : memref<512xf32, #tpu.memory_space<vmem>>, vector<16xf32>,
        tpu.vector_store %arg22[%parallel_loop3A_481], %parallel_loop3A_480 {strides = array<i32>} : memref<512xf32, #tpu.memory_space<vmem>>, vector<16xf32>,
      } {sc.loop_unroll_factor = 4 : i64, sc.parallel_access}
      %add3A_272 = arith.addi %mul3A_2, %add3A_235 : i32
      %mul3A_273 = arith.constant 512 : i32
      %mul3A_274 = arith.muli %add3A_272, %mul3A_273 : i32
      %dma_start3A_275 = arith.constant 0 : i32
      %dma_start3A_276 = tpu.memref_slice %arg9[%mul3A_274] : memref<1638400xf32, #tpu.memory_space<hbm>> -> memref<512xf32, #tpu.memory_space<hbm>>
      %dma_start3A_277 = tpu.memref_slice %arg30[%dma_start3A_275] : memref<2x!tpu.dma_semaphore, #tpu.memory_space<semaphore_mem>> -> memref<1x!tpu.dma_semaphore, #tpu.memory_space<semaphore_mem>>
      %dma_start3A_278 = tpu.memref_squeeze %dma_start3A_277 : memref<1x!tpu.dma_semaphore, #tpu.memory_space<semaphore_mem>> -> memref<!tpu.dma_semaphore, #tpu.memory_space<semaphore_mem>>
      %dma_start3A_279 = tpu.memref_slice %arg9[%mul3A_274] : memref<1638400xf32, #tpu.memory_space<hbm>> -> memref<512xf32, #tpu.memory_space<hbm>>
      tpu.enqueue_dma source(%arg21 : memref<512xf32, #tpu.memory_space<vmem>>) target(%dma_start3A_279 : memref<512xf32, #tpu.memory_space<hbm>>) target_semaphore(%dma_start3A_278 : memref<!tpu.dma_semaphore, #tpu.memory_space<semaphore_mem>>)
      %dma_start3A_280 = arith.constant 0 : i32
      %dma_start3A_281 = tpu.memref_slice %arg10[%mul3A_274] : memref<1638400xf32, #tpu.memory_space<hbm>> -> memref<512xf32, #tpu.memory_space<hbm>>
      %dma_start3A_282 = tpu.memref_slice %arg30[%dma_start3A_280] : memref<2x!tpu.dma_semaphore, #tpu.memory_space<semaphore_mem>> -> memref<1x!tpu.dma_semaphore, #tpu.memory_space<semaphore_mem>>
      %dma_start3A_283 = tpu.memref_squeeze %dma_start3A_282 : memref<1x!tpu.dma_semaphore, #tpu.memory_space<semaphore_mem>> -> memref<!tpu.dma_semaphore, #tpu.memory_space<semaphore_mem>>
      %dma_start3A_284 = tpu.memref_slice %arg10[%mul3A_274] : memref<1638400xf32, #tpu.memory_space<hbm>> -> memref<512xf32, #tpu.memory_space<hbm>>
      tpu.enqueue_dma source(%arg22 : memref<512xf32, #tpu.memory_space<vmem>>) target(%dma_start3A_284 : memref<512xf32, #tpu.memory_space<hbm>>) target_semaphore(%dma_start3A_283 : memref<!tpu.dma_semaphore, #tpu.memory_space<semaphore_mem>>)
      %dma_start3A_285 = arith.constant 0 : i32
      %dma_start3A_286 = arith.constant 0 : i32
      %dma_start3A_287 = tpu.memref_slice %arg28[%dma_start3A_286] : memref<100096xf32, #tpu.memory_space<vmem_shared>> -> memref<100096xf32, #tpu.memory_space<vmem_shared>>
      %dma_start3A_288 = tpu.memref_slice %arg31[%dma_start3A_285] : memref<2x!tpu.dma_semaphore, #tpu.memory_space<semaphore_mem>> -> memref<1x!tpu.dma_semaphore, #tpu.memory_space<semaphore_mem>>
      %dma_start3A_289 = tpu.memref_squeeze %dma_start3A_288 : memref<1x!tpu.dma_semaphore, #tpu.memory_space<semaphore_mem>> -> memref<!tpu.dma_semaphore, #tpu.memory_space<semaphore_mem>>
      tpu.enqueue_indirect_dma source(%arg22 : memref<512xf32, #tpu.memory_space<vmem>>) target(%dma_start3A_287 : memref<100096xf32, #tpu.memory_space<vmem_shared>>) offsets(%arg16 : memref<512xi32, #tpu.memory_space<vmem>>) semaphore(%dma_start3A_289 : memref<!tpu.dma_semaphore, #tpu.memory_space<semaphore_mem>>) {add = true}
      %add3A_290 = arith.constant 2 : i32
      %add3A_291 = arith.addi %add3A_235, %add3A_290 : i32
      %lt3A_292 = arith.constant 100 : i32
      %lt3A_293 = arith.cmpi slt, %add3A_291, %lt3A_292 : i32
      %convert_element_type3A_294 = arith.extui %lt3A_293 : i1 to i32
      %cond3A_295 = arith.constant 0 : i32
      %cond3A_296 = arith.cmpi ne, %convert_element_type3A_294, %cond3A_295 : i32
      scf.if %cond3A_296 {
        %add3A_360 = arith.constant 2 : i32
        %add3A_361 = arith.addi %add3A_235, %add3A_360 : i32
        %add3A_362 = arith.addi %mul3A_2, %add3A_361 : i32
        %mul3A_363 = arith.constant 512 : i32
        %mul3A_364 = arith.muli %add3A_362, %mul3A_363 : i32
        %dma_start3A_365 = arith.constant 0 : i32
        %dma_start3A_366 = tpu.memref_slice %arg3[%mul3A_364] : memref<1638400xi32, #tpu.memory_space<hbm>> -> memref<512xi32, #tpu.memory_space<hbm>>
        %dma_start3A_367 = tpu.memref_slice %arg29[%dma_start3A_365] : memref<2x!tpu.dma_semaphore, #tpu.memory_space<semaphore_mem>> -> memref<1x!tpu.dma_semaphore, #tpu.memory_space<semaphore_mem>>
        %dma_start3A_368 = tpu.memref_squeeze %dma_start3A_367 : memref<1x!tpu.dma_semaphore, #tpu.memory_space<semaphore_mem>> -> memref<!tpu.dma_semaphore, #tpu.memory_space<semaphore_mem>>
        %dma_start3A_369 = tpu.memref_slice %arg3[%mul3A_364] : memref<1638400xi32, #tpu.memory_space<hbm>> -> memref<512xi32, #tpu.memory_space<hbm>>
        tpu.enqueue_dma source(%dma_start3A_369 : memref<512xi32, #tpu.memory_space<hbm>>) target(%arg14 : memref<512xi32, #tpu.memory_space<vmem>>) target_semaphore(%dma_start3A_368 : memref<!tpu.dma_semaphore, #tpu.memory_space<semaphore_mem>>)
        %dma_start3A_370 = arith.constant 0 : i32
        %dma_start3A_371 = tpu.memref_slice %arg4[%mul3A_364] : memref<1638400xi32, #tpu.memory_space<hbm>> -> memref<512xi32, #tpu.memory_space<hbm>>
        %dma_start3A_372 = tpu.memref_slice %arg29[%dma_start3A_370] : memref<2x!tpu.dma_semaphore, #tpu.memory_space<semaphore_mem>> -> memref<1x!tpu.dma_semaphore, #tpu.memory_space<semaphore_mem>>
        %dma_start3A_373 = tpu.memref_squeeze %dma_start3A_372 : memref<1x!tpu.dma_semaphore, #tpu.memory_space<semaphore_mem>> -> memref<!tpu.dma_semaphore, #tpu.memory_space<semaphore_mem>>
        %dma_start3A_374 = tpu.memref_slice %arg4[%mul3A_364] : memref<1638400xi32, #tpu.memory_space<hbm>> -> memref<512xi32, #tpu.memory_space<hbm>>
        tpu.enqueue_dma source(%dma_start3A_374 : memref<512xi32, #tpu.memory_space<hbm>>) target(%arg18 : memref<512xi32, #tpu.memory_space<vmem>>) target_semaphore(%dma_start3A_373 : memref<!tpu.dma_semaphore, #tpu.memory_space<semaphore_mem>>)
        %dma_start3A_375 = arith.constant 0 : i32
        %dma_start3A_376 = tpu.memref_slice %arg5[%mul3A_364] : memref<1638400xf32, #tpu.memory_space<hbm>> -> memref<512xf32, #tpu.memory_space<hbm>>
        %dma_start3A_377 = tpu.memref_slice %arg29[%dma_start3A_375] : memref<2x!tpu.dma_semaphore, #tpu.memory_space<semaphore_mem>> -> memref<1x!tpu.dma_semaphore, #tpu.memory_space<semaphore_mem>>
        %dma_start3A_378 = tpu.memref_squeeze %dma_start3A_377 : memref<1x!tpu.dma_semaphore, #tpu.memory_space<semaphore_mem>> -> memref<!tpu.dma_semaphore, #tpu.memory_space<semaphore_mem>>
        %dma_start3A_379 = tpu.memref_slice %arg5[%mul3A_364] : memref<1638400xf32, #tpu.memory_space<hbm>> -> memref<512xf32, #tpu.memory_space<hbm>>
        tpu.enqueue_dma source(%dma_start3A_379 : memref<512xf32, #tpu.memory_space<hbm>>) target(%arg19 : memref<512xf32, #tpu.memory_space<vmem>>) target_semaphore(%dma_start3A_378 : memref<!tpu.dma_semaphore, #tpu.memory_space<semaphore_mem>>)
        %dma_start3A_380 = arith.constant 0 : i32
        %dma_start3A_381 = tpu.memref_slice %arg6[%mul3A_364] : memref<1638400xf32, #tpu.memory_space<hbm>> -> memref<512xf32, #tpu.memory_space<hbm>>
        %dma_start3A_382 = tpu.memref_slice %arg29[%dma_start3A_380] : memref<2x!tpu.dma_semaphore, #tpu.memory_space<semaphore_mem>> -> memref<1x!tpu.dma_semaphore, #tpu.memory_space<semaphore_mem>>
        %dma_start3A_383 = tpu.memref_squeeze %dma_start3A_382 : memref<1x!tpu.dma_semaphore, #tpu.memory_space<semaphore_mem>> -> memref<!tpu.dma_semaphore, #tpu.memory_space<semaphore_mem>>
        %dma_start3A_384 = tpu.memref_slice %arg6[%mul3A_364] : memref<1638400xf32, #tpu.memory_space<hbm>> -> memref<512xf32, #tpu.memory_space<hbm>>
        tpu.enqueue_dma source(%dma_start3A_384 : memref<512xf32, #tpu.memory_space<hbm>>) target(%arg20 : memref<512xf32, #tpu.memory_space<vmem>>) target_semaphore(%dma_start3A_383 : memref<!tpu.dma_semaphore, #tpu.memory_space<semaphore_mem>>)
      } else {
      }
      %add3A_297 = arith.constant 3 : i32
      %add3A_298 = arith.addi %add3A_110, %add3A_297 : i32
      %dma_wait3A_299 = arith.constant 1 : i32
      %dma_wait3A_300 = arith.constant 0 : i32
      %dma_wait3A_301 = tpu.memref_slice %arg3[%dma_wait3A_300] : memref<1638400xi32, #tpu.memory_space<hbm>> -> memref<512xi32, #tpu.memory_space<hbm>>
      %dma_wait3A_302 = tpu.memref_slice %arg29[%dma_wait3A_299] : memref<2x!tpu.dma_semaphore, #tpu.memory_space<semaphore_mem>> -> memref<1x!tpu.dma_semaphore, #tpu.memory_space<semaphore_mem>>
      %dma_wait3A_303 = tpu.memref_squeeze %dma_wait3A_302 : memref<1x!tpu.dma_semaphore, #tpu.memory_space<semaphore_mem>> -> memref<!tpu.dma_semaphore, #tpu.memory_space<semaphore_mem>>
      %dma_wait3A_304 = arith.constant 0 : i32
      %dma_wait3A_305 = tpu.memref_slice %arg3[%dma_wait3A_304] : memref<1638400xi32, #tpu.memory_space<hbm>> -> memref<512xi32, #tpu.memory_space<hbm>>
      tpu.wait_dma2 semaphore(%dma_wait3A_303 : memref<!tpu.dma_semaphore, #tpu.memory_space<semaphore_mem>>) src(%dma_wait3A_305 : memref<512xi32, #tpu.memory_space<hbm>>) dst(%arg17 : memref<512xi32, #tpu.memory_space<vmem>>)
      %dma_wait3A_306 = arith.constant 1 : i32
      %dma_wait3A_307 = arith.constant 0 : i32
      %dma_wait3A_308 = tpu.memref_slice %arg4[%dma_wait3A_307] : memref<1638400xi32, #tpu.memory_space<hbm>> -> memref<512xi32, #tpu.memory_space<hbm>>
      %dma_wait3A_309 = tpu.memref_slice %arg29[%dma_wait3A_306] : memref<2x!tpu.dma_semaphore, #tpu.memory_space<semaphore_mem>> -> memref<1x!tpu.dma_semaphore, #tpu.memory_space<semaphore_mem>>
      %dma_wait3A_310 = tpu.memref_squeeze %dma_wait3A_309 : memref<1x!tpu.dma_semaphore, #tpu.memory_space<semaphore_mem>> -> memref<!tpu.dma_semaphore, #tpu.memory_space<semaphore_mem>>
      %dma_wait3A_311 = arith.constant 0 : i32
      %dma_wait3A_312 = tpu.memref_slice %arg4[%dma_wait3A_311] : memref<1638400xi32, #tpu.memory_space<hbm>> -> memref<512xi32, #tpu.memory_space<hbm>>
      tpu.wait_dma2 semaphore(%dma_wait3A_310 : memref<!tpu.dma_semaphore, #tpu.memory_space<semaphore_mem>>) src(%dma_wait3A_312 : memref<512xi32, #tpu.memory_space<hbm>>) dst(%arg23 : memref<512xi32, #tpu.memory_space<vmem>>)
      %dma_wait3A_313 = arith.constant 1 : i32
      %dma_wait3A_314 = arith.constant 0 : i32
      %dma_wait3A_315 = tpu.memref_slice %arg5[%dma_wait3A_314] : memref<1638400xf32, #tpu.memory_space<hbm>> -> memref<512xf32, #tpu.memory_space<hbm>>
      %dma_wait3A_316 = tpu.memref_slice %arg29[%dma_wait3A_313] : memref<2x!tpu.dma_semaphore, #tpu.memory_space<semaphore_mem>> -> memref<1x!tpu.dma_semaphore, #tpu.memory_space<semaphore_mem>>
      %dma_wait3A_317 = tpu.memref_squeeze %dma_wait3A_316 : memref<1x!tpu.dma_semaphore, #tpu.memory_space<semaphore_mem>> -> memref<!tpu.dma_semaphore, #tpu.memory_space<semaphore_mem>>
      %dma_wait3A_318 = arith.constant 0 : i32
      %dma_wait3A_319 = tpu.memref_slice %arg5[%dma_wait3A_318] : memref<1638400xf32, #tpu.memory_space<hbm>> -> memref<512xf32, #tpu.memory_space<hbm>>
      tpu.wait_dma2 semaphore(%dma_wait3A_317 : memref<!tpu.dma_semaphore, #tpu.memory_space<semaphore_mem>>) src(%dma_wait3A_319 : memref<512xf32, #tpu.memory_space<hbm>>) dst(%arg24 : memref<512xf32, #tpu.memory_space<vmem>>)
      %dma_wait3A_320 = arith.constant 1 : i32
      %dma_wait3A_321 = arith.constant 0 : i32
      %dma_wait3A_322 = tpu.memref_slice %arg6[%dma_wait3A_321] : memref<1638400xf32, #tpu.memory_space<hbm>> -> memref<512xf32, #tpu.memory_space<hbm>>
      %dma_wait3A_323 = tpu.memref_slice %arg29[%dma_wait3A_320] : memref<2x!tpu.dma_semaphore, #tpu.memory_space<semaphore_mem>> -> memref<1x!tpu.dma_semaphore, #tpu.memory_space<semaphore_mem>>
      %dma_wait3A_324 = tpu.memref_squeeze %dma_wait3A_323 : memref<1x!tpu.dma_semaphore, #tpu.memory_space<semaphore_mem>> -> memref<!tpu.dma_semaphore, #tpu.memory_space<semaphore_mem>>
      %dma_wait3A_325 = arith.constant 0 : i32
      %dma_wait3A_326 = tpu.memref_slice %arg6[%dma_wait3A_325] : memref<1638400xf32, #tpu.memory_space<hbm>> -> memref<512xf32, #tpu.memory_space<hbm>>
      tpu.wait_dma2 semaphore(%dma_wait3A_324 : memref<!tpu.dma_semaphore, #tpu.memory_space<semaphore_mem>>) src(%dma_wait3A_326 : memref<512xf32, #tpu.memory_space<hbm>>) dst(%arg25 : memref<512xf32, #tpu.memory_space<vmem>>)
      %ge3A_327 = arith.constant 2 : i32
      %ge3A_328 = arith.cmpi sge, %add3A_298, %ge3A_327 : i32
      %convert_element_type3A_329 = arith.extui %ge3A_328 : i1 to i32
      %cond3A_330 = arith.constant 0 : i32
      %cond3A_331 = arith.cmpi ne, %convert_element_type3A_329, %cond3A_330 : i32
      scf.if %cond3A_331 {
        %dma_wait3A_360 = arith.constant 1 : i32
        %dma_wait3A_361 = arith.constant 0 : i32
        %dma_wait3A_362 = tpu.memref_slice %arg9[%dma_wait3A_361] : memref<1638400xf32, #tpu.memory_space<hbm>> -> memref<512xf32, #tpu.memory_space<hbm>>
        %dma_wait3A_363 = tpu.memref_slice %arg30[%dma_wait3A_360] : memref<2x!tpu.dma_semaphore, #tpu.memory_space<semaphore_mem>> -> memref<1x!tpu.dma_semaphore, #tpu.memory_space<semaphore_mem>>
        %dma_wait3A_364 = tpu.memref_squeeze %dma_wait3A_363 : memref<1x!tpu.dma_semaphore, #tpu.memory_space<semaphore_mem>> -> memref<!tpu.dma_semaphore, #tpu.memory_space<semaphore_mem>>
        %dma_wait3A_365 = arith.constant 0 : i32
        %dma_wait3A_366 = tpu.memref_slice %arg9[%dma_wait3A_365] : memref<1638400xf32, #tpu.memory_space<hbm>> -> memref<512xf32, #tpu.memory_space<hbm>>
        tpu.wait_dma2 semaphore(%dma_wait3A_364 : memref<!tpu.dma_semaphore, #tpu.memory_space<semaphore_mem>>) src(%arg26 : memref<512xf32, #tpu.memory_space<vmem>>) dst(%dma_wait3A_366 : memref<512xf32, #tpu.memory_space<hbm>>)
        %dma_wait3A_367 = arith.constant 1 : i32
        %dma_wait3A_368 = arith.constant 0 : i32
        %dma_wait3A_369 = tpu.memref_slice %arg10[%dma_wait3A_368] : memref<1638400xf32, #tpu.memory_space<hbm>> -> memref<512xf32, #tpu.memory_space<hbm>>
        %dma_wait3A_370 = tpu.memref_slice %arg30[%dma_wait3A_367] : memref<2x!tpu.dma_semaphore, #tpu.memory_space<semaphore_mem>> -> memref<1x!tpu.dma_semaphore, #tpu.memory_space<semaphore_mem>>
        %dma_wait3A_371 = tpu.memref_squeeze %dma_wait3A_370 : memref<1x!tpu.dma_semaphore, #tpu.memory_space<semaphore_mem>> -> memref<!tpu.dma_semaphore, #tpu.memory_space<semaphore_mem>>
        %dma_wait3A_372 = arith.constant 0 : i32
        %dma_wait3A_373 = tpu.memref_slice %arg10[%dma_wait3A_372] : memref<1638400xf32, #tpu.memory_space<hbm>> -> memref<512xf32, #tpu.memory_space<hbm>>
        tpu.wait_dma2 semaphore(%dma_wait3A_371 : memref<!tpu.dma_semaphore, #tpu.memory_space<semaphore_mem>>) src(%arg27 : memref<512xf32, #tpu.memory_space<vmem>>) dst(%dma_wait3A_373 : memref<512xf32, #tpu.memory_space<hbm>>)
        %dma_wait3A_374 = arith.constant 1 : i32
        %dma_wait3A_375 = arith.constant 0 : i32
        %dma_wait3A_376 = tpu.memref_slice %arg28[%dma_wait3A_375] : memref<100096xf32, #tpu.memory_space<vmem_shared>> -> memref<100096xf32, #tpu.memory_space<vmem_shared>>
        %dma_wait3A_377 = tpu.memref_slice %arg31[%dma_wait3A_374] : memref<2x!tpu.dma_semaphore, #tpu.memory_space<semaphore_mem>> -> memref<1x!tpu.dma_semaphore, #tpu.memory_space<semaphore_mem>>
        %dma_wait3A_378 = tpu.memref_squeeze %dma_wait3A_377 : memref<1x!tpu.dma_semaphore, #tpu.memory_space<semaphore_mem>> -> memref<!tpu.dma_semaphore, #tpu.memory_space<semaphore_mem>>
        tpu.wait_indirect_dma semaphore(%dma_wait3A_378 : memref<!tpu.dma_semaphore, #tpu.memory_space<semaphore_mem>>) src(%arg27 : memref<512xf32, #tpu.memory_space<vmem>>) dst(%dma_wait3A_376 : memref<100096xf32, #tpu.memory_space<vmem_shared>>)
      } else {
      }
      %parallel_loop3A_332 = arith.constant 0 : i32
      %parallel_loop3A_333 = arith.constant 512 : i32
      %parallel_loop3A_334 = arith.constant 16 : i32
      scf.for %parallel_loop3A_360 = %parallel_loop3A_332 to %parallel_loop3A_333 step %parallel_loop3A_334  : i32 {
        %parallel_loop3A_361 = arith.index_cast %parallel_loop3A_360 : i32 to index
        %parallel_loop3A_362 = tpu.vector_load %arg17[%parallel_loop3A_361] {strides = array<i32>} : memref<512xi32, #tpu.memory_space<vmem>>, vector<16xi32>,
        %parallel_loop3A_363 = arith.index_cast %parallel_loop3A_360 : i32 to index
        %parallel_loop3A_364 = tpu.vector_load %arg23[%parallel_loop3A_363] {strides = array<i32>} : memref<512xi32, #tpu.memory_space<vmem>>, vector<16xi32>,
        %parallel_loop3A_365 = arith.index_cast %parallel_loop3A_360 : i32 to index
        %parallel_loop3A_366 = tpu.vector_load %arg24[%parallel_loop3A_365] {strides = array<i32>} : memref<512xf32, #tpu.memory_space<vmem>>, vector<16xf32>,
        %parallel_loop3A_367 = arith.index_cast %parallel_loop3A_360 : i32 to index
        %parallel_loop3A_368 = tpu.vector_load %arg25[%parallel_loop3A_367] {strides = array<i32>} : memref<512xf32, #tpu.memory_space<vmem>>, vector<16xf32>,
        %parallel_loop3A_369 = tpu.vector_load_idx %arg12[%parallel_loop3A_362] : memref<100096xf32, #tpu.memory_space<vmem>>[vector<16xi32>], vector<16xf32>,
        %parallel_loop3A_370 = tpu.vector_load_idx %arg12[%parallel_loop3A_364] : memref<100096xf32, #tpu.memory_space<vmem>>[vector<16xi32>], vector<16xf32>,
        %parallel_loop3A_371 = arith.subf %parallel_loop3A_369, %parallel_loop3A_368 : vector<16xf32>
        %parallel_loop3A_372 = arith.constant -2.500000e+01 : f32
        %parallel_loop3A_373 = vector.broadcast %parallel_loop3A_372 : f32 to vector<16xf32>
        %parallel_loop3A_374 = arith.maximumf %parallel_loop3A_371, %parallel_loop3A_373 : vector<16xf32>
        %parallel_loop3A_375 = arith.constant 2.500000e+01 : f32
        %parallel_loop3A_376 = vector.broadcast %parallel_loop3A_375 : f32 to vector<16xf32>
        %parallel_loop3A_377 = arith.minimumf %parallel_loop3A_374, %parallel_loop3A_376 : vector<16xf32>
        %parallel_loop3A_378 = math.exp %parallel_loop3A_377 : vector<16xf32>
        %parallel_loop3A_379 = arith.mulf %get3A_5, %parallel_loop3A_378 : vector<16xf32>
        %parallel_loop3A_380 = arith.addf %parallel_loop3A_379, %get3A_7 : vector<16xf32>
        %parallel_loop3A_381 = arith.mulf %get3A_9, %parallel_loop3A_378 : vector<16xf32>
        %parallel_loop3A_382 = arith.addf %parallel_loop3A_381, %get3A_11 : vector<16xf32>
        %parallel_loop3A_383 = arith.divf %parallel_loop3A_380, %parallel_loop3A_382 : vector<16xf32>
        %parallel_loop3A_384 = vector.bitcast %parallel_loop3A_383 : vector<16xf32> to vector<16xi32>
        %parallel_loop3A_385 = arith.constant 4913933 : i32
        %parallel_loop3A_386 = vector.broadcast %parallel_loop3A_385 : i32 to vector<16xi32>
        %parallel_loop3A_387 = arith.addi %parallel_loop3A_384, %parallel_loop3A_386 : vector<16xi32>
        %parallel_loop3A_388 = arith.constant 23 : i32
        %parallel_loop3A_389 = vector.broadcast %parallel_loop3A_388 : i32 to vector<16xi32>
        %parallel_loop3A_390 = arith.shrsi %parallel_loop3A_387, %parallel_loop3A_389 : vector<16xi32>
        %parallel_loop3A_391 = arith.constant 127 : i32
        %parallel_loop3A_392 = vector.broadcast %parallel_loop3A_391 : i32 to vector<16xi32>
        %parallel_loop3A_393 = arith.subi %parallel_loop3A_390, %parallel_loop3A_392 : vector<16xi32>
        %parallel_loop3A_394 = arith.constant 8388607 : i32
        %parallel_loop3A_395 = vector.broadcast %parallel_loop3A_394 : i32 to vector<16xi32>
        %parallel_loop3A_396 = arith.andi %parallel_loop3A_387, %parallel_loop3A_395 : vector<16xi32>
        %parallel_loop3A_397 = arith.constant 1060439283 : i32
        %parallel_loop3A_398 = vector.broadcast %parallel_loop3A_397 : i32 to vector<16xi32>
        %parallel_loop3A_399 = arith.addi %parallel_loop3A_396, %parallel_loop3A_398 : vector<16xi32>
        %parallel_loop3A_400 = vector.bitcast %parallel_loop3A_399 : vector<16xi32> to vector<16xf32>
        %parallel_loop3A_401 = arith.constant 1.000000e+00 : f32
        %parallel_loop3A_402 = vector.broadcast %parallel_loop3A_401 : f32 to vector<16xf32>
        %parallel_loop3A_403 = arith.subf %parallel_loop3A_400, %parallel_loop3A_402 : vector<16xf32>
        %parallel_loop3A_404 = arith.constant 1.000000e+00 : f32
        %parallel_loop3A_405 = vector.broadcast %parallel_loop3A_404 : f32 to vector<16xf32>
        %parallel_loop3A_406 = arith.addf %parallel_loop3A_400, %parallel_loop3A_405 : vector<16xf32>
        %parallel_loop3A_407 = arith.divf %parallel_loop3A_403, %parallel_loop3A_406 : vector<16xf32>
        %parallel_loop3A_408 = arith.mulf %parallel_loop3A_407, %parallel_loop3A_407 : vector<16xf32>
        %parallel_loop3A_409 = arith.constant 4.000000e-01 : f32
        %parallel_loop3A_410 = vector.broadcast %parallel_loop3A_409 : f32 to vector<16xf32>
        %parallel_loop3A_411 = arith.mulf %parallel_loop3A_408, %parallel_loop3A_410 : vector<16xf32>
        %parallel_loop3A_412 = arith.constant 0.666666686 : f32
        %parallel_loop3A_413 = vector.broadcast %parallel_loop3A_412 : f32 to vector<16xf32>
        %parallel_loop3A_414 = arith.addf %parallel_loop3A_413, %parallel_loop3A_411 : vector<16xf32>
        %parallel_loop3A_415 = arith.mulf %parallel_loop3A_408, %parallel_loop3A_414 : vector<16xf32>
        %parallel_loop3A_416 = arith.constant 2.000000e+00 : f32
        %parallel_loop3A_417 = vector.broadcast %parallel_loop3A_416 : f32 to vector<16xf32>
        %parallel_loop3A_418 = arith.addf %parallel_loop3A_417, %parallel_loop3A_415 : vector<16xf32>
        %parallel_loop3A_419 = arith.sitofp %parallel_loop3A_393 : vector<16xi32> to vector<16xf32>
        %parallel_loop3A_420 = arith.constant 0.693147182 : f32
        %parallel_loop3A_421 = vector.broadcast %parallel_loop3A_420 : f32 to vector<16xf32>
        %parallel_loop3A_422 = arith.mulf %parallel_loop3A_419, %parallel_loop3A_421 : vector<16xf32>
        %parallel_loop3A_423 = arith.mulf %parallel_loop3A_407, %parallel_loop3A_418 : vector<16xf32>
        %parallel_loop3A_424 = arith.addf %parallel_loop3A_422, %parallel_loop3A_423 : vector<16xf32>
        %parallel_loop3A_425 = arith.index_cast %parallel_loop3A_360 : i32 to index
        %parallel_loop3A_426 = tpu.vector_load %arg26[%parallel_loop3A_425] {strides = array<i32>} : memref<512xf32, #tpu.memory_space<vmem>>, vector<16xf32>,
        tpu.vector_store %arg26[%parallel_loop3A_425], %parallel_loop3A_424 {strides = array<i32>} : memref<512xf32, #tpu.memory_space<vmem>>, vector<16xf32>,
        %parallel_loop3A_427 = arith.subf %parallel_loop3A_370, %parallel_loop3A_366 : vector<16xf32>
        %parallel_loop3A_428 = arith.constant -2.500000e+01 : f32
        %parallel_loop3A_429 = vector.broadcast %parallel_loop3A_428 : f32 to vector<16xf32>
        %parallel_loop3A_430 = arith.maximumf %parallel_loop3A_427, %parallel_loop3A_429 : vector<16xf32>
        %parallel_loop3A_431 = arith.constant 2.500000e+01 : f32
        %parallel_loop3A_432 = vector.broadcast %parallel_loop3A_431 : f32 to vector<16xf32>
        %parallel_loop3A_433 = arith.minimumf %parallel_loop3A_430, %parallel_loop3A_432 : vector<16xf32>
        %parallel_loop3A_434 = math.exp %parallel_loop3A_433 : vector<16xf32>
        %parallel_loop3A_435 = arith.mulf %get3A_5, %parallel_loop3A_434 : vector<16xf32>
        %parallel_loop3A_436 = arith.addf %parallel_loop3A_435, %get3A_7 : vector<16xf32>
        %parallel_loop3A_437 = arith.mulf %get3A_9, %parallel_loop3A_434 : vector<16xf32>
        %parallel_loop3A_438 = arith.addf %parallel_loop3A_437, %get3A_11 : vector<16xf32>
        %parallel_loop3A_439 = arith.divf %parallel_loop3A_436, %parallel_loop3A_438 : vector<16xf32>
        %parallel_loop3A_440 = vector.bitcast %parallel_loop3A_439 : vector<16xf32> to vector<16xi32>
        %parallel_loop3A_441 = arith.constant 4913933 : i32
        %parallel_loop3A_442 = vector.broadcast %parallel_loop3A_441 : i32 to vector<16xi32>
        %parallel_loop3A_443 = arith.addi %parallel_loop3A_440, %parallel_loop3A_442 : vector<16xi32>
        %parallel_loop3A_444 = arith.constant 23 : i32
        %parallel_loop3A_445 = vector.broadcast %parallel_loop3A_444 : i32 to vector<16xi32>
        %parallel_loop3A_446 = arith.shrsi %parallel_loop3A_443, %parallel_loop3A_445 : vector<16xi32>
        %parallel_loop3A_447 = arith.constant 127 : i32
        %parallel_loop3A_448 = vector.broadcast %parallel_loop3A_447 : i32 to vector<16xi32>
        %parallel_loop3A_449 = arith.subi %parallel_loop3A_446, %parallel_loop3A_448 : vector<16xi32>
        %parallel_loop3A_450 = arith.constant 8388607 : i32
        %parallel_loop3A_451 = vector.broadcast %parallel_loop3A_450 : i32 to vector<16xi32>
        %parallel_loop3A_452 = arith.andi %parallel_loop3A_443, %parallel_loop3A_451 : vector<16xi32>
        %parallel_loop3A_453 = arith.constant 1060439283 : i32
        %parallel_loop3A_454 = vector.broadcast %parallel_loop3A_453 : i32 to vector<16xi32>
        %parallel_loop3A_455 = arith.addi %parallel_loop3A_452, %parallel_loop3A_454 : vector<16xi32>
        %parallel_loop3A_456 = vector.bitcast %parallel_loop3A_455 : vector<16xi32> to vector<16xf32>
        %parallel_loop3A_457 = arith.constant 1.000000e+00 : f32
        %parallel_loop3A_458 = vector.broadcast %parallel_loop3A_457 : f32 to vector<16xf32>
        %parallel_loop3A_459 = arith.subf %parallel_loop3A_456, %parallel_loop3A_458 : vector<16xf32>
        %parallel_loop3A_460 = arith.constant 1.000000e+00 : f32
        %parallel_loop3A_461 = vector.broadcast %parallel_loop3A_460 : f32 to vector<16xf32>
        %parallel_loop3A_462 = arith.addf %parallel_loop3A_456, %parallel_loop3A_461 : vector<16xf32>
        %parallel_loop3A_463 = arith.divf %parallel_loop3A_459, %parallel_loop3A_462 : vector<16xf32>
        %parallel_loop3A_464 = arith.mulf %parallel_loop3A_463, %parallel_loop3A_463 : vector<16xf32>
        %parallel_loop3A_465 = arith.constant 4.000000e-01 : f32
        %parallel_loop3A_466 = vector.broadcast %parallel_loop3A_465 : f32 to vector<16xf32>
        %parallel_loop3A_467 = arith.mulf %parallel_loop3A_464, %parallel_loop3A_466 : vector<16xf32>
        %parallel_loop3A_468 = arith.constant 0.666666686 : f32
        %parallel_loop3A_469 = vector.broadcast %parallel_loop3A_468 : f32 to vector<16xf32>
        %parallel_loop3A_470 = arith.addf %parallel_loop3A_469, %parallel_loop3A_467 : vector<16xf32>
        %parallel_loop3A_471 = arith.mulf %parallel_loop3A_464, %parallel_loop3A_470 : vector<16xf32>
        %parallel_loop3A_472 = arith.constant 2.000000e+00 : f32
        %parallel_loop3A_473 = vector.broadcast %parallel_loop3A_472 : f32 to vector<16xf32>
        %parallel_loop3A_474 = arith.addf %parallel_loop3A_473, %parallel_loop3A_471 : vector<16xf32>
        %parallel_loop3A_475 = arith.sitofp %parallel_loop3A_449 : vector<16xi32> to vector<16xf32>
        %parallel_loop3A_476 = arith.constant 0.693147182 : f32
        %parallel_loop3A_477 = vector.broadcast %parallel_loop3A_476 : f32 to vector<16xf32>
        %parallel_loop3A_478 = arith.mulf %parallel_loop3A_475, %parallel_loop3A_477 : vector<16xf32>
        %parallel_loop3A_479 = arith.mulf %parallel_loop3A_463, %parallel_loop3A_474 : vector<16xf32>
        %parallel_loop3A_480 = arith.addf %parallel_loop3A_478, %parallel_loop3A_479 : vector<16xf32>
        %parallel_loop3A_481 = arith.index_cast %parallel_loop3A_360 : i32 to index
        %parallel_loop3A_482 = tpu.vector_load %arg27[%parallel_loop3A_481] {strides = array<i32>} : memref<512xf32, #tpu.memory_space<vmem>>, vector<16xf32>,
        tpu.vector_store %arg27[%parallel_loop3A_481], %parallel_loop3A_480 {strides = array<i32>} : memref<512xf32, #tpu.memory_space<vmem>>, vector<16xf32>,
      } {sc.loop_unroll_factor = 4 : i64, sc.parallel_access}
      %add3A_335 = arith.addi %mul3A_2, %add3A_298 : i32
      %mul3A_336 = arith.constant 512 : i32
      %mul3A_337 = arith.muli %add3A_335, %mul3A_336 : i32
      %dma_start3A_338 = arith.constant 1 : i32
      %dma_start3A_339 = tpu.memref_slice %arg9[%mul3A_337] : memref<1638400xf32, #tpu.memory_space<hbm>> -> memref<512xf32, #tpu.memory_space<hbm>>
      %dma_start3A_340 = tpu.memref_slice %arg30[%dma_start3A_338] : memref<2x!tpu.dma_semaphore, #tpu.memory_space<semaphore_mem>> -> memref<1x!tpu.dma_semaphore, #tpu.memory_space<semaphore_mem>>
      %dma_start3A_341 = tpu.memref_squeeze %dma_start3A_340 : memref<1x!tpu.dma_semaphore, #tpu.memory_space<semaphore_mem>> -> memref<!tpu.dma_semaphore, #tpu.memory_space<semaphore_mem>>
      %dma_start3A_342 = tpu.memref_slice %arg9[%mul3A_337] : memref<1638400xf32, #tpu.memory_space<hbm>> -> memref<512xf32, #tpu.memory_space<hbm>>
      tpu.enqueue_dma source(%arg26 : memref<512xf32, #tpu.memory_space<vmem>>) target(%dma_start3A_342 : memref<512xf32, #tpu.memory_space<hbm>>) target_semaphore(%dma_start3A_341 : memref<!tpu.dma_semaphore, #tpu.memory_space<semaphore_mem>>)
      %dma_start3A_343 = arith.constant 1 : i32
      %dma_start3A_344 = tpu.memref_slice %arg10[%mul3A_337] : memref<1638400xf32, #tpu.memory_space<hbm>> -> memref<512xf32, #tpu.memory_space<hbm>>
      %dma_start3A_345 = tpu.memref_slice %arg30[%dma_start3A_343] : memref<2x!tpu.dma_semaphore, #tpu.memory_space<semaphore_mem>> -> memref<1x!tpu.dma_semaphore, #tpu.memory_space<semaphore_mem>>
      %dma_start3A_346 = tpu.memref_squeeze %dma_start3A_345 : memref<1x!tpu.dma_semaphore, #tpu.memory_space<semaphore_mem>> -> memref<!tpu.dma_semaphore, #tpu.memory_space<semaphore_mem>>
      %dma_start3A_347 = tpu.memref_slice %arg10[%mul3A_337] : memref<1638400xf32, #tpu.memory_space<hbm>> -> memref<512xf32, #tpu.memory_space<hbm>>
      tpu.enqueue_dma source(%arg27 : memref<512xf32, #tpu.memory_space<vmem>>) target(%dma_start3A_347 : memref<512xf32, #tpu.memory_space<hbm>>) target_semaphore(%dma_start3A_346 : memref<!tpu.dma_semaphore, #tpu.memory_space<semaphore_mem>>)
      %dma_start3A_348 = arith.constant 1 : i32
      %dma_start3A_349 = arith.constant 0 : i32
      %dma_start3A_350 = tpu.memref_slice %arg28[%dma_start3A_349] : memref<100096xf32, #tpu.memory_space<vmem_shared>> -> memref<100096xf32, #tpu.memory_space<vmem_shared>>
      %dma_start3A_351 = tpu.memref_slice %arg31[%dma_start3A_348] : memref<2x!tpu.dma_semaphore, #tpu.memory_space<semaphore_mem>> -> memref<1x!tpu.dma_semaphore, #tpu.memory_space<semaphore_mem>>
      %dma_start3A_352 = tpu.memref_squeeze %dma_start3A_351 : memref<1x!tpu.dma_semaphore, #tpu.memory_space<semaphore_mem>> -> memref<!tpu.dma_semaphore, #tpu.memory_space<semaphore_mem>>
      tpu.enqueue_indirect_dma source(%arg27 : memref<512xf32, #tpu.memory_space<vmem>>) target(%dma_start3A_350 : memref<100096xf32, #tpu.memory_space<vmem_shared>>) offsets(%arg17 : memref<512xi32, #tpu.memory_space<vmem>>) semaphore(%dma_start3A_352 : memref<!tpu.dma_semaphore, #tpu.memory_space<semaphore_mem>>) {add = true}
      %add3A_353 = arith.constant 2 : i32
      %add3A_354 = arith.addi %add3A_298, %add3A_353 : i32
      %lt3A_355 = arith.constant 100 : i32
      %lt3A_356 = arith.cmpi slt, %add3A_354, %lt3A_355 : i32
      %convert_element_type3A_357 = arith.extui %lt3A_356 : i1 to i32
      %cond3A_358 = arith.constant 0 : i32
      %cond3A_359 = arith.cmpi ne, %convert_element_type3A_357, %cond3A_358 : i32
      scf.if %cond3A_359 {
        %add3A_360 = arith.constant 2 : i32
        %add3A_361 = arith.addi %add3A_298, %add3A_360 : i32
        %add3A_362 = arith.addi %mul3A_2, %add3A_361 : i32
        %mul3A_363 = arith.constant 512 : i32
        %mul3A_364 = arith.muli %add3A_362, %mul3A_363 : i32
        %dma_start3A_365 = arith.constant 1 : i32
        %dma_start3A_366 = tpu.memref_slice %arg3[%mul3A_364] : memref<1638400xi32, #tpu.memory_space<hbm>> -> memref<512xi32, #tpu.memory_space<hbm>>
        %dma_start3A_367 = tpu.memref_slice %arg29[%dma_start3A_365] : memref<2x!tpu.dma_semaphore, #tpu.memory_space<semaphore_mem>> -> memref<1x!tpu.dma_semaphore, #tpu.memory_space<semaphore_mem>>
        %dma_start3A_368 = tpu.memref_squeeze %dma_start3A_367 : memref<1x!tpu.dma_semaphore, #tpu.memory_space<semaphore_mem>> -> memref<!tpu.dma_semaphore, #tpu.memory_space<semaphore_mem>>
        %dma_start3A_369 = tpu.memref_slice %arg3[%mul3A_364] : memref<1638400xi32, #tpu.memory_space<hbm>> -> memref<512xi32, #tpu.memory_space<hbm>>
        tpu.enqueue_dma source(%dma_start3A_369 : memref<512xi32, #tpu.memory_space<hbm>>) target(%arg15 : memref<512xi32, #tpu.memory_space<vmem>>) target_semaphore(%dma_start3A_368 : memref<!tpu.dma_semaphore, #tpu.memory_space<semaphore_mem>>)
        %dma_start3A_370 = arith.constant 1 : i32
        %dma_start3A_371 = tpu.memref_slice %arg4[%mul3A_364] : memref<1638400xi32, #tpu.memory_space<hbm>> -> memref<512xi32, #tpu.memory_space<hbm>>
        %dma_start3A_372 = tpu.memref_slice %arg29[%dma_start3A_370] : memref<2x!tpu.dma_semaphore, #tpu.memory_space<semaphore_mem>> -> memref<1x!tpu.dma_semaphore, #tpu.memory_space<semaphore_mem>>
        %dma_start3A_373 = tpu.memref_squeeze %dma_start3A_372 : memref<1x!tpu.dma_semaphore, #tpu.memory_space<semaphore_mem>> -> memref<!tpu.dma_semaphore, #tpu.memory_space<semaphore_mem>>
        %dma_start3A_374 = tpu.memref_slice %arg4[%mul3A_364] : memref<1638400xi32, #tpu.memory_space<hbm>> -> memref<512xi32, #tpu.memory_space<hbm>>
        tpu.enqueue_dma source(%dma_start3A_374 : memref<512xi32, #tpu.memory_space<hbm>>) target(%arg23 : memref<512xi32, #tpu.memory_space<vmem>>) target_semaphore(%dma_start3A_373 : memref<!tpu.dma_semaphore, #tpu.memory_space<semaphore_mem>>)
        %dma_start3A_375 = arith.constant 1 : i32
        %dma_start3A_376 = tpu.memref_slice %arg5[%mul3A_364] : memref<1638400xf32, #tpu.memory_space<hbm>> -> memref<512xf32, #tpu.memory_space<hbm>>
        %dma_start3A_377 = tpu.memref_slice %arg29[%dma_start3A_375] : memref<2x!tpu.dma_semaphore, #tpu.memory_space<semaphore_mem>> -> memref<1x!tpu.dma_semaphore, #tpu.memory_space<semaphore_mem>>
        %dma_start3A_378 = tpu.memref_squeeze %dma_start3A_377 : memref<1x!tpu.dma_semaphore, #tpu.memory_space<semaphore_mem>> -> memref<!tpu.dma_semaphore, #tpu.memory_space<semaphore_mem>>
        %dma_start3A_379 = tpu.memref_slice %arg5[%mul3A_364] : memref<1638400xf32, #tpu.memory_space<hbm>> -> memref<512xf32, #tpu.memory_space<hbm>>
        tpu.enqueue_dma source(%dma_start3A_379 : memref<512xf32, #tpu.memory_space<hbm>>) target(%arg24 : memref<512xf32, #tpu.memory_space<vmem>>) target_semaphore(%dma_start3A_378 : memref<!tpu.dma_semaphore, #tpu.memory_space<semaphore_mem>>)
        %dma_start3A_380 = arith.constant 1 : i32
        %dma_start3A_381 = tpu.memref_slice %arg6[%mul3A_364] : memref<1638400xf32, #tpu.memory_space<hbm>> -> memref<512xf32, #tpu.memory_space<hbm>>
        %dma_start3A_382 = tpu.memref_slice %arg29[%dma_start3A_380] : memref<2x!tpu.dma_semaphore, #tpu.memory_space<semaphore_mem>> -> memref<1x!tpu.dma_semaphore, #tpu.memory_space<semaphore_mem>>
        %dma_start3A_383 = tpu.memref_squeeze %dma_start3A_382 : memref<1x!tpu.dma_semaphore, #tpu.memory_space<semaphore_mem>> -> memref<!tpu.dma_semaphore, #tpu.memory_space<semaphore_mem>>
        %dma_start3A_384 = tpu.memref_slice %arg6[%mul3A_364] : memref<1638400xf32, #tpu.memory_space<hbm>> -> memref<512xf32, #tpu.memory_space<hbm>>
        tpu.enqueue_dma source(%dma_start3A_384 : memref<512xf32, #tpu.memory_space<hbm>>) target(%arg25 : memref<512xf32, #tpu.memory_space<vmem>>) target_semaphore(%dma_start3A_383 : memref<!tpu.dma_semaphore, #tpu.memory_space<semaphore_mem>>)
      } else {
      }
    }
    %scan3A_62 = arith.constant 25 : i32
    %dma_wait3A = arith.constant 0 : i32
    %dma_wait3A_63 = arith.constant 0 : i32
    %dma_wait3A_64 = tpu.memref_slice %arg9[%dma_wait3A_63] : memref<1638400xf32, #tpu.memory_space<hbm>> -> memref<512xf32, #tpu.memory_space<hbm>>
    %dma_wait3A_65 = tpu.memref_slice %arg30[%dma_wait3A] : memref<2x!tpu.dma_semaphore, #tpu.memory_space<semaphore_mem>> -> memref<1x!tpu.dma_semaphore, #tpu.memory_space<semaphore_mem>>
    %dma_wait3A_66 = tpu.memref_squeeze %dma_wait3A_65 : memref<1x!tpu.dma_semaphore, #tpu.memory_space<semaphore_mem>> -> memref<!tpu.dma_semaphore, #tpu.memory_space<semaphore_mem>>
    %dma_wait3A_67 = arith.constant 0 : i32
    %dma_wait3A_68 = tpu.memref_slice %arg9[%dma_wait3A_67] : memref<1638400xf32, #tpu.memory_space<hbm>> -> memref<512xf32, #tpu.memory_space<hbm>>
    tpu.wait_dma2 semaphore(%dma_wait3A_66 : memref<!tpu.dma_semaphore, #tpu.memory_space<semaphore_mem>>) src(%arg21 : memref<512xf32, #tpu.memory_space<vmem>>) dst(%dma_wait3A_68 : memref<512xf32, #tpu.memory_space<hbm>>)
    %dma_wait3A_69 = arith.constant 0 : i32
    %dma_wait3A_70 = arith.constant 0 : i32
    %dma_wait3A_71 = tpu.memref_slice %arg10[%dma_wait3A_70] : memref<1638400xf32, #tpu.memory_space<hbm>> -> memref<512xf32, #tpu.memory_space<hbm>>
    %dma_wait3A_72 = tpu.memref_slice %arg30[%dma_wait3A_69] : memref<2x!tpu.dma_semaphore, #tpu.memory_space<semaphore_mem>> -> memref<1x!tpu.dma_semaphore, #tpu.memory_space<semaphore_mem>>
    %dma_wait3A_73 = tpu.memref_squeeze %dma_wait3A_72 : memref<1x!tpu.dma_semaphore, #tpu.memory_space<semaphore_mem>> -> memref<!tpu.dma_semaphore, #tpu.memory_space<semaphore_mem>>
    %dma_wait3A_74 = arith.constant 0 : i32
    %dma_wait3A_75 = tpu.memref_slice %arg10[%dma_wait3A_74] : memref<1638400xf32, #tpu.memory_space<hbm>> -> memref<512xf32, #tpu.memory_space<hbm>>
    tpu.wait_dma2 semaphore(%dma_wait3A_73 : memref<!tpu.dma_semaphore, #tpu.memory_space<semaphore_mem>>) src(%arg22 : memref<512xf32, #tpu.memory_space<vmem>>) dst(%dma_wait3A_75 : memref<512xf32, #tpu.memory_space<hbm>>)
    %dma_wait3A_76 = arith.constant 0 : i32
    %dma_wait3A_77 = arith.constant 0 : i32
    %dma_wait3A_78 = tpu.memref_slice %arg28[%dma_wait3A_77] : memref<100096xf32, #tpu.memory_space<vmem_shared>> -> memref<100096xf32, #tpu.memory_space<vmem_shared>>
    %dma_wait3A_79 = tpu.memref_slice %arg31[%dma_wait3A_76] : memref<2x!tpu.dma_semaphore, #tpu.memory_space<semaphore_mem>> -> memref<1x!tpu.dma_semaphore, #tpu.memory_space<semaphore_mem>>
    %dma_wait3A_80 = tpu.memref_squeeze %dma_wait3A_79 : memref<1x!tpu.dma_semaphore, #tpu.memory_space<semaphore_mem>> -> memref<!tpu.dma_semaphore, #tpu.memory_space<semaphore_mem>>
    tpu.wait_indirect_dma semaphore(%dma_wait3A_80 : memref<!tpu.dma_semaphore, #tpu.memory_space<semaphore_mem>>) src(%arg22 : memref<512xf32, #tpu.memory_space<vmem>>) dst(%dma_wait3A_78 : memref<100096xf32, #tpu.memory_space<vmem_shared>>)
    %dma_wait3A_81 = arith.constant 1 : i32
    %dma_wait3A_82 = arith.constant 0 : i32
    %dma_wait3A_83 = tpu.memref_slice %arg9[%dma_wait3A_82] : memref<1638400xf32, #tpu.memory_space<hbm>> -> memref<512xf32, #tpu.memory_space<hbm>>
    %dma_wait3A_84 = tpu.memref_slice %arg30[%dma_wait3A_81] : memref<2x!tpu.dma_semaphore, #tpu.memory_space<semaphore_mem>> -> memref<1x!tpu.dma_semaphore, #tpu.memory_space<semaphore_mem>>
    %dma_wait3A_85 = tpu.memref_squeeze %dma_wait3A_84 : memref<1x!tpu.dma_semaphore, #tpu.memory_space<semaphore_mem>> -> memref<!tpu.dma_semaphore, #tpu.memory_space<semaphore_mem>>
    %dma_wait3A_86 = arith.constant 0 : i32
    %dma_wait3A_87 = tpu.memref_slice %arg9[%dma_wait3A_86] : memref<1638400xf32, #tpu.memory_space<hbm>> -> memref<512xf32, #tpu.memory_space<hbm>>
    tpu.wait_dma2 semaphore(%dma_wait3A_85 : memref<!tpu.dma_semaphore, #tpu.memory_space<semaphore_mem>>) src(%arg26 : memref<512xf32, #tpu.memory_space<vmem>>) dst(%dma_wait3A_87 : memref<512xf32, #tpu.memory_space<hbm>>)
    %dma_wait3A_88 = arith.constant 1 : i32
    %dma_wait3A_89 = arith.constant 0 : i32
    %dma_wait3A_90 = tpu.memref_slice %arg10[%dma_wait3A_89] : memref<1638400xf32, #tpu.memory_space<hbm>> -> memref<512xf32, #tpu.memory_space<hbm>>
    %dma_wait3A_91 = tpu.memref_slice %arg30[%dma_wait3A_88] : memref<2x!tpu.dma_semaphore, #tpu.memory_space<semaphore_mem>> -> memref<1x!tpu.dma_semaphore, #tpu.memory_space<semaphore_mem>>
    %dma_wait3A_92 = tpu.memref_squeeze %dma_wait3A_91 : memref<1x!tpu.dma_semaphore, #tpu.memory_space<semaphore_mem>> -> memref<!tpu.dma_semaphore, #tpu.memory_space<semaphore_mem>>
    %dma_wait3A_93 = arith.constant 0 : i32
    %dma_wait3A_94 = tpu.memref_slice %arg10[%dma_wait3A_93] : memref<1638400xf32, #tpu.memory_space<hbm>> -> memref<512xf32, #tpu.memory_space<hbm>>
    tpu.wait_dma2 semaphore(%dma_wait3A_92 : memref<!tpu.dma_semaphore, #tpu.memory_space<semaphore_mem>>) src(%arg27 : memref<512xf32, #tpu.memory_space<vmem>>) dst(%dma_wait3A_94 : memref<512xf32, #tpu.memory_space<hbm>>)
    %dma_wait3A_95 = arith.constant 1 : i32
    %dma_wait3A_96 = arith.constant 0 : i32
    %dma_wait3A_97 = tpu.memref_slice %arg28[%dma_wait3A_96] : memref<100096xf32, #tpu.memory_space<vmem_shared>> -> memref<100096xf32, #tpu.memory_space<vmem_shared>>
    %dma_wait3A_98 = tpu.memref_slice %arg31[%dma_wait3A_95] : memref<2x!tpu.dma_semaphore, #tpu.memory_space<semaphore_mem>> -> memref<1x!tpu.dma_semaphore, #tpu.memory_space<semaphore_mem>>
    %dma_wait3A_99 = tpu.memref_squeeze %dma_wait3A_98 : memref<1x!tpu.dma_semaphore, #tpu.memory_space<semaphore_mem>> -> memref<!tpu.dma_semaphore, #tpu.memory_space<semaphore_mem>>
    tpu.wait_indirect_dma semaphore(%dma_wait3A_99 : memref<!tpu.dma_semaphore, #tpu.memory_space<semaphore_mem>>) src(%arg27 : memref<512xf32, #tpu.memory_space<vmem>>) dst(%dma_wait3A_97 : memref<100096xf32, #tpu.memory_space<vmem_shared>>)
    %barrier3A_100 = arith.constant 0 : index
    tpu.barrier barrier_id(%barrier3A_100)
    %eq3A_101 = arith.constant 0 : i32
    %eq3A_102 = arith.cmpi eq, %arg1, %eq3A_101 : i32
    %convert_element_type3A_103 = arith.extui %eq3A_102 : i1 to i32
    %cond3A_104 = arith.constant 0 : i32
    %cond3A_105 = arith.cmpi ne, %convert_element_type3A_103, %cond3A_104 : i32
    scf.if %cond3A_105 {
      "tpu.region"() ({
        %run_scoped3A = tpu.sem_alloc : memref<!tpu.dma_semaphore, #tpu.memory_space<semaphore_mem>>
        %dma_start3A_106 = arith.constant 0 : i32
        %dma_start3A_107 = tpu.memref_slice %arg11[%arg0, %dma_start3A_106] : memref<2x100096xf32, #tpu.memory_space<hbm>> -> memref<1x100096xf32, #tpu.memory_space<hbm>>
        %dma_start3A_108 = tpu.memref_squeeze %dma_start3A_107 : memref<1x100096xf32, #tpu.memory_space<hbm>> -> memref<100096xf32, #tpu.memory_space<hbm>>
        tpu.enqueue_dma source(%arg28 : memref<100096xf32, #tpu.memory_space<vmem_shared>>) target(%dma_start3A_108 : memref<100096xf32, #tpu.memory_space<hbm>>) target_semaphore(%run_scoped3A : memref<!tpu.dma_semaphore, #tpu.memory_space<semaphore_mem>>)
        %dma_wait3A_109 = arith.constant 0 : i32
        %dma_wait3A_110 = tpu.memref_slice %arg11[%arg0, %dma_wait3A_109] : memref<2x100096xf32, #tpu.memory_space<hbm>> -> memref<1x100096xf32, #tpu.memory_space<hbm>>
        %dma_wait3A_111 = tpu.memref_squeeze %dma_wait3A_110 : memref<1x100096xf32, #tpu.memory_space<hbm>> -> memref<100096xf32, #tpu.memory_space<hbm>>
        tpu.wait_dma2 semaphore(%run_scoped3A : memref<!tpu.dma_semaphore, #tpu.memory_space<semaphore_mem>>) src(%arg28 : memref<100096xf32, #tpu.memory_space<vmem_shared>>) dst(%dma_wait3A_111 : memref<100096xf32, #tpu.memory_space<hbm>>)
        tpu.yield
      }) : () -> ()
    } else {
    }
    return
  }
}

</mosaic_0001>

<sc_bundles>
// kernel: body.8.cloned.1.call-start
scs
__scs_entry_jumppad:
0x0: {  	(pc) =	sbr.rel $0x88, $3  }
0x1: {  	(tag) =	ssettag $0x0;
	lr =	simm.s32 $0x1  }
0x2: {  	[smem:$0x3F9D] =	sst lr;
	_ =	strace $0xD0000000  }
0x3: {  	_ = 	snop  }
0x4: {  	_ = 	snop  }
0x5: {  	_ = 	snop  }
0x6: {  	_ = 	snop  }
0x7: {  	_ = 	snop  }
__scs_overlays_trampoline_lowered:
0x8: {  	[smem:$0x3FAC] =	sst s0  }
0x9: {  	[smem:$0x3FAD] =	sst s1  }
0xa: {  	[smem:$0x3FAE] =	sst s2  }
0xb: {  	[smem:$0x3FAF] =	sst s3  }
0xc: {  	[smem:$0x3FB0] =	sst s4  }
0xd: {  	[smem:$0x3FB1] =	sst s5  }
0xe: {  	[smem:$0x3FB2] =	sst s6  }
0xf: {  	[smem:$0x3FB3] =	sst s7  }
0x10: {  	[smem:$0x3FB4] =	sst s8  }
0x11: {  	[smem:$0x3FB5] =	sst s9;
	s0 =	simm.s32 @!p0 $0x0  }
0x12: {  	s1 =	sld [smem:$0x3F9B];
	s0 =	simm.s32 @p0 $0x1  }
0x13: {  	[smem:$0x3FB6] =	sst s0;
	s0 =	simm.s32 @!p1 $0x0  }
0x14: {  	s2 =	sld [smem:$0x3F9A];
	s0 =	simm.s32 @p1 $0x1  }
0x15: {  	[smem:$0x3FB7] =	sst s0;
	s0 =	simm.s32 @!p2 $0x0  }
0x16: {  	s3 =	sld [smem:$0x3FDB];
	s0 =	simm.s32 @p2 $0x1  }
0x17: {  	s4 =	simm.s32 $0x1BF5;
	[smem:$0x3FB9] =	sst s0  }
0x18: {  	s0 =	sld [smem:$0x3F9C];
	_ =	swait.ge [sflag:s4], $0x0  }
0x19: {  	s7 =	sld [smem:$0x3F9D]  }
0x1a: {  	s8 =	sadd.s32 $0xFFFFE003, lr  }
0x1b: {  	s9 =	sadd.s32 $0xFFFFFEF7, lr;
	s5 =	simm.s32 $0xFFFFFFFF;
	p2 =	slt.u32 s8, $0xFFFFF086  }
0x1c: {  	p1 =	slt.u32 s9, $0xF7A;
	s5 =	simm.s32 @!p2 $0x0  }
0x1d: {  	s5 =	simm.s32 @p1 $0x1;
	p0 =	seq.s32 s7, s2  }
0x1e: {  	s7 =	smul.u32 @!p0 $0xF7A, s2;
	p2 =	seq.s32 @!p0 s5, $0x0  }
0x1f: {  	s9 =	smul.u32 $0xF7A, s1;
	s8 =	simm.s32 @!p0 $0x1BF5;
	p2 =	por !p2, p0  }
0x20: {  	[sflag:s8] =	ssyncset.s32 @!p0 $0xFFFFF086;
	s6 =	sadd.s32 @!p0 s3, s7;
	s7 =	simm.s32 @!p0 $0x108  }
0x21: {  	s3 =	sadd.s32 s3, s9;
	s6 =	sadd.s32 @!p0 $0x88, s6;
	s7 =	simm.s32 @p2 $0x1082  }
0x22: {  	[simem:s7], [sflag:s8] =	dma.local @!p0 [hbm:s6], $0xF7A  }
0x23: {  	s9 =	sor.u32 $0xD0000000, s2;
	s6 =	simm.s32 $0x108;
	_ =	swait.ge @!p0 [sflag:s8], $0x0  }
0x24: {  	s3 =	sadd.s32 $0x88, s3;
	s6 =	simm.s32 @!p1 $0x1082;
	[sflag:s4] =	ssyncset.s32 $0xFFFFF086  }
0x25: {  	[simem:s6], [sflag:s4] =	dma.local [hbm:s3], $0xF7A  }
0x26: {  	[smem:$0x3F9D] =	sst s1;
	(tag) =	ssettag s2;
	_ =	strace s9  }
0x27: {  	s1 =	sld [smem:$0x3FAD]  }
0x28: {  	s2 =	sld [smem:$0x3FAE]  }
0x29: {  	s4 =	sld [smem:$0x3FB0]  }
0x2a: {  	p0 =	seq.s32 s5, $0x0;
	s5 =	sld [smem:$0x3FB1]  }
0x2b: {  	s6 =	sld [smem:$0x3FB2]  }
0x2c: {  	s7 =	sld [smem:$0x3FB3]  }
0x2d: {  	s3 =	simm.s32 $0x108;
	s8 =	sld [smem:$0x3FB4]  }
0x2e: {  	s3 =	simm.s32 @!p0 $0x1082;
	s9 =	sld [smem:$0x3FB5]  }
0x2f: {  	lr =	sadd.s32 s0, s3;
	s0 =	sld [smem:$0x3FAC]  }
0x30: {  	s3 =	sld [smem:$0x3FAF]  }
0x31: {  	[smem:$0x3FB8] =	sst s10  }
0x32: {  	s10 =	sld [smem:$0x3FB6];
	_ =	sdelay $0x3  }
0x33: {  	p0 =	seq.s32 s10, $0x1;
	s10 =	sld [smem:$0x3FB8];
	_ =	sdelay $0x3  }
0x34: {  	[smem:$0x3FB8] =	sst s10  }
0x35: {  	s10 =	sld [smem:$0x3FB7];
	_ =	sdelay $0x3  }
0x36: {  	p1 =	seq.s32 s10, $0x1;
	s10 =	sld [smem:$0x3FB8];
	_ =	sdelay $0x3  }
0x37: {  	[smem:$0x3FB8] =	sst s10  }
0x38: {  	s10 =	sld [smem:$0x3FB9]  }
0x39: {  	_ = 	snop;
	(pc) =	sbr.ind lr, $3  }
0x3a: {  	_ = 	snop  }
0x3b: {  	_ = 	snop  }
0x3c: {  	p2 =	seq.s32 s10, $0x1;
	s10 =	sld [smem:$0x3FB8]  }
0x3d: {  	_ =	shalt  }
0x3e: {  	_ =	shalt  }
0x3f: {  	_ =	shalt  }
0x40: {  	_ =	shalt  }
0x41: {  	_ =	shalt  }
0x42: {  	_ =	shalt  }
0x43: {  	_ =	shalt  }
0x44: {  	_ =	shalt  }
0x45: {  	_ =	shalt  }
0x46: {  	_ =	shalt  }
0x47: {  	_ =	shalt  }
0x48: {  	_ =	shalt  }
0x49: {  	_ =	shalt  }
0x4a: {  	_ =	shalt  }
0x4b: {  	_ =	shalt  }
0x4c: {  	_ =	shalt  }
0x4d: {  	_ =	shalt  }
0x4e: {  	_ =	shalt  }
0x4f: {  	_ =	shalt  }
0x50: {  	_ =	shalt  }
0x51: {  	_ =	shalt  }
0x52: {  	_ =	shalt  }
0x53: {  	_ =	shalt  }
0x54: {  	_ =	shalt  }
0x55: {  	_ =	shalt  }
0x56: {  	_ =	shalt  }
0x57: {  	_ =	shalt  }
0x58: {  	_ =	shalt  }
0x59: {  	_ =	shalt  }
0x5a: {  	_ =	shalt  }
0x5b: {  	_ =	shalt  }
0x5c: {  	_ =	shalt  }
0x5d: {  	_ =	shalt  }
0x5e: {  	_ =	shalt  }
0x5f: {  	_ =	shalt  }
0x60: {  	_ =	shalt  }
0x61: {  	_ =	shalt  }
0x62: {  	_ =	shalt  }
0x63: {  	_ =	shalt  }
0x64: {  	_ =	shalt  }
0x65: {  	_ =	shalt  }
0x66: {  	_ =	shalt  }
0x67: {  	_ =	shalt  }
0x68: {  	_ =	shalt  }
0x69: {  	_ =	shalt  }
0x6a: {  	_ =	shalt  }
0x6b: {  	_ =	shalt  }
0x6c: {  	_ =	shalt  }
0x6d: {  	_ =	shalt  }
0x6e: {  	_ =	shalt  }
0x6f: {  	_ =	shalt  }
0x70: {  	_ =	shalt  }
0x71: {  	_ =	shalt  }
0x72: {  	_ =	shalt  }
0x73: {  	_ =	shalt  }
0x74: {  	_ =	shalt  }
0x75: {  	_ =	shalt  }
0x76: {  	_ =	shalt  }
0x77: {  	_ =	shalt  }
0x78: {  	_ =	shalt  }
0x79: {  	_ =	shalt  }
0x7a: {  	_ =	shalt  }
0x7b: {  	_ =	shalt  }
0x7c: {  	_ =	shalt  }
0x7d: {  	_ =	shalt  }
0x7e: {  	_ =	shalt  }
0x7f: {  	_ =	shalt  }
0x80: {  	_ =	shalt  }
0x81: {  	_ =	shalt  }
0x82: {  	_ =	shalt  }
0x83: {  	_ =	shalt  }
0x84: {  	_ =	shalt  }
0x85: {  	_ =	shalt  }
0x86: {  	_ =	shalt  }
0x87: {  	_ =	shalt  }
.Lfunc_end0:
.L_simem_size_0:
called_computation_lowered:
.L_overlay_start_0:
0x88: {  	s2 =	sld [smem:$0x3FD9]  }
0x89: {  	s3 =	sld [smem:$0x3FFE];
	_ =	sdelay $0x1  }
0x8a: {  	s1 =	srdreg.scid  }
0x8b: {  	s0 =	sand.u32 $0x1, s1  }
0x8c: {  	s17 =	sshll.u32 s0, $0xA;
	s2 =	sadd.s32 s3, s2  }
0x8d: {  	s2 =	sadd.s32 s2, s17  }
0x8e: {  	[smem:$0x3FC4] =	sst s2  }
0x8f: {  	_ = 	snop  }
0x90: {  	s2 =	sld [smem:$0x3FD0];
	(tm) =	ssettm $0x1  }
0x91: {  	s18 =	sld [smem:$0x3FFB];
	_ =	sdelay $0x3  }
0x92: {  	_ =	strace s18  }
0x93: {  	s3 =	sld [smem:$0x3FFC];
	_ =	sdelay $0x3  }
0x94: {  	_ =	strace s3  }
0x95: {  	s3 =	sld [smem:$0x3FFD];
	_ =	sdelay $0x3  }
0x96: {  	_ =	strace s3  }
0x97: {  	_ =	strace $0x8FFFFFFF  }
0x98: {  	s19 =	sld [smem:$0x3FDB];
	_ =	sdelay $0x1  }
0x99: {  	s4 =	simm.s32 $_scs_section_size  }
0x9a: {  	s5 =	simm.s32 $_size__tile_overlayer_lowered;
	s6 =	simm.s32 $_tile_overlayer_lowered  }
0x9b: {  	s22 =	simm.s32 $0x1BFF;
	s21 =	sshll.u32 s6, $0x1;
	s3 =	sadd.s32 s4, s19  }
0x9c: {  	s7 =	simm.s32 $0x0;
	s20 =	sshll.u32 s5, $0x1;
	s5 =	sadd.s32 s21, s3  }
0x9d: {  	[timem:s7], [sflag:s22] =	dma.local [hbm:s5], s20  }
0x9e: {  	_ =	swait.ge [sflag:s22], s20  }
0x9f: {  	s4 =	ssub.s32 $0x0, s20;
	[sflag:s22] =	ssyncset.done $0x0  }
0xa0: {  	[sflag:s22] =	ssyncadd.s32 s4;
	_ =	sdelay $0x1  }
0xa1: {  	s23 =	simm.s32 $0x1B8B  }
0xa2: {  	_ =	swait.ge [sflag:s23], $0x1  }
0xa3: {  	[sflag:s23] =	ssyncset.done $0x0  }
0xa4: {  	s25 =	simm.s32 $0x1B8E;
	s24 =	sld [smem:$0x3FFE];
	[sflag:s23] =	ssyncadd.s32 $0xFFFFFFFF  }
0xa5: {  	s26 =	simm.s32 $execute0_lowered;
	[smem:$0x3FD2] =	sst s25  }
0xa6: {  	s5 =	sshll.u32 s26, $0x1;
	_ =	strace $0x80000046;
	[dreg:$0x1] =	wrdreg $0xFFFFFFFF  }
0xa7: {  	s28 =	simm.s32 $_size_execute0_lowered;
	s3 =	sadd.s32 s3, s5;
	[dreg:$0x0] =	wrdreg $0x0  }
0xa8: {  	s5 =	sshll.u32 s28, $0x1;
	[dreg:$0x2] =	wrdreg s3  }
0xa9: {  	[dreg:$0x3] =	wrdreg s5  }
0xaa: {  	[dreg:$0x4] =	wrdreg $0xC0  }
0xab: {  	_ =	task [dreg:s7], $0x5FFFF  }
0xac: {  	[dreg:$0x1] =	wrdreg $0xFFFFFFFF  }
0xad: {  	[dreg:$0x0] =	wrdreg $0x60  }
0xae: {  	[dreg:$0x2] =	wrdreg s24  }
0xaf: {  	[dreg:$0x3] =	wrdreg s2  }
0xb0: {  	[dreg:$0x4] =	wrdreg $0x1A3800  }
0xb1: {  	[dreg:$0x5] =	wrdreg $0x9  }
0xb2: {  	_ =	task.clear_ibuf [dreg:s7], $0x6FFFF;
	_ =	strace $0x90000046  }
0xb3: {  	s29 =	simm.s32 $0x9;
	_ =	strace $0x80000048  }
0xb4: {  	_ =	swait.ge [sflag:s29], $0x1  }
0xb5: {  	[sflag:s29] =	ssyncadd.s32 $0xFFFFFFFF  }
0xb6: {  	_ =	strace $0x90000048  }
0xb7: {  	_ =	sfence  }
0xb8: {  	s30 =	sld [smem:$0x0];
	_ =	sdelay $0x2  }
0xb9: {  	s31 =	sshll.u32 s1, $0xD;
	s1 =	sshrl.u32 s1, $0x2  }
0xba: {  	s3 =	sand.u32 $0x4000, s31;
	s1 =	sadd.s32 s1, s30  }
0xbb: {  	s0 =	sor.u32 s3, s0;
	s1 =	sshll.u32 s1, $0x11  }
0xbc: {  	s0 =	sor.u32 s1, s0  }
0xbd: {  	s0 =	sadd.s32 $0x8F2B, s0  }
0xbe: {  	[sflag:s0] =	ssyncadd.remote.s32 $0x1  }
0xbf: {  	_ =	sfence.sel $0xFFFF  }
0xc0: {  	[dreg:$0x0] =	wrdreg $0xFFFFFFFF;
	(pc) =	sbr.abs _section_cstart, $3  }
0xc1: {  	[dreg:$0x1] =	wrdreg $0xFFFFFFFF  }
0xc2: {  	_ =	task.clear_ibuf [dreg:s7], $0x2FFFF;
	_ =	strace $0x9FFFFFFF  }
0xc3: {  	(tm) =	ssettm $0x7FFFFFFF  }
tec
execute0_lowered:
.L_overlay_start_1:
0x0: {  	(tag) =	ssettag $0x1  }
0x1: {  	s0 =	rddreg [dreg:$0x0]  }
0x2: {  	s3 =	rddreg [dreg:$0x1]  }
0x3: {  	s1 =	rddreg [dreg:$0x2];
	s2 =	simm.s32 $0x0;
	s7 =	srdreg.scid  }
0x4: {  	s9 =	stileid.u32;
	s31 =	simm.s32 $0x3;
	s30 =	simm.s32 $0x4  }
0x5: {  	[smem:$0x7FF] =	sst s2;
	s4 =	sadd.s32 $0x12E600, s0;
	s5 =	sadd.s32 $0x98400, s0  }
0x6: {  	s6 =	sadd.s32 $0xFC600, s0;
	s8 =	sand.u32 $0x1, s7;
	s7 =	sadd.s32 $0xCA600, s0  }
0x7: {  	s10 =	sadd.s32 $0xCA400, s0;
	s26 =	sadd.s32 $0x131800, s0;
	s11 =	sadd.s32 $0x2400, s0  }
0x8: {  	_ =	strace $0x80000047;
	[dreg:$0x4] =	wrdreg s4;
	s4 =	sadd.s32 $0x66400, s0  }
0x9: {  	s12 =	sshll.u32 s8, $0x4;
	[dreg:$0x5] =	wrdreg s10;
	s8 =	ssub.s32 $0x2, s8  }
0xa: {  	[dreg:$0x6] =	wrdreg s26;
	s13 =	sor.u32 s9, s12;
	s14 =	sshrl.u32 s8, $0x1  }
0xb: {  	s3 =	sadd.s32 s3, s12;
	s15 =	smul.u32 $0x1900, s13;
	s28 =	ssub.s32 s8, s14  }
0xc: {  	s10 =	sadd.s32 $0x34400, s0;
	[dreg:$0x10] =	wrdreg s3;
	s0 =	smax.u32 s28, $0x1  }
0xd: {  	p0 =	sne.s32 s9, $0x0;
	s14 =	sadd.s32 s4, s15;
	[dreg:$0x13] =	wrdreg s0  }
0xe: {  	s12 =	simm.s32 $0x0;
	s16 =	sadd.s32 s5, s15;
	[dreg:$0x7] =	wrdreg s14  }
0xf: {  	s13 =	smul.u32 $0x64, s13;
	s17 =	sadd.s32 s6, s15;
	[dreg:$0x8] =	wrdreg s16  }
0x10: {  	s3 =	simm.s32 $0x6;
	s18 =	sadd.s32 s7, s15;
	[dreg:$0x9] =	wrdreg s17  }
0x11: {  	s19 =	sor.u32 $0x40, s15;
	s23 =	sor.u32 $0x2, s13;
	[dreg:$0xa] =	wrdreg s18  }
0x12: {  	s24 =	sor.u32 $0x1, s13;
	s25 =	sor.u32 $0x3, s13;
	[dreg:$0xf] =	wrdreg s23  }
0x13: {  	s26 =	sadd.s32 $0x4, s13;
	s29 =	smov.u32 s13;
	[dreg:$0x11] =	wrdreg s24  }
0x14: {  	s28 =	sadd.s32 $0x5, s13;
	s15 =	simm.s32 $0x1;
	[dreg:$0x12] =	wrdreg s25  }
0x15: {  	s0 =	simm.s32 $0x5;
	s20 =	sadd.s32 s4, s19;
	[dreg:$0x14] =	wrdreg s26  }
.Ltmp0:
0x16: {  	s21 =	sadd.s32 s5, s19;
	[dreg:$0x15] =	wrdreg s28;
	(pc) =	sbr.rel .LBB2_1-.Ltmp0, $4  }
0x17: {  	s22 =	sadd.s32 s6, s19;
	s8 =	sadd.s32 s7, s19;
	[dreg:$0xb] =	wrdreg s20  }
0x18: {  	s26 =	simm.s32 $0x19580;
	s17 =	simm.s32 $0x19780;
	[dreg:$0xc] =	wrdreg s21  }
0x19: {  	s18 =	simm.s32 $0x200;
	s25 =	simm.s32 $0x1A180;
	[dreg:$0xd] =	wrdreg s22  }
0x1a: {  	[dreg:$0xe] =	wrdreg s8;
	s22 =	simm.s32 $0x18980;
	s20 =	simm.s32 $0x2  }
.LBB2_12:
0x1b: {  	_ =	swait.ge [sflag:s31], $0x200  }
0x1c: {  	[sflag:s31] =	ssyncset.done $0x0  }
0x1d: {  	[sflag:s31] =	ssyncadd.s32 $0xFFFFFE00  }
0x1e: {  	_ =	swait.ge [sflag:s31], $0x200  }
0x1f: {  	[sflag:s31] =	ssyncset.done $0x0  }
0x20: {  	[sflag:s31] =	ssyncadd.s32 $0xFFFFFE00  }
0x21: {  	_ =	swait.ge [sflag:s0], $0x200  }
0x22: {  	[sflag:s0] =	ssyncset.done $0x0  }
0x23: {  	[sflag:s0] =	ssyncadd.s32 $0xFFFFFE00  }
0x24: {  	_ =	swait.ge [sflag:s30], $0x200  }
0x25: {  	[sflag:s30] =	ssyncset.done $0x0  }
0x26: {  	[sflag:s30] =	ssyncadd.s32 $0xFFFFFE00  }
0x27: {  	_ =	swait.ge [sflag:s30], $0x200  }
0x28: {  	[sflag:s30] =	ssyncset.done $0x0  }
0x29: {  	[sflag:s30] =	ssyncadd.s32 $0xFFFFFE00  }
0x2a: {  	_ =	swait.ge [sflag:s3], $0x200  }
0x2b: {  	[sflag:s3] =	ssyncset.done $0x0  }
0x2c: {  	[sflag:s3] =	ssyncadd.s32 $0xFFFFFE00  }
0x2d: {  	[bflag:$0x0] =	sbarrier.arrive $0xFFFF  }
0x2e: {  	s8 =	simm.s32 @!p0 $0x1;
	s9 =	simm.s32 @!p0 $0x20;
	s14 =	rddreg [dreg:$0x10]  }
0x2f: {  	s12 =	simm.s32 @!p0 $0x10;
	s13 =	simm.s32 @!p0 $0x1C07;
	s16 =	rddreg [dreg:$0x17]  }
0x30: {  	[hbm:s14@s9], [sflag:s13] =	dma.strided @!p0 [spmem:s16@s12], $0x30E0, s8, $0x10   }
0x31: {  	s8 =	simm.s32 @!p0 $0x7  }
0x32: {  	_ =	swait.ge @!p0 [sflag:s8], $0x30E0  }
0x33: {  	s24 =	rddreg [dreg:$0x16]  }
0x34: {  	s28 =	rddreg [dreg:$0x13];
	s12 =	sadd.s32 $0x1, s24  }
0x35: {  	p1 =	sne.s32 s12, s28  }
.Ltmp1:
0x36: {  	_ = 	snop;
	(pc) =	sbr.rel @!p1 .LBB2_13-.Ltmp1, $3  }
0x37: {  	_ =	sdelay $0x1  }
0x38: {  	[sflag:s8] =	ssyncset.done @!p0 $0x0  }
0x39: {  	s22 =	simm.s32 $0x18980;
	[sflag:s8] =	ssyncadd.s32 @!p0 $0xFFFFCF20  }
.LBB2_1:
0x3a: {  	[dreg:$0x16] =	wrdreg s12  }
0x3b: {  	s8 =	rddreg [dreg:$0x4];
	s9 =	simm.s32 $0x7  }
0x3c: {  	[tilespmem:s2], [sflag:$0x7] =	stream.linear.gather [hbm4b:s8+s2], $0x18700, $0x38;
	[tilespmem:$0x1BBF0] =	vst v63  }
0x3d: {  	_ =	swait.ge [sflag:s9], $0x18700  }
0x3e: {  	[sflag:s9] =	ssyncset.done $0x0  }
0x3f: {  	s13 =	simm.s32 $0x18700;
	s12 =	rddreg [dreg:$0x5];
	[sflag:s9] =	ssyncadd.s32 $0xFFFE7900  }
0x40: {  	[tilespmem:s13], [sflag:$0x7] =	stream.linear.gather [hbm4b:s12+s2], $0x80, $0x38;
	[tilespmem:$0x1BBF0] =	vst v63  }
0x41: {  	s12 =	sshrl.u32 @!p0 s1, $0x3;
	_ =	swait.ge [sflag:s9], $0x80  }
0x42: {  	[dreg:$0x17] =	wrdreg s12;
	[sflag:s9] =	ssyncset.done $0x0  }
0x43: {  	s8 =	simm.s32 @!p0 $0x1C07;
	[sflag:s9] =	ssyncadd.s32 $0xFFFFFF80;
	s9 =	rddreg [dreg:$0x6]  }
0x44: {  	[spmem:s12], [sflag:s8] =	dma.local @!p0 [hbm:s9], $0x30E0  }
0x45: {  	s8 =	simm.s32 @!p0 $0x7  }
0x46: {  	_ =	swait.ge @!p0 [sflag:s8], $0x30E0  }
0x47: {  	[sflag:s8] =	ssyncset.done @!p0 $0x0  }
0x48: {  	[sflag:s8] =	ssyncadd.s32 @!p0 $0xFFFFCF20  }
0x49: {  	[bflag:$0x0] =	sbarrier.arrive $0xFFFF  }
0x4a: {  	v0 =	vld [tilespmem:$0x18700]  }
0x4b: {  	v1 =	vld [tilespmem:$0x18710]  }
0x4c: {  	s16 =	simm.s32 $0x18780;
	v2 =	vld [tilespmem:$0x18720];
	s14 =	rddreg [dreg:$0x7]  }
0x4d: {  	v3 =	vld [tilespmem:$0x18730];
	[tilespmem:s16], [sflag:$0x1] =	stream.linear.gather [hbm4b:s14+s2], $0x200, $0x38  }
0x4e: {  	s21 =	simm.s32 $0x18F80;
	s19 =	rddreg [dreg:$0x8]  }
0x4f: {  	[tilespmem:s21], [sflag:$0x1] =	stream.linear.gather [hbm4b:s19+s2], $0x200, $0x38;
	[tilespmem:$0x1BBF0] =	vst v63  }
0x50: {  	s24 =	simm.s32 $0x19180;
	s23 =	rddreg [dreg:$0x9]  }
0x51: {  	[tilespmem:s24], [sflag:$0x1] =	stream.linear.gather [hbm4b:s23+s2], $0x200, $0x38;
	[tilespmem:$0x1BBF0] =	vst v63  }
0x52: {  	s12 =	simm.s32 $0x19380;
	s9 =	rddreg [dreg:$0xa]  }
0x53: {  	[tilespmem:s12], [sflag:$0x1] =	stream.linear.gather [hbm4b:s9+s2], $0x200, $0x38;
	[tilespmem:$0x1BBF0] =	vst v63  }
0x54: {  	s13 =	rddreg [dreg:$0xb]  }
0x55: {  	[tilespmem:s22], [sflag:$0x2] =	stream.linear.gather [hbm4b:s13+s2], $0x200, $0x38;
	[tilespmem:$0x1BBF0] =	vst v63  }
0x56: {  	s14 =	rddreg [dreg:$0xc];
	s16 =	simm.s32 $0x19980  }
0x57: {  	[tilespmem:s16], [sflag:$0x2] =	stream.linear.gather [hbm4b:s14+s2], $0x200, $0x38;
	[tilespmem:$0x1BBF0] =	vst v63  }
0x58: {  	s19 =	rddreg [dreg:$0xd];
	s21 =	simm.s32 $0x19B80  }
0x59: {  	[tilespmem:s21], [sflag:$0x2] =	stream.linear.gather [hbm4b:s19+s2], $0x200, $0x38;
	[tilespmem:$0x1BBF0] =	vst v63  }
0x5a: {  	s28 =	simm.s32 $0x0;
	s23 =	rddreg [dreg:$0xe];
	s24 =	simm.s32 $0x19D80  }
0x5b: {  	[tilespmem:s24], [sflag:$0x2] =	stream.linear.gather [hbm4b:s23+s2], $0x200, $0x38;
	[tilespmem:$0x1BBF0] =	vst v63  }
.LBB2_2:
0x5c: {  	_ =	swait.ge [sflag:s15], $0x200  }
0x5d: {  	[sflag:s15] =	ssyncset.done $0x0  }
0x5e: {  	[sflag:s15] =	ssyncadd.s32 $0xFFFFFE00  }
0x5f: {  	_ =	swait.ge [sflag:s15], $0x200  }
0x60: {  	[sflag:s15] =	ssyncset.done $0x0  }
0x61: {  	[sflag:s15] =	ssyncadd.s32 $0xFFFFFE00  }
0x62: {  	_ =	swait.ge [sflag:s15], $0x200  }
0x63: {  	[sflag:s15] =	ssyncset.done $0x0  }
0x64: {  	[sflag:s15] =	ssyncadd.s32 $0xFFFFFE00  }
0x65: {  	_ =	swait.ge [sflag:s15], $0x200  }
0x66: {  	p1 =	seq.s32 s28, $0x0;
	[sflag:s15] =	ssyncset.done $0x0  }
0x67: {  	s8 =	simm.s32 @!p1 $0x3;
	[sflag:s15] =	ssyncadd.s32 $0xFFFFFE00  }
0x68: {  	_ =	swait.ge @!p1 [sflag:s8], $0x200  }
0x69: {  	[sflag:s8] =	ssyncset.done @!p1 $0x0  }
0x6a: {  	[sflag:s8] =	ssyncadd.s32 @!p1 $0xFFFFFE00  }
0x6b: {  	_ =	swait.ge @!p1 [sflag:s8], $0x200  }
0x6c: {  	[sflag:s8] =	ssyncset.done @!p1 $0x0  }
0x6d: {  	[sflag:s8] =	ssyncadd.s32 @!p1 $0xFFFFFE00;
	s8 =	simm.s32 @!p1 $0x5  }
0x6e: {  	_ =	swait.ge @!p1 [sflag:s8], $0x200  }
0x6f: {  	[sflag:s8] =	ssyncset.done @!p1 $0x0  }
0x70: {  	s24 =	simm.s32 $0x187A0;
	[sflag:s8] =	ssyncadd.s32 @!p1 $0xFFFFFE00  }
0x71: {  	v4 =	vld [tilespmem:s24+$0xFFFFFFF0]  }
0x72: {  	s9 =	simm.s32 $0x18FA0;
	v5 =	vld [tilespmem:s24+$0xFFFFFFE0]  }
0x73: {  	v6 =	vld [tilespmem:s9+$0xFFFFFFE0]  }
0x74: {  	s12 =	simm.s32 $0x191A0;
	v7 =	vld [tilespmem:s9+$0xFFFFFFF0]  }
0x75: {  	v8 =	vld [tilespmem:s12+$0xFFFFFFE0]  }
0x76: {  	v9 =	vld [tilespmem:s12+$0x10]  }
0x77: {  	s13 =	simm.s32 $0x193A0;
	v11 =	vld [tilespmem:s9+$0x10]  }
0x78: {  	v10 =	vld [tilespmem:s13+$0xFFFFFFE0]  }
0x79: {  	v12 =	vld [tilespmem:s24+$0x10]  }
0x7a: {  	v5 =	vld.idx.msk [tilespmem:v5+s2+$0x0], $0xffff  }
0x7b: {  	v6 =	vld.idx.msk [tilespmem:v6+s2+$0x0], $0xffff  }
0x7c: {  	v13 =	vld [tilespmem:s12+$0xFFFFFFF0]  }
0x7d: {  	v7 =	vld.idx.msk [tilespmem:v7+s2+$0x0], $0xffff  }
0x7e: {  	v15 =	vld [tilespmem:s24+$0x0]  }
0x7f: {  	v11 =	vld.idx.msk [tilespmem:v11+s2+$0x0], $0xffff;
	v5 =	vsub.f32 v5, v10  }
0x80: {  	v10 =	vld [tilespmem:s9+$0x0];
	v6 =	vsub.f32 v6, v8  }
0x81: {  	v14 =	vld [tilespmem:s13+$0x10];
	v5 =	vmax.f32 v5, $-2.500000000e+01  }
0x82: {  	v4 =	vld.idx.msk [tilespmem:v4+s2+$0x0], $0xffff;
	v7 =	vsub.f32 v7, v13;
	v6 =	vmax.f32 v6, $-2.500000000e+01;
	v5 =	vmin.f32 v5, $2.500000000e+01  }
0x83: {  	v8 =	vld [tilespmem:s13+$0xFFFFFFF0];
	v6 =	vmin.f32 v6, $2.500000000e+01;
	v5 =	vmul.f32 $1.442695020e+00, v5  }
0x84: {  	v12 =	vld.idx.msk [tilespmem:v12+s2+$0x0], $0xffff;
	v7 =	vmax.f32 v7, $-2.500000000e+01;
	v6 =	vmul.f32 $1.442695020e+00, v6  }
0x85: {  	v9 =	vsub.f32 v11, v9;
	v11 =	vld [tilespmem:s13+$0x0];
	v7 =	vmin.f32 v7, $2.500000000e+01;
	(erf) = vpow2.f32 v5  }
0x86: {  	v7 =	vmul.f32 $1.442695020e+00, v7;
	(erf) = vpow2.f32 v6;
	v6 =	vld.idx.msk [tilespmem:v15+s2+$0x0], $0xffff  }
0x87: {  	v5 =	vld [tilespmem:s12+$0x0]  }
0x88: {  	v9 =	vmax.f32 v9, $-2.500000000e+01;
	v4 =	vsub.f32 v4, v8;
	(erf) = vpow2.f32 v7;
	v7 =	vld.idx.msk [tilespmem:v10+s2+$0x0], $0xffff  }
0x89: {  	v8 =	vmin.f32 v9, $2.500000000e+01;
	v9 =	vsub.f32 v12, v14  }
0x8a: {  	v8 =	vmul.f32 $1.442695020e+00, v8;
	v4 =	vmax.f32 v4, $-2.500000000e+01  }
0x8b: {  	v9 =	vmax.f32 v9, $-2.500000000e+01;
	v4 =	vmin.f32 v4, $2.500000000e+01;
	v6 =	vsub.f32 v6, v11  }
0x8c: {  	(erf) = vpow2.f32 v8;
	v8 =	vmin.f32 v9, $2.500000000e+01;
	v4 =	vmul.f32 $1.442695020e+00, v4  }
0x8d: {  	v8 =	vmul.f32 $1.442695020e+00, v8;
	v5 =	vsub.f32 v7, v5  }
0x8e: {  	(erf) = vpow2.f32 v4;
	v4 =	vmax.f32 v6, $-2.500000000e+01  }
0x8f: {  	(erf) = vpow2.f32 v8;
	v5 =	vmax.f32 v5, $-2.500000000e+01;
	v4 =	vmin.f32 v4, $2.500000000e+01;
	v6 =	vpop (erf)  }
0x90: {  	v5 =	vmin.f32 v5, $2.500000000e+01;
	v4 =	vmul.f32 $1.442695020e+00, v4;
	v7 =	vpop (erf)  }
0x91: {  	v5 =	vmul.f32 $1.442695020e+00, v5;
	v8 =	vmul.f32 v7, v2  }
0x92: {  	v9 =	vpop (erf)  }
0x93: {  	(erf) = vpow2.f32 v4;
	v10 =	vmul.f32 v9, v2;
	v4 =	vadd.f32 v8, v3;
	_ =	sdelay $0x1  }
0x94: {  	(erf) = vpow2.f32 v5;
	v5 =	vpop (erf);
	v8 =	vadd.f32 v10, v3  }
0x95: {  	v10 =	vmul.f32 v5, v2;
	(erf) = vrcp.f32 v4  }
0x96: {  	(erf) = vrcp.f32 v8;
	v4 =	vpop (erf)  }
0x97: {  	v8 =	vadd.f32 v10, v3;
	v10 =	vmul.f32 v4, v2;
	v11 =	vpop (erf)  }
0x98: {  	v12 =	vmul.f32 v11, v2  }
0x99: {  	v7 =	vmul.f32 v7, v0;
	(erf) = vrcp.f32 v8;
	v10 =	vadd.f32 v10, v3  }
0x9a: {  	v8 =	vmul.f32 v6, v2;
	v12 =	vadd.f32 v12, v3  }
0x9b: {  	v9 =	vmul.f32 v9, v0;
	v7 =	vadd.f32 v7, v1;
	v13 =	vpop (erf)  }
0x9c: {  	v5 =	vmul.f32 v5, v0;
	v14 =	vadd.f32 v8, v3;
	v8 =	vmul.f32 v13, v2  }
0x9d: {  	v9 =	vadd.f32 v9, v1;
	v4 =	vmul.f32 v4, v0;
	(erf) = vrcp.f32 v10;
	v10 =	vpop (erf)  }
0x9e: {  	v6 =	vmul.f32 v6, v0;
	v8 =	vadd.f32 v8, v3;
	(erf) = vrcp.f32 v12;
	v12 =	vpop (erf)  }
0x9f: {  	v11 =	vmul.f32 v11, v0;
	v7 =	vmul.f32 v12, v7;
	v12 =	vpop (erf)  }
0xa0: {  	v21 =	vadd.f32 v6, v1;
	(erf) = vrcp.f32 v8;
	v6 =	vmul.f32 v12, v9  }
0xa1: {  	v4 =	vadd.f32 v4, v1;
	v8 =	vadd.f32 v5, v1;
	v7 =	vadd.s32 $0x4AFB0D, v7  }
0xa2: {  	v13 =	vmul.f32 v13, v0;
	v12 =	vpop (erf);
	v15 =	vand.u32 $0x7FFFFF, v7;
	v5 =	vadd.s32 $0x4AFB0D, v6  }
0xa3: {  	v6 =	vmul.f32 v12, v8;
	v15 =	vadd.s32 $0x3F3504F3, v15;
	v8 =	vand.u32 $0x7FFFFF, v5  }
0xa4: {  	v11 =	vadd.f32 v11, v1;
	v12 =	vadd.f32 $1.000000000e+00, v15;
	v16 =	vadd.s32 $0x3F3504F3, v8  }
0xa5: {  	v13 =	vadd.f32 v13, v1;
	v9 =	vmul.f32 v10, v0;
	v17 =	vadd.f32 $1.000000000e+00, v16  }
0xa6: {  	v10 =	vmul.f32 v10, v2;
	v7 =	vshra.s32 v7, $0x17;
	v18 =	vpop (erf);
	(erf) = vrcp.f32 v12  }
0xa7: {  	v6 =	vadd.s32 $0x4AFB0D, v6;
	v4 =	vmul.f32 v18, v4;
	v19 =	vpop (erf);
	(erf) = vrcp.f32 v17  }
0xa8: {  	v7 =	vadd.s32 $0xFFFFFF81, v7;
	v8 =	vand.u32 $0x7FFFFF, v6;
	v11 =	vmul.f32 v19, v11  }
0xa9: {  	v6 =	vshra.s32 v6, $0x17;
	v4 =	vadd.s32 $0x4AFB0D, v4;
	v19 =	vadd.f32 $-1.000000000e+00, v15;
	v17 =	vpop (erf)  }
0xaa: {  	(erf) = vrcp.f32 v14;
	v11 =	vadd.s32 $0x4AFB0D, v11;
	v14 =	vmul.f32 v17, v13  }
0xab: {  	v17 =	vadd.f32 v10, v3;
	v10 =	vand.u32 $0x7FFFFF, v11;
	v13 =	vshra.s32 v11, $0x17  }
0xac: {  	v11 =	vshra.s32 v4, $0x17;
	v4 =	vand.u32 $0x7FFFFF, v4;
	v18 =	vadd.s32 $0x3F3504F3, v10  }
0xad: {  	v16 =	vadd.f32 $-1.000000000e+00, v16;
	v10 =	vadd.s32 $0x4AFB0D, v14;
	v14 =	vadd.f32 $1.000000000e+00, v18  }
0xae: {  	v12 =	vadd.s32 $0x3F3504F3, v8;
	v8 =	vcvt.s32.f32 v7;
	v15 =	vadd.s32 $0x3F3504F3, v4  }
0xaf: {  	v23 =	vadd.s32 $0xFFFFFF81, v6;
	v4 =	vpop (erf);
	(erf) = vrcp.f32 v14;
	v14 =	vadd.f32 $1.000000000e+00, v15  }
0xb0: {  	v7 =	vadd.f32 $1.000000000e+00, v12;
	v11 =	vadd.s32 $0xFFFFFF81, v11;
	v4 =	vmul.f32 v4, v19;
	v19 =	vpop (erf)  }
0xb1: {  	v20 =	vand.u32 $0x7FFFFF, v10;
	v16 =	vmul.f32 v19, v16;
	(erf) = vrcp.f32 v14  }
0xb2: {  	s21 =	sshll.u32 s28, $0x2;
	v11 =	vcvt.s32.f32 v11;
	v19 =	vadd.s32 $0x3F3504F3, v20;
	(erf) = vrcp.f32 v7  }
0xb3: {  	s14 =	simm.s32 $0x193E0;
	s16 =	simm.s32 $0x18FE0;
	s19 =	simm.s32 $0x187E0;
	v14 =	vshra.s32 v10, $0x17;
	v6 =	vmul.f32 v4, v4;
	v24 =	vpop (erf);
	v20 =	vmul.f32 v16, v16  }
0xb4: {  	s23 =	simm.s32 $0x197A0;
	s8 =	simm.s32 $0x195A0;
	s24 =	simm.s32 $0x197A0;
	v10 =	vcvt.s32.f32 v23;
	v22 =	vadd.f32 $1.000000000e+00, v19;
	v23 =	vmul.f32 v24, v21  }
0xb5: {  	s9 =	simm.s32 $0x0;
	s13 =	simm.s32 $0x191E0;
	s12 =	simm.s32 $0x195A0;
	v14 =	vadd.s32 $0xFFFFFF81, v14;
	v7 =	vmul.f32 $4.000000060e-01, v6;
	v21 =	vmul.f32 $4.000000060e-01, v20  }
.LBB2_3:
0xb6: {  	v24 =	vld [tilespmem:s19+$0xFFFFFFF0];
	s9 =	sadd.s32 $0x40, s9;
	v12 =	vadd.f32 $-1.000000000e+00, v12;
	s24 =	sadd.s32 $0x40, s24;
	s8 =	sadd.s32 $0x40, s8;
	(erf) = vrcp.f32 v22  }
0xb7: {  	v25 =	vadd.f32 $-1.000000000e+00, v18;
	v22 =	vld [tilespmem:s14+$0x0];
	p2 =	slt.u32 s9, $0x1C0;
	v23 =	vadd.s32 $0x4AFB0D, v23;
	v21 =	vadd.f32 $6.666666860e-01, v21  }
0xb8: {  	v18 =	vld [tilespmem:s13+$0xFFFFFFE0];
	v26 =	vshra.s32 v23, $0x17;
	v23 =	vand.u32 $0x7FFFFF, v23;
	(erf) = vrcp.f32 v17;
	v17 =	vpop (erf)  }
0xb9: {  	v27 =	vld [tilespmem:s13+$0x0];
	v23 =	vadd.s32 $0x3F3504F3, v23;
	v20 =	vmul.f32 v21, v20;
	v21 =	vmul.f32 v17, v25  }
0xba: {  	v28 =	vadd.f32 $-1.000000000e+00, v15;
	v17 =	vadd.s32 $0xFFFFFF81, v26;
	v25 =	vld [tilespmem:s13+$0x10];
	v26 =	vadd.f32 $1.000000000e+00, v23;
	v29 =	vpop (erf)  }
0xbb: {  	v15 =	vcvt.s32.f32 v17;
	v30 =	vld [tilespmem:s14+$0x10];
	v17 =	vadd.f32 $2.000000000e+00, v20;
	v20 =	vmul.f32 v21, v21;
	v31 =	vpop (erf)  }
0xbc: {  	v28 =	vmul.f32 v29, v28;
	v32 =	vld [tilespmem:s14+$0xFFFFFFF0];
	v12 =	vmul.f32 v31, v12  }
0xbd: {  	v29 =	vld [tilespmem:s14+$0xFFFFFFE0];
	v17 =	vmul.f32 v17, v16;
	v31 =	vmul.f32 $4.000000060e-01, v20  }
0xbe: {  	v19 =	vadd.f32 $-1.000000000e+00, v19;
	v10 =	vmul.f32 $6.931471820e-01, v10;
	v33 =	vld [tilespmem:s16+$0x0];
	v16 =	vmul.f32 v12, v12  }
0xbf: {  	v8 =	vmul.f32 $6.931471820e-01, v8;
	v34 =	vld [tilespmem:s19+$0x0];
	v31 =	vadd.f32 $6.666666860e-01, v31;
	(erf) = vrcp.f32 v26;
	v26 =	vpop (erf)  }
0xc0: {  	v36 =	vmul.f32 v28, v28;
	v35 =	vld [tilespmem:s19+$0xFFFFFFE0];
	v19 =	vmul.f32 v26, v19  }
0xc1: {  	v9 =	vadd.f32 v9, v1;
	v26 =	vld [tilespmem:s19+$0x10];
	v20 =	vmul.f32 v31, v20;
	v31 =	vmul.f32 $4.000000060e-01, v16;
	v37 =	vpop (erf)  }
0xc2: {  	v13 =	vadd.s32 $0xFFFFFF81, v13;
	v39 =	vmul.f32 $4.000000060e-01, v36;
	v38 =	vld [tilespmem:s16+$0x10];
	v40 =	vmul.f32 v19, v19  }
0xc3: {  	v13 =	vcvt.s32.f32 v13;
	v9 =	vmul.f32 v37, v9;
	v41 =	vld [tilespmem:s16+$0xFFFFFFE0];
	v20 =	vadd.f32 $2.000000000e+00, v20  }
0xc4: {  	v23 =	vadd.f32 $-1.000000000e+00, v23;
	v39 =	vadd.f32 $6.666666860e-01, v39;
	v37 =	vld [tilespmem:s16+$0xFFFFFFF0];
	v42 =	vmul.f32 $4.000000060e-01, v40  }
0xc5: {  	v43 =	vmul.f32 $6.931471820e-01, v13;
	v9 =	vadd.s32 $0x4AFB0D, v9;
	v24 =	vld.idx.msk [tilespmem:v24+s2+$0x0], $0xffff;
	v20 =	vmul.f32 v20, v21  }
0xc6: {  	v21 =	vld.idx.msk [tilespmem:v33+s2+$0x0], $0xffff;
	v33 =	vmul.f32 v39, v36;
	v36 =	vadd.f32 $6.666666860e-01, v42;
	v39 =	vand.u32 $0x7FFFFF, v9  }
0xc7: {  	v9 =	vshra.s32 v9, $0x17;
	v34 =	vld.idx.msk [tilespmem:v34+s2+$0x0], $0xffff;
	v39 =	vadd.s32 $0x3F3504F3, v39;
	v20 =	vadd.f32 v20, v43  }
0xc8: {  	v35 =	vld.idx.msk [tilespmem:v35+s2+$0x0], $0xffff;
	v33 =	vadd.f32 $2.000000000e+00, v33;
	v36 =	vmul.f32 v36, v40;
	v40 =	vadd.f32 $1.000000000e+00, v39;
	v13 =	vpop (erf)  }
0xc9: {  	v14 =	vcvt.s32.f32 v14;
	v9 =	vadd.s32 $0xFFFFFF81, v9;
	v26 =	vld.idx.msk [tilespmem:v26+s2+$0x0], $0xffff;
	v13 =	vmul.f32 v13, v23;
	[tilespmem:s12+$0x10] =	vst v20  }
0xca: {  	v11 =	vmul.f32 $6.931471820e-01, v11;
	v20 =	vld.idx.msk [tilespmem:v38+s2+$0x0], $0xffff;
	v23 =	vmul.f32 v33, v28;
	v28 =	vadd.f32 $2.000000000e+00, v36  }
0xcb: {  	v14 =	vmul.f32 $6.931471820e-01, v14;
	v24 =	vsub.f32 v24, v32;
	v33 =	vld.idx.msk [tilespmem:v41+s2+$0x0], $0xffff;
	(erf) = vrcp.f32 v40  }
0xcc: {  	v21 =	vsub.f32 v21, v27;
	v32 =	vld.idx.msk [tilespmem:v37+s2+$0x0], $0xffff;
	v11 =	vadd.f32 v23, v11;
	v19 =	vmul.f32 v28, v19  }
0xcd: {  	v9 =	vcvt.s32.f32 v9;
	v27 =	vmul.f32 v13, v13;
	v22 =	vsub.f32 v34, v22;
	v23 =	vld [tilespmem:s13+$0xFFFFFFF0]  }
0xce: {  	v28 =	vsub.f32 v35, v29;
	v21 =	vmax.f32 v21, $-2.500000000e+01;
	[tilespmem:s12+$0xFFFFFFF0] =	vst v11;
	v11 =	vadd.f32 v19, v14  }
0xcf: {  	v5 =	vshra.s32 v5, $0x17;
	v14 =	vmax.f32 v22, $-2.500000000e+01;
	v19 =	vsub.f32 v26, v30  }
0xd0: {  	v24 =	vmax.f32 v24, $-2.500000000e+01;
	v22 =	vmax.f32 v28, $-2.500000000e+01;
	v20 =	vsub.f32 v20, v25;
	[tilespmem:s12+$0x0] =	vst v11  }
0xd1: {  	v11 =	vmin.f32 v22, $2.500000000e+01;
	v18 =	vsub.f32 v33, v18;
	v19 =	vmax.f32 v19, $-2.500000000e+01  }
0xd2: {  	v19 =	vmin.f32 v19, $2.500000000e+01;
	v20 =	vmax.f32 v20, $-2.500000000e+01;
	v22 =	vsub.f32 v32, v23  }
0xd3: {  	v11 =	vmul.f32 $1.442695020e+00, v11;
	v18 =	vmax.f32 v18, $-2.500000000e+01;
	v19 =	vmul.f32 $1.442695020e+00, v19  }
0xd4: {  	v20 =	vmin.f32 v20, $2.500000000e+01;
	v18 =	vmin.f32 v18, $2.500000000e+01;
	v22 =	vmax.f32 v22, $-2.500000000e+01;
	v23 =	vpop (erf)  }
0xd5: {  	v20 =	vmul.f32 $1.442695020e+00, v20;
	v18 =	vmul.f32 $1.442695020e+00, v18;
	v22 =	vmin.f32 v22, $2.500000000e+01  }
0xd6: {  	v5 =	vadd.s32 $0xFFFFFF81, v5;
	v22 =	vmul.f32 $1.442695020e+00, v22;
	(erf) = vpow2.f32 v11  }
0xd7: {  	v5 =	vcvt.s32.f32 v5;
	v11 =	vmin.f32 v24, $2.500000000e+01;
	(erf) = vpow2.f32 v18  }
0xd8: {  	v14 =	vmin.f32 v14, $2.500000000e+01;
	v11 =	vmul.f32 $1.442695020e+00, v11;
	(erf) = vpow2.f32 v22  }
0xd9: {  	v5 =	vmul.f32 $6.931471820e-01, v5;
	v18 =	vmin.f32 v21, $2.500000000e+01;
	(erf) = vpow2.f32 v20  }
0xda: {  	v14 =	vmul.f32 $1.442695020e+00, v14;
	(erf) = vpow2.f32 v11;
	v11 =	vadd.f32 $-1.000000000e+00, v39  }
0xdb: {  	v5 =	vadd.f32 v17, v5;
	v18 =	vmul.f32 $1.442695020e+00, v18;
	(erf) = vpow2.f32 v19  }
0xdc: {  	(erf) = vpow2.f32 v14;
	v11 =	vmul.f32 v23, v11;
	v14 =	vadd.f32 $6.666666860e-01, v31  }
0xdd: {  	v17 =	vmul.f32 $4.000000060e-01, v27;
	(erf) = vpow2.f32 v18;
	[tilespmem:s23+$0xFFFFFFF0] =	vst v5  }
0xde: {  	v5 =	vmul.f32 v11, v11;
	v14 =	vmul.f32 v14, v16  }
0xdf: {  	v15 =	vmul.f32 $6.931471820e-01, v15;
	v17 =	vadd.f32 $6.666666860e-01, v17;
	v18 =	vmul.f32 $6.931471820e-01, v9;
	v16 =	vpop (erf)  }
0xe0: {  	v9 =	vmul.f32 v16, v2;
	v19 =	vpop (erf);
	v20 =	vmul.f32 $4.000000060e-01, v5;
	v14 =	vadd.f32 $2.000000000e+00, v14  }
0xe1: {  	v7 =	vadd.f32 $6.666666860e-01, v7;
	v21 =	vmul.f32 v19, v0;
	v19 =	vmul.f32 v19, v2;
	v22 =	vpop (erf)  }
0xe2: {  	v23 =	vmul.f32 v22, v0;
	v22 =	vmul.f32 v22, v2;
	v24 =	vpop (erf);
	v20 =	vadd.f32 $6.666666860e-01, v20  }
0xe3: {  	v6 =	vmul.f32 v7, v6;
	v29 =	vadd.f32 v19, v3;
	v25 =	vmul.f32 v24, v2;
	v26 =	vpop (erf)  }
0xe4: {  	v17 =	vmul.f32 v17, v27;
	v7 =	vmul.f32 v26, v2;
	v30 =	vadd.f32 v22, v3;
	v28 =	vpop (erf)  }
0xe5: {  	v27 =	vmul.f32 v28, v2;
	v25 =	vadd.f32 v25, v3;
	(erf) = vrcp.f32 v29;
	v19 =	vpop (erf)  }
0xe6: {  	v28 =	vmul.f32 v28, v0;
	v7 =	vadd.f32 v7, v3;
	(erf) = vrcp.f32 v30;
	v22 =	vpop (erf)  }
0xe7: {  	v29 =	vadd.f32 v9, v3;
	v9 =	vadd.f32 v27, v3;
	(erf) = vrcp.f32 v25  }
0xe8: {  	v25 =	vmul.f32 v19, v2;
	(erf) = vrcp.f32 v7  }
0xe9: {  	v5 =	vmul.f32 v20, v5;
	v7 =	vadd.f32 $2.000000000e+00, v17;
	(erf) = vrcp.f32 v9  }
0xea: {  	v17 =	vmul.f32 v24, v0;
	v9 =	vmul.f32 v16, v0;
	v16 =	vadd.f32 v25, v3  }
0xeb: {  	v6 =	vadd.f32 $2.000000000e+00, v6;
	v5 =	vadd.f32 $2.000000000e+00, v5;
	v19 =	vmul.f32 v19, v0  }
0xec: {  	v20 =	vmul.f32 v26, v0;
	v24 =	vadd.f32 v9, v1;
	(erf) = vrcp.f32 v16  }
0xed: {  	v4 =	vmul.f32 v6, v4;
	v21 =	vadd.f32 v21, v1;
	v6 =	vmul.f32 v5, v11  }
0xee: {  	v12 =	vmul.f32 v14, v12;
	v5 =	vadd.f32 v23, v1;
	v9 =	vmul.f32 v22, v0;
	v11 =	vpop (erf)  }
0xef: {  	v17 =	vadd.f32 v17, v1;
	v7 =	vmul.f32 v7, v13;
	v11 =	vmul.f32 v11, v21;
	v16 =	vpop (erf)  }
0xf0: {  	v4 =	vadd.f32 v4, v8;
	v13 =	vadd.f32 v28, v1;
	v5 =	vmul.f32 v16, v5;
	v16 =	vpop (erf)  }
0xf1: {  	v7 =	vadd.f32 v7, v15;
	v8 =	vadd.s32 $0x4AFB0D, v11;
	v11 =	vmul.f32 v16, v17;
	v14 =	vpop (erf)  }
0xf2: {  	v6 =	vadd.f32 v6, v18;
	v15 =	vand.u32 $0x7FFFFF, v8;
	v5 =	vadd.s32 $0x4AFB0D, v5;
	v16 =	vpop (erf)  }
0xf3: {  	v15 =	vadd.s32 $0x3F3504F3, v15;
	v17 =	vand.u32 $0x7FFFFF, v5;
	[tilespmem:s12+$0xFFFFFFE0] =	vst v7;
	v7 =	vadd.f32 v12, v10;
	s12 =	smov.u32 s8  }
0xf4: {  	v11 =	vadd.s32 $0x4AFB0D, v11;
	v10 =	vadd.f32 $1.000000000e+00, v15;
	v21 =	vadd.s32 $0x3F3504F3, v17;
	[tilespmem:s23+$0x0] =	vst v6  }
0xf5: {  	v6 =	vshra.s32 v8, $0x17;
	v8 =	vand.u32 $0x7FFFFF, v11;
	v17 =	vadd.f32 $1.000000000e+00, v21;
	v18 =	vpop (erf);
	[tilespmem:s23+$0x10] =	vst v7  }
0xf6: {  	v6 =	vadd.s32 $0xFFFFFF81, v6;
	v12 =	vadd.s32 $0x3F3504F3, v8;
	(erf) = vrcp.f32 v10;
	[tilespmem:s23+$0xFFFFFFE0] =	vst v4;
	s23 =	smov.u32 s24  }
0xf7: {  	v8 =	vcvt.s32.f32 v6;
	v7 =	vadd.f32 $1.000000000e+00, v12;
	(erf) = vrcp.f32 v17  }
0xf8: {  	v4 =	vadd.f32 v20, v1;
	v6 =	vadd.f32 v19, v1;
	v10 =	vmul.f32 v16, v13  }
0xf9: {  	v13 =	vmul.f32 v22, v2;
	v19 =	vshra.s32 v11, $0x17;
	(erf) = vrcp.f32 v29  }
0xfa: {  	v4 =	vmul.f32 v14, v4;
	v6 =	vmul.f32 v18, v6;
	v10 =	vadd.s32 $0x4AFB0D, v10  }
0xfb: {  	v17 =	vadd.f32 v13, v3;
	v13 =	vshra.s32 v10, $0x17;
	v10 =	vand.u32 $0x7FFFFF, v10  }
0xfc: {  	v4 =	vadd.s32 $0x4AFB0D, v4;
	v14 =	vadd.s32 $0x4AFB0D, v6;
	v18 =	vadd.s32 $0x3F3504F3, v10  }
0xfd: {  	v6 =	vshra.s32 v4, $0x17;
	v22 =	vand.u32 $0x7FFFFF, v4;
	v10 =	vadd.f32 $1.000000000e+00, v18  }
0xfe: {  	v11 =	vadd.f32 $-1.000000000e+00, v15;
	v23 =	vadd.s32 $0xFFFFFF81, v6;
	v15 =	vadd.s32 $0x3F3504F3, v22  }
0xff: {  	v16 =	vadd.f32 $-1.000000000e+00, v21;
	v20 =	vadd.f32 $1.000000000e+00, v15;
	v4 =	vpop (erf);
	(erf) = vrcp.f32 v10  }
0x100: {  	v10 =	vand.u32 $0x7FFFFF, v14;
	v4 =	vmul.f32 v4, v11;
	v11 =	vcvt.s32.f32 v23;
	v6 =	vpop (erf)  }
.Ltmp2:
0x101: {  	v21 =	vadd.s32 $0xFFFFFF81, v19;
	v16 =	vmul.f32 v6, v16;
	(erf) = vrcp.f32 v20;
	(pc) =	sbr.rel @p2 .LBB2_3-.Ltmp2, $4  }
0x102: {  	v19 =	vadd.s32 $0x3F3504F3, v10;
	v6 =	vmul.f32 v4, v4;
	v23 =	vpop (erf);
	(erf) = vrcp.f32 v7  }
0x103: {  	v10 =	vshra.s32 v14, $0x17;
	v22 =	vadd.f32 $1.000000000e+00, v19;
	v20 =	vmul.f32 v16, v16  }
0x104: {  	s13 =	sadd.s32 $0x40, s13;
	v14 =	vadd.s32 $0xFFFFFF81, v10;
	v10 =	vcvt.s32.f32 v21;
	v7 =	vmul.f32 $4.000000060e-01, v6  }
0x105: {  	s14 =	sadd.s32 $0x40, s14;
	s19 =	sadd.s32 $0x40, s19;
	s16 =	sadd.s32 $0x40, s16;
	v23 =	vmul.f32 v23, v24;
	v21 =	vmul.f32 $4.000000060e-01, v20  }
0x106: {  	(erf) = vrcp.f32 v22  }
0x107: {  	(erf) = vrcp.f32 v17;
	_ =	sdelay $0x4  }
0x108: {  	v17 =	vpop (erf)  }
0x109: {  	v22 =	vpop (erf)  }
0x10a: {  	v24 =	vpop (erf)  }
0x10b: {  	v9 =	vadd.f32 v9, v1;
	v18 =	vadd.f32 $-1.000000000e+00, v18;
	v25 =	vpop (erf)  }
0x10c: {  	v15 =	vadd.f32 $-1.000000000e+00, v15;
	v19 =	vadd.f32 $-1.000000000e+00, v19;
	v23 =	vadd.s32 $0x4AFB0D, v23;
	v26 =	vpop (erf)  }
0x10d: {  	v13 =	vadd.s32 $0xFFFFFF81, v13;
	v55 =	vand.u32 $0x7FFFFF, v23;
	v9 =	vmul.f32 v26, v9  }
0x10e: {  	v14 =	vcvt.s32.f32 v14;
	v17 =	vmul.f32 v17, v18;
	v26 =	vadd.s32 $0x3F3504F3, v55  }
0x10f: {  	v11 =	vmul.f32 $6.931471820e-01, v11;
	v27 =	vadd.f32 $1.000000000e+00, v26;
	v9 =	vadd.s32 $0x4AFB0D, v9  }
0x110: {  	v21 =	vadd.f32 $6.666666860e-01, v21;
	v28 =	vmul.f32 v17, v17;
	v18 =	vand.u32 $0x7FFFFF, v9  }
0x111: {  	v15 =	vmul.f32 v22, v15;
	(erf) = vrcp.f32 v27;
	v18 =	vadd.s32 $0x3F3504F3, v18  }
0x112: {  	v22 =	vshra.s32 v23, $0x17;
	v23 =	vmul.f32 $4.000000060e-01, v28;
	v29 =	vadd.f32 $1.000000000e+00, v18  }
0x113: {  	v13 =	vcvt.s32.f32 v13;
	v20 =	vmul.f32 v21, v20;
	v22 =	vadd.s32 $0xFFFFFF81, v22  }
0x114: {  	v21 =	vcvt.s32.f32 v22;
	v22 =	vadd.f32 $6.666666860e-01, v23;
	(erf) = vrcp.f32 v29  }
0x115: {  	v12 =	vadd.f32 $-1.000000000e+00, v12;
	v23 =	vmul.f32 v15, v15;
	v19 =	vmul.f32 v25, v19  }
0x116: {  	v14 =	vmul.f32 $6.931471820e-01, v14;
	v20 =	vadd.f32 $2.000000000e+00, v20;
	v22 =	vmul.f32 v22, v28  }
0x117: {  	v5 =	vshra.s32 v5, $0x17;
	v56 =	vmul.f32 $4.000000060e-01, v23;
	v25 =	vmul.f32 v19, v19  }
0x118: {  	v12 =	vmul.f32 v24, v12;
	v16 =	vmul.f32 v20, v16;
	v20 =	vadd.f32 $2.000000000e+00, v22  }
0x119: {  	v26 =	vadd.f32 $-1.000000000e+00, v26;
	v24 =	vadd.f32 $6.666666860e-01, v56;
	v57 =	vmul.f32 $4.000000060e-01, v25  }
0x11a: {  	v5 =	vadd.s32 $0xFFFFFF81, v5;
	v13 =	vmul.f32 $6.931471820e-01, v13;
	v17 =	vmul.f32 v20, v17;
	v58 =	vpop (erf)  }
0x11b: {  	v20 =	vmul.f32 v24, v23;
	v23 =	vadd.f32 $6.666666860e-01, v57;
	v24 =	vmul.f32 v58, v26  }
0x11c: {  	v5 =	vcvt.s32.f32 v5;
	v18 =	vadd.f32 $-1.000000000e+00, v18;
	v13 =	vadd.f32 v17, v13  }
0x11d: {  	v20 =	vadd.f32 $2.000000000e+00, v20;
	v17 =	vmul.f32 v23, v25;
	v23 =	vmul.f32 v24, v24;
	v60 =	vpop (erf)  }
0x11e: {  	v22 =	vmul.f32 v12, v12;
	v18 =	vmul.f32 v60, v18  }
0x11f: {  	v7 =	vadd.f32 $6.666666860e-01, v7;
	v15 =	vmul.f32 v20, v15;
	v20 =	vmul.f32 $4.000000060e-01, v23  }
0x120: {  	v59 =	vmul.f32 $4.000000060e-01, v22;
	v17 =	vadd.f32 $2.000000000e+00, v17;
	v61 =	vmul.f32 v18, v18  }
0x121: {  	v6 =	vmul.f32 v7, v6;
	v11 =	vadd.f32 v15, v11;
	v15 =	vadd.f32 $6.666666860e-01, v20  }
0x122: {  	v17 =	vmul.f32 v17, v19;
	v20 =	vadd.f32 $6.666666860e-01, v59;
	v62 =	vmul.f32 $4.000000060e-01, v61  }
0x123: {  	v5 =	vmul.f32 $6.931471820e-01, v5;
	v6 =	vadd.f32 $2.000000000e+00, v6;
	v15 =	vmul.f32 v15, v23  }
0x124: {  	v14 =	vadd.f32 v17, v14;
	v17 =	vmul.f32 v20, v22;
	v19 =	vadd.f32 $6.666666860e-01, v62  }
0x125: {  	v10 =	vmul.f32 $6.931471820e-01, v10;
	v5 =	vadd.f32 v16, v5;
	v15 =	vadd.f32 $2.000000000e+00, v15  }
0x126: {  	v9 =	vshra.s32 v9, $0x17;
	v16 =	vadd.f32 $2.000000000e+00, v17;
	v19 =	vmul.f32 v19, v61  }
0x127: {  	v9 =	vadd.s32 $0xFFFFFF81, v9;
	[tilespmem:s12+$0x10] =	vst v13;
	v13 =	vmul.f32 $6.931471820e-01, v21;
	v15 =	vmul.f32 v15, v24  }
0x128: {  	v9 =	vcvt.s32.f32 v9;
	[tilespmem:s12+$0xFFFFFFF0] =	vst v11;
	v11 =	vmul.f32 v16, v12;
	v7 =	vadd.f32 $2.000000000e+00, v19  }
0x129: {  	v8 =	vmul.f32 $6.931471820e-01, v8;
	v4 =	vmul.f32 v6, v4;
	[tilespmem:s23+$0xFFFFFFF0] =	vst v5;
	v12 =	vadd.f32 v15, v13  }
0x12a: {  	v9 =	vmul.f32 $6.931471820e-01, v9;
	[tilespmem:s12+$0x0] =	vst v14;
	v6 =	vadd.f32 v11, v10;
	v7 =	vmul.f32 v7, v18  }
0x12b: {  	v4 =	vadd.f32 v4, v8;
	[tilespmem:s12+$0xFFFFFFE0] =	vst v12  }
0x12c: {  	s8 =	sadd.s32 s29, s21;
	[tilespmem:s23+$0x10] =	vst v6;
	v5 =	vadd.f32 v7, v9  }
0x12d: {  	s8 =	sshll.u32 s8, $0x6;
	[tilespmem:s23+$0xFFFFFFE0] =	vst v4  }
0x12e: {  	s9 =	sadd.s32 s10, s8;
	[tilespmem:s23+$0x0] =	vst v5  }
0x12f: {  	[hbm4b:s9+s2] =	stream.linear.scatter [tilespmem:s26], [sflag:$0x3], $0x200, $0x38;
	[tilespmem:$0x1BBF0] =	vst v63  }
0x130: {  	s8 =	sadd.s32 s11, s8;
	s16 =	rddreg [dreg:$0xf]  }
0x131: {  	[hbm4b:s8+s2] =	stream.linear.scatter [tilespmem:s17], [sflag:$0x3], $0x200, $0x38;
	[tilespmem:$0x1BBF0] =	vst v63  }
0x132: {  	s8 =	sadd.s32 s21, s16  }
0x133: {  	s14 =	simm.s32 $0x18780;
	s8 =	sshll.u32 s8, $0x6  }
0x134: {  	[spmem:s1] =	stream.indirect.scatter.add.f32 [tilespmem:s17], [sflag:$0x5], $0x1, s14, s18, $0xb8;
	[tilespmem:$0x1BBF0] =	vst v63  }
0x135: {  	s24 =	sand.u32 $0x1FFFFF80, s8  }
0x136: {  	s19 =	simm.s32 $0x18B80;
	s8 =	sadd.s32 s4, s24  }
0x137: {  	[tilespmem:s19], [sflag:$0x1] =	stream.linear.gather [hbm4b:s8+s2], $0x200, $0x38;
	[tilespmem:$0x1BBF0] =	vst v63  }
0x138: {  	s26 =	simm.s32 $0x18F80;
	s23 =	sadd.s32 s5, s24  }
0x139: {  	[tilespmem:s26], [sflag:$0x1] =	stream.linear.gather [hbm4b:s23+s2], $0x200, $0x38;
	[tilespmem:$0x1BBF0] =	vst v63  }
0x13a: {  	s13 =	simm.s32 $0x19180;
	s12 =	sadd.s32 s6, s24  }
0x13b: {  	[tilespmem:s13], [sflag:$0x1] =	stream.linear.gather [hbm4b:s12+s2], $0x200, $0x38;
	[tilespmem:$0x1BBF0] =	vst v63  }
0x13c: {  	s16 =	simm.s32 $0x19380;
	s14 =	sadd.s32 s7, s24  }
0x13d: {  	[tilespmem:s16], [sflag:$0x1] =	stream.linear.gather [hbm4b:s14+s2], $0x200, $0x38;
	[tilespmem:$0x1BBF0] =	vst v63  }
0x13e: {  	_ =	swait.ge [sflag:s20], $0x200  }
0x13f: {  	[sflag:s20] =	ssyncset.done $0x0  }
0x140: {  	[sflag:s20] =	ssyncadd.s32 $0xFFFFFE00  }
0x141: {  	_ =	swait.ge [sflag:s20], $0x200  }
0x142: {  	[sflag:s20] =	ssyncset.done $0x0  }
0x143: {  	[sflag:s20] =	ssyncadd.s32 $0xFFFFFE00  }
0x144: {  	_ =	swait.ge [sflag:s20], $0x200  }
0x145: {  	[sflag:s20] =	ssyncset.done $0x0  }
0x146: {  	[sflag:s20] =	ssyncadd.s32 $0xFFFFFE00  }
0x147: {  	_ =	swait.ge [sflag:s20], $0x200  }
0x148: {  	[sflag:s20] =	ssyncset.done $0x0  }
0x149: {  	s8 =	simm.s32 @!p1 $0x4;
	[sflag:s20] =	ssyncadd.s32 $0xFFFFFE00  }
0x14a: {  	_ =	swait.ge @!p1 [sflag:s8], $0x200  }
0x14b: {  	[sflag:s8] =	ssyncset.done @!p1 $0x0  }
0x14c: {  	[sflag:s8] =	ssyncadd.s32 @!p1 $0xFFFFFE00  }
0x14d: {  	_ =	swait.ge @!p1 [sflag:s8], $0x200  }
0x14e: {  	[sflag:s8] =	ssyncset.done @!p1 $0x0  }
0x14f: {  	[sflag:s8] =	ssyncadd.s32 @!p1 $0xFFFFFE00;
	s8 =	simm.s32 @!p1 $0x6  }
0x150: {  	_ =	swait.ge @!p1 [sflag:s8], $0x200  }
0x151: {  	[sflag:s8] =	ssyncset.done @!p1 $0x0  }
0x152: {  	s19 =	simm.s32 $0x189A0;
	[sflag:s8] =	ssyncadd.s32 @!p1 $0xFFFFFE00  }
0x153: {  	v4 =	vld [tilespmem:s19+$0xFFFFFFF0]  }
0x154: {  	s23 =	simm.s32 $0x199A0;
	v5 =	vld [tilespmem:s19+$0xFFFFFFE0]  }
0x155: {  	v6 =	vld [tilespmem:s23+$0xFFFFFFE0]  }
0x156: {  	s26 =	simm.s32 $0x19BA0;
	v7 =	vld [tilespmem:s23+$0xFFFFFFF0]  }
0x157: {  	v8 =	vld [tilespmem:s26+$0xFFFFFFE0]  }
0x158: {  	v9 =	vld [tilespmem:s26+$0x10]  }
0x159: {  	s13 =	simm.s32 $0x19DA0;
	v11 =	vld [tilespmem:s23+$0x10]  }
0x15a: {  	v10 =	vld [tilespmem:s13+$0xFFFFFFE0]  }
0x15b: {  	v12 =	vld [tilespmem:s19+$0x10]  }
0x15c: {  	v5 =	vld.idx.msk [tilespmem:v5+s2+$0x0], $0xffff  }
0x15d: {  	v6 =	vld.idx.msk [tilespmem:v6+s2+$0x0], $0xffff  }
0x15e: {  	v13 =	vld [tilespmem:s26+$0xFFFFFFF0]  }
0x15f: {  	v7 =	vld.idx.msk [tilespmem:v7+s2+$0x0], $0xffff  }
0x160: {  	v15 =	vld [tilespmem:s19+$0x0]  }
0x161: {  	v11 =	vld.idx.msk [tilespmem:v11+s2+$0x0], $0xffff;
	v5 =	vsub.f32 v5, v10  }
0x162: {  	v10 =	vld [tilespmem:s23+$0x0];
	v6 =	vsub.f32 v6, v8  }
0x163: {  	v14 =	vld [tilespmem:s13+$0x10];
	v5 =	vmax.f32 v5, $-2.500000000e+01  }
0x164: {  	v4 =	vld.idx.msk [tilespmem:v4+s2+$0x0], $0xffff;
	v7 =	vsub.f32 v7, v13;
	v6 =	vmax.f32 v6, $-2.500000000e+01;
	v5 =	vmin.f32 v5, $2.500000000e+01  }
0x165: {  	v8 =	vld [tilespmem:s13+$0xFFFFFFF0];
	v6 =	vmin.f32 v6, $2.500000000e+01;
	v5 =	vmul.f32 $1.442695020e+00, v5  }
0x166: {  	v12 =	vld.idx.msk [tilespmem:v12+s2+$0x0], $0xffff;
	v7 =	vmax.f32 v7, $-2.500000000e+01;
	v6 =	vmul.f32 $1.442695020e+00, v6  }
0x167: {  	v9 =	vsub.f32 v11, v9;
	v11 =	vld [tilespmem:s13+$0x0];
	v7 =	vmin.f32 v7, $2.500000000e+01;
	(erf) = vpow2.f32 v5  }
0x168: {  	v7 =	vmul.f32 $1.442695020e+00, v7;
	(erf) = vpow2.f32 v6;
	v6 =	vld.idx.msk [tilespmem:v15+s2+$0x0], $0xffff  }
0x169: {  	v5 =	vld [tilespmem:s26+$0x0]  }
0x16a: {  	v9 =	vmax.f32 v9, $-2.500000000e+01;
	v4 =	vsub.f32 v4, v8;
	(erf) = vpow2.f32 v7;
	v7 =	vld.idx.msk [tilespmem:v10+s2+$0x0], $0xffff  }
0x16b: {  	v8 =	vmin.f32 v9, $2.500000000e+01;
	v9 =	vsub.f32 v12, v14  }
0x16c: {  	v8 =	vmul.f32 $1.442695020e+00, v8;
	v4 =	vmax.f32 v4, $-2.500000000e+01  }
0x16d: {  	v9 =	vmax.f32 v9, $-2.500000000e+01;
	v4 =	vmin.f32 v4, $2.500000000e+01;
	v6 =	vsub.f32 v6, v11  }
0x16e: {  	(erf) = vpow2.f32 v8;
	v8 =	vmin.f32 v9, $2.500000000e+01;
	v4 =	vmul.f32 $1.442695020e+00, v4  }
0x16f: {  	v8 =	vmul.f32 $1.442695020e+00, v8;
	v5 =	vsub.f32 v7, v5  }
0x170: {  	(erf) = vpow2.f32 v4;
	v4 =	vmax.f32 v6, $-2.500000000e+01  }
0x171: {  	(erf) = vpow2.f32 v8;
	v5 =	vmax.f32 v5, $-2.500000000e+01;
	v4 =	vmin.f32 v4, $2.500000000e+01;
	v6 =	vpop (erf)  }
0x172: {  	v5 =	vmin.f32 v5, $2.500000000e+01;
	v4 =	vmul.f32 $1.442695020e+00, v4;
	v7 =	vpop (erf)  }
0x173: {  	v5 =	vmul.f32 $1.442695020e+00, v5;
	v8 =	vmul.f32 v7, v2  }
0x174: {  	v9 =	vpop (erf)  }
0x175: {  	(erf) = vpow2.f32 v4;
	v10 =	vmul.f32 v9, v2;
	v4 =	vadd.f32 v8, v3;
	_ =	sdelay $0x1  }
0x176: {  	(erf) = vpow2.f32 v5;
	v5 =	vpop (erf);
	v8 =	vadd.f32 v10, v3  }
0x177: {  	v10 =	vmul.f32 v5, v2;
	(erf) = vrcp.f32 v4  }
0x178: {  	(erf) = vrcp.f32 v8;
	v4 =	vpop (erf)  }
0x179: {  	v8 =	vadd.f32 v10, v3;
	v10 =	vmul.f32 v4, v2;
	v11 =	vpop (erf)  }
0x17a: {  	v12 =	vmul.f32 v11, v2  }
0x17b: {  	v7 =	vmul.f32 v7, v0;
	(erf) = vrcp.f32 v8;
	v10 =	vadd.f32 v10, v3  }
0x17c: {  	v8 =	vmul.f32 v6, v2;
	v12 =	vadd.f32 v12, v3  }
0x17d: {  	v9 =	vmul.f32 v9, v0;
	v7 =	vadd.f32 v7, v1;
	v13 =	vpop (erf)  }
0x17e: {  	v5 =	vmul.f32 v5, v0;
	v14 =	vadd.f32 v8, v3;
	v8 =	vmul.f32 v13, v2  }
0x17f: {  	v9 =	vadd.f32 v9, v1;
	v4 =	vmul.f32 v4, v0;
	(erf) = vrcp.f32 v10;
	v10 =	vpop (erf)  }
0x180: {  	v6 =	vmul.f32 v6, v0;
	v8 =	vadd.f32 v8, v3;
	(erf) = vrcp.f32 v12;
	v12 =	vpop (erf)  }
0x181: {  	v11 =	vmul.f32 v11, v0;
	v7 =	vmul.f32 v12, v7;
	v12 =	vpop (erf)  }
0x182: {  	v21 =	vadd.f32 v6, v1;
	(erf) = vrcp.f32 v8;
	v6 =	vmul.f32 v12, v9  }
0x183: {  	v4 =	vadd.f32 v4, v1;
	v8 =	vadd.f32 v5, v1;
	v7 =	vadd.s32 $0x4AFB0D, v7  }
0x184: {  	v13 =	vmul.f32 v13, v0;
	v12 =	vpop (erf);
	v15 =	vand.u32 $0x7FFFFF, v7;
	v5 =	vadd.s32 $0x4AFB0D, v6  }
0x185: {  	v6 =	vmul.f32 v12, v8;
	v15 =	vadd.s32 $0x3F3504F3, v15;
	v8 =	vand.u32 $0x7FFFFF, v5  }
0x186: {  	v11 =	vadd.f32 v11, v1;
	v12 =	vadd.f32 $1.000000000e+00, v15;
	v16 =	vadd.s32 $0x3F3504F3, v8  }
0x187: {  	v13 =	vadd.f32 v13, v1;
	v9 =	vmul.f32 v10, v0;
	v17 =	vadd.f32 $1.000000000e+00, v16  }
0x188: {  	v10 =	vmul.f32 v10, v2;
	v7 =	vshra.s32 v7, $0x17;
	v18 =	vpop (erf);
	(erf) = vrcp.f32 v12  }
0x189: {  	v6 =	vadd.s32 $0x4AFB0D, v6;
	v4 =	vmul.f32 v18, v4;
	v19 =	vpop (erf);
	(erf) = vrcp.f32 v17  }
0x18a: {  	v7 =	vadd.s32 $0xFFFFFF81, v7;
	v8 =	vand.u32 $0x7FFFFF, v6;
	v11 =	vmul.f32 v19, v11  }
0x18b: {  	v6 =	vshra.s32 v6, $0x17;
	v4 =	vadd.s32 $0x4AFB0D, v4;
	v19 =	vadd.f32 $-1.000000000e+00, v15;
	v17 =	vpop (erf)  }
0x18c: {  	(erf) = vrcp.f32 v14;
	v11 =	vadd.s32 $0x4AFB0D, v11;
	v14 =	vmul.f32 v17, v13  }
0x18d: {  	v17 =	vadd.f32 v10, v3;
	v10 =	vand.u32 $0x7FFFFF, v11;
	v13 =	vshra.s32 v11, $0x17  }
0x18e: {  	v11 =	vshra.s32 v4, $0x17;
	v4 =	vand.u32 $0x7FFFFF, v4;
	v18 =	vadd.s32 $0x3F3504F3, v10  }
0x18f: {  	v16 =	vadd.f32 $-1.000000000e+00, v16;
	v10 =	vadd.s32 $0x4AFB0D, v14;
	v14 =	vadd.f32 $1.000000000e+00, v18  }
0x190: {  	v12 =	vadd.s32 $0x3F3504F3, v8;
	v8 =	vcvt.s32.f32 v7;
	v15 =	vadd.s32 $0x3F3504F3, v4  }
0x191: {  	v23 =	vadd.s32 $0xFFFFFF81, v6;
	v4 =	vpop (erf);
	(erf) = vrcp.f32 v14;
	v14 =	vadd.f32 $1.000000000e+00, v15  }
0x192: {  	v7 =	vadd.f32 $1.000000000e+00, v12;
	v11 =	vadd.s32 $0xFFFFFF81, v11;
	v4 =	vmul.f32 v4, v19;
	v19 =	vpop (erf)  }
0x193: {  	v20 =	vand.u32 $0x7FFFFF, v10;
	v16 =	vmul.f32 v19, v16;
	(erf) = vrcp.f32 v14  }
0x194: {  	v11 =	vcvt.s32.f32 v11;
	v19 =	vadd.s32 $0x3F3504F3, v20;
	(erf) = vrcp.f32 v7  }
0x195: {  	s9 =	simm.s32 $0x0;
	s12 =	simm.s32 $0x19FA0;
	s14 =	simm.s32 $0x19DE0;
	v14 =	vshra.s32 v10, $0x17;
	v6 =	vmul.f32 v4, v4;
	v63 =	vpop (erf);
	v20 =	vmul.f32 v16, v16  }
0x196: {  	s16 =	simm.s32 $0x199E0;
	s8 =	simm.s32 $0x19FA0;
	s19 =	simm.s32 $0x189E0;
	v10 =	vcvt.s32.f32 v23;
	v22 =	vadd.f32 $1.000000000e+00, v19;
	v23 =	vmul.f32 v63, v21  }
0x197: {  	s13 =	simm.s32 $0x19BE0;
	s23 =	simm.s32 $0x1A1A0;
	s26 =	simm.s32 $0x1A1A0;
	v14 =	vadd.s32 $0xFFFFFF81, v14;
	v7 =	vmul.f32 $4.000000060e-01, v6;
	v21 =	vmul.f32 $4.000000060e-01, v20  }
.LBB2_5:
0x198: {  	v24 =	vld [tilespmem:s19+$0xFFFFFFF0];
	s9 =	sadd.s32 $0x40, s9;
	v12 =	vadd.f32 $-1.000000000e+00, v12;
	s26 =	sadd.s32 $0x40, s26;
	s8 =	sadd.s32 $0x40, s8;
	(erf) = vrcp.f32 v22  }
0x199: {  	v25 =	vadd.f32 $-1.000000000e+00, v18;
	v22 =	vld [tilespmem:s14+$0x0];
	p1 =	slt.u32 s9, $0x1C0;
	v23 =	vadd.s32 $0x4AFB0D, v23;
	v21 =	vadd.f32 $6.666666860e-01, v21  }
0x19a: {  	v18 =	vld [tilespmem:s13+$0xFFFFFFE0];
	v26 =	vshra.s32 v23, $0x17;
	v23 =	vand.u32 $0x7FFFFF, v23;
	(erf) = vrcp.f32 v17;
	v17 =	vpop (erf)  }
0x19b: {  	v27 =	vld [tilespmem:s13+$0x0];
	v23 =	vadd.s32 $0x3F3504F3, v23;
	v20 =	vmul.f32 v21, v20;
	v21 =	vmul.f32 v17, v25  }
0x19c: {  	v28 =	vadd.f32 $-1.000000000e+00, v15;
	v17 =	vadd.s32 $0xFFFFFF81, v26;
	v25 =	vld [tilespmem:s13+$0x10];
	v26 =	vadd.f32 $1.000000000e+00, v23;
	v29 =	vpop (erf)  }
0x19d: {  	v15 =	vcvt.s32.f32 v17;
	v30 =	vld [tilespmem:s14+$0x10];
	v17 =	vadd.f32 $2.000000000e+00, v20;
	v20 =	vmul.f32 v21, v21;
	v31 =	vpop (erf)  }
0x19e: {  	v28 =	vmul.f32 v29, v28;
	v32 =	vld [tilespmem:s14+$0xFFFFFFF0];
	v12 =	vmul.f32 v31, v12  }
0x19f: {  	v29 =	vld [tilespmem:s14+$0xFFFFFFE0];
	v17 =	vmul.f32 v17, v16;
	v31 =	vmul.f32 $4.000000060e-01, v20  }
0x1a0: {  	v19 =	vadd.f32 $-1.000000000e+00, v19;
	v10 =	vmul.f32 $6.931471820e-01, v10;
	v33 =	vld [tilespmem:s16+$0x0];
	v16 =	vmul.f32 v12, v12  }
0x1a1: {  	v8 =	vmul.f32 $6.931471820e-01, v8;
	v34 =	vld [tilespmem:s19+$0x0];
	v31 =	vadd.f32 $6.666666860e-01, v31;
	(erf) = vrcp.f32 v26;
	v26 =	vpop (erf)  }
0x1a2: {  	v36 =	vmul.f32 v28, v28;
	v35 =	vld [tilespmem:s19+$0xFFFFFFE0];
	v19 =	vmul.f32 v26, v19  }
0x1a3: {  	v9 =	vadd.f32 v9, v1;
	v26 =	vld [tilespmem:s19+$0x10];
	v20 =	vmul.f32 v31, v20;
	v31 =	vmul.f32 $4.000000060e-01, v16;
	v37 =	vpop (erf)  }
0x1a4: {  	v13 =	vadd.s32 $0xFFFFFF81, v13;
	v39 =	vmul.f32 $4.000000060e-01, v36;
	v38 =	vld [tilespmem:s16+$0x10];
	v40 =	vmul.f32 v19, v19  }
0x1a5: {  	v13 =	vcvt.s32.f32 v13;
	v9 =	vmul.f32 v37, v9;
	v41 =	vld [tilespmem:s16+$0xFFFFFFE0];
	v20 =	vadd.f32 $2.000000000e+00, v20  }
0x1a6: {  	v23 =	vadd.f32 $-1.000000000e+00, v23;
	v39 =	vadd.f32 $6.666666860e-01, v39;
	v37 =	vld [tilespmem:s16+$0xFFFFFFF0];
	v42 =	vmul.f32 $4.000000060e-01, v40  }
0x1a7: {  	v43 =	vmul.f32 $6.931471820e-01, v13;
	v9 =	vadd.s32 $0x4AFB0D, v9;
	v24 =	vld.idx.msk [tilespmem:v24+s2+$0x0], $0xffff;
	v20 =	vmul.f32 v20, v21  }
0x1a8: {  	v21 =	vld.idx.msk [tilespmem:v33+s2+$0x0], $0xffff;
	v33 =	vmul.f32 v39, v36;
	v36 =	vadd.f32 $6.666666860e-01, v42;
	v39 =	vand.u32 $0x7FFFFF, v9  }
0x1a9: {  	v9 =	vshra.s32 v9, $0x17;
	v34 =	vld.idx.msk [tilespmem:v34+s2+$0x0], $0xffff;
	v39 =	vadd.s32 $0x3F3504F3, v39;
	v20 =	vadd.f32 v20, v43  }
0x1aa: {  	v35 =	vld.idx.msk [tilespmem:v35+s2+$0x0], $0xffff;
	v33 =	vadd.f32 $2.000000000e+00, v33;
	v36 =	vmul.f32 v36, v40;
	v40 =	vadd.f32 $1.000000000e+00, v39;
	v13 =	vpop (erf)  }
0x1ab: {  	v14 =	vcvt.s32.f32 v14;
	v9 =	vadd.s32 $0xFFFFFF81, v9;
	v26 =	vld.idx.msk [tilespmem:v26+s2+$0x0], $0xffff;
	v13 =	vmul.f32 v13, v23;
	[tilespmem:s12+$0x10] =	vst v20  }
0x1ac: {  	v11 =	vmul.f32 $6.931471820e-01, v11;
	v20 =	vld.idx.msk [tilespmem:v38+s2+$0x0], $0xffff;
	v23 =	vmul.f32 v33, v28;
	v28 =	vadd.f32 $2.000000000e+00, v36  }
0x1ad: {  	v14 =	vmul.f32 $6.931471820e-01, v14;
	v24 =	vsub.f32 v24, v32;
	v33 =	vld.idx.msk [tilespmem:v41+s2+$0x0], $0xffff;
	(erf) = vrcp.f32 v40  }
0x1ae: {  	v21 =	vsub.f32 v21, v27;
	v32 =	vld.idx.msk [tilespmem:v37+s2+$0x0], $0xffff;
	v11 =	vadd.f32 v23, v11;
	v19 =	vmul.f32 v28, v19  }
0x1af: {  	v9 =	vcvt.s32.f32 v9;
	v27 =	vmul.f32 v13, v13;
	v22 =	vsub.f32 v34, v22;
	v23 =	vld [tilespmem:s13+$0xFFFFFFF0]  }
0x1b0: {  	v28 =	vsub.f32 v35, v29;
	v21 =	vmax.f32 v21, $-2.500000000e+01;
	[tilespmem:s12+$0xFFFFFFF0] =	vst v11;
	v11 =	vadd.f32 v19, v14  }
0x1b1: {  	v5 =	vshra.s32 v5, $0x17;
	v14 =	vmax.f32 v22, $-2.500000000e+01;
	v19 =	vsub.f32 v26, v30  }
0x1b2: {  	v24 =	vmax.f32 v24, $-2.500000000e+01;
	v22 =	vmax.f32 v28, $-2.500000000e+01;
	v20 =	vsub.f32 v20, v25;
	[tilespmem:s12+$0x0] =	vst v11  }
0x1b3: {  	v11 =	vmin.f32 v22, $2.500000000e+01;
	v18 =	vsub.f32 v33, v18;
	v19 =	vmax.f32 v19, $-2.500000000e+01  }
0x1b4: {  	v19 =	vmin.f32 v19, $2.500000000e+01;
	v20 =	vmax.f32 v20, $-2.500000000e+01;
	v22 =	vsub.f32 v32, v23  }
0x1b5: {  	v11 =	vmul.f32 $1.442695020e+00, v11;
	v18 =	vmax.f32 v18, $-2.500000000e+01;
	v19 =	vmul.f32 $1.442695020e+00, v19  }
0x1b6: {  	v20 =	vmin.f32 v20, $2.500000000e+01;
	v18 =	vmin.f32 v18, $2.500000000e+01;
	v22 =	vmax.f32 v22, $-2.500000000e+01;
	v23 =	vpop (erf)  }
0x1b7: {  	v20 =	vmul.f32 $1.442695020e+00, v20;
	v18 =	vmul.f32 $1.442695020e+00, v18;
	v22 =	vmin.f32 v22, $2.500000000e+01  }
0x1b8: {  	v5 =	vadd.s32 $0xFFFFFF81, v5;
	v22 =	vmul.f32 $1.442695020e+00, v22;
	(erf) = vpow2.f32 v11  }
0x1b9: {  	v5 =	vcvt.s32.f32 v5;
	v11 =	vmin.f32 v24, $2.500000000e+01;
	(erf) = vpow2.f32 v18  }
0x1ba: {  	v14 =	vmin.f32 v14, $2.500000000e+01;
	v11 =	vmul.f32 $1.442695020e+00, v11;
	(erf) = vpow2.f32 v22  }
0x1bb: {  	v5 =	vmul.f32 $6.931471820e-01, v5;
	v18 =	vmin.f32 v21, $2.500000000e+01;
	(erf) = vpow2.f32 v20  }
0x1bc: {  	v14 =	vmul.f32 $1.442695020e+00, v14;
	(erf) = vpow2.f32 v11;
	v11 =	vadd.f32 $-1.000000000e+00, v39  }
0x1bd: {  	v5 =	vadd.f32 v17, v5;
	v18 =	vmul.f32 $1.442695020e+00, v18;
	(erf) = vpow2.f32 v19  }
0x1be: {  	(erf) = vpow2.f32 v14;
	v11 =	vmul.f32 v23, v11;
	v14 =	vadd.f32 $6.666666860e-01, v31  }
0x1bf: {  	v17 =	vmul.f32 $4.000000060e-01, v27;
	(erf) = vpow2.f32 v18;
	[tilespmem:s23+$0xFFFFFFF0] =	vst v5  }
0x1c0: {  	v5 =	vmul.f32 v11, v11;
	v14 =	vmul.f32 v14, v16  }
0x1c1: {  	v15 =	vmul.f32 $6.931471820e-01, v15;
	v17 =	vadd.f32 $6.666666860e-01, v17;
	v18 =	vmul.f32 $6.931471820e-01, v9;
	v16 =	vpop (erf)  }
0x1c2: {  	v9 =	vmul.f32 v16, v2;
	v19 =	vpop (erf);
	v20 =	vmul.f32 $4.000000060e-01, v5;
	v14 =	vadd.f32 $2.000000000e+00, v14  }
0x1c3: {  	v7 =	vadd.f32 $6.666666860e-01, v7;
	v21 =	vmul.f32 v19, v0;
	v19 =	vmul.f32 v19, v2;
	v22 =	vpop (erf)  }
0x1c4: {  	v23 =	vmul.f32 v22, v0;
	v22 =	vmul.f32 v22, v2;
	v24 =	vpop (erf);
	v20 =	vadd.f32 $6.666666860e-01, v20  }
0x1c5: {  	v6 =	vmul.f32 v7, v6;
	v29 =	vadd.f32 v19, v3;
	v25 =	vmul.f32 v24, v2;
	v26 =	vpop (erf)  }
0x1c6: {  	v17 =	vmul.f32 v17, v27;
	v7 =	vmul.f32 v26, v2;
	v30 =	vadd.f32 v22, v3;
	v28 =	vpop (erf)  }
0x1c7: {  	v27 =	vmul.f32 v28, v2;
	v25 =	vadd.f32 v25, v3;
	(erf) = vrcp.f32 v29;
	v19 =	vpop (erf)  }
0x1c8: {  	v28 =	vmul.f32 v28, v0;
	v7 =	vadd.f32 v7, v3;
	(erf) = vrcp.f32 v30;
	v22 =	vpop (erf)  }
0x1c9: {  	v29 =	vadd.f32 v9, v3;
	v9 =	vadd.f32 v27, v3;
	(erf) = vrcp.f32 v25  }
0x1ca: {  	v25 =	vmul.f32 v19, v2;
	(erf) = vrcp.f32 v7  }
0x1cb: {  	v5 =	vmul.f32 v20, v5;
	v7 =	vadd.f32 $2.000000000e+00, v17;
	(erf) = vrcp.f32 v9  }
0x1cc: {  	v17 =	vmul.f32 v24, v0;
	v9 =	vmul.f32 v16, v0;
	v16 =	vadd.f32 v25, v3  }
0x1cd: {  	v6 =	vadd.f32 $2.000000000e+00, v6;
	v5 =	vadd.f32 $2.000000000e+00, v5;
	v19 =	vmul.f32 v19, v0  }
0x1ce: {  	v20 =	vmul.f32 v26, v0;
	v24 =	vadd.f32 v9, v1;
	(erf) = vrcp.f32 v16  }
0x1cf: {  	v4 =	vmul.f32 v6, v4;
	v21 =	vadd.f32 v21, v1;
	v6 =	vmul.f32 v5, v11  }
0x1d0: {  	v12 =	vmul.f32 v14, v12;
	v5 =	vadd.f32 v23, v1;
	v9 =	vmul.f32 v22, v0;
	v11 =	vpop (erf)  }
0x1d1: {  	v17 =	vadd.f32 v17, v1;
	v7 =	vmul.f32 v7, v13;
	v11 =	vmul.f32 v11, v21;
	v16 =	vpop (erf)  }
0x1d2: {  	v4 =	vadd.f32 v4, v8;
	v13 =	vadd.f32 v28, v1;
	v5 =	vmul.f32 v16, v5;
	v16 =	vpop (erf)  }
0x1d3: {  	v7 =	vadd.f32 v7, v15;
	v8 =	vadd.s32 $0x4AFB0D, v11;
	v11 =	vmul.f32 v16, v17;
	v14 =	vpop (erf)  }
0x1d4: {  	v6 =	vadd.f32 v6, v18;
	v15 =	vand.u32 $0x7FFFFF, v8;
	v5 =	vadd.s32 $0x4AFB0D, v5;
	v16 =	vpop (erf)  }
0x1d5: {  	v15 =	vadd.s32 $0x3F3504F3, v15;
	v17 =	vand.u32 $0x7FFFFF, v5;
	[tilespmem:s12+$0xFFFFFFE0] =	vst v7;
	v7 =	vadd.f32 v12, v10;
	s12 =	smov.u32 s8  }
0x1d6: {  	v11 =	vadd.s32 $0x4AFB0D, v11;
	v10 =	vadd.f32 $1.000000000e+00, v15;
	v21 =	vadd.s32 $0x3F3504F3, v17;
	[tilespmem:s23+$0x0] =	vst v6  }
0x1d7: {  	v6 =	vshra.s32 v8, $0x17;
	v8 =	vand.u32 $0x7FFFFF, v11;
	v17 =	vadd.f32 $1.000000000e+00, v21;
	v18 =	vpop (erf);
	[tilespmem:s23+$0x10] =	vst v7  }
0x1d8: {  	v6 =	vadd.s32 $0xFFFFFF81, v6;
	v12 =	vadd.s32 $0x3F3504F3, v8;
	(erf) = vrcp.f32 v10;
	[tilespmem:s23+$0xFFFFFFE0] =	vst v4;
	s23 =	smov.u32 s26  }
0x1d9: {  	v8 =	vcvt.s32.f32 v6;
	v7 =	vadd.f32 $1.000000000e+00, v12;
	(erf) = vrcp.f32 v17  }
0x1da: {  	v4 =	vadd.f32 v20, v1;
	v6 =	vadd.f32 v19, v1;
	v10 =	vmul.f32 v16, v13  }
0x1db: {  	v13 =	vmul.f32 v22, v2;
	v19 =	vshra.s32 v11, $0x17;
	(erf) = vrcp.f32 v29  }
0x1dc: {  	v4 =	vmul.f32 v14, v4;
	v6 =	vmul.f32 v18, v6;
	v10 =	vadd.s32 $0x4AFB0D, v10  }
0x1dd: {  	v17 =	vadd.f32 v13, v3;
	v13 =	vshra.s32 v10, $0x17;
	v10 =	vand.u32 $0x7FFFFF, v10  }
0x1de: {  	v4 =	vadd.s32 $0x4AFB0D, v4;
	v14 =	vadd.s32 $0x4AFB0D, v6;
	v18 =	vadd.s32 $0x3F3504F3, v10  }
0x1df: {  	v6 =	vshra.s32 v4, $0x17;
	v22 =	vand.u32 $0x7FFFFF, v4;
	v10 =	vadd.f32 $1.000000000e+00, v18  }
0x1e0: {  	v11 =	vadd.f32 $-1.000000000e+00, v15;
	v23 =	vadd.s32 $0xFFFFFF81, v6;
	v15 =	vadd.s32 $0x3F3504F3, v22  }
0x1e1: {  	v16 =	vadd.f32 $-1.000000000e+00, v21;
	v20 =	vadd.f32 $1.000000000e+00, v15;
	v4 =	vpop (erf);
	(erf) = vrcp.f32 v10  }
0x1e2: {  	v10 =	vand.u32 $0x7FFFFF, v14;
	v4 =	vmul.f32 v4, v11;
	v11 =	vcvt.s32.f32 v23;
	v6 =	vpop (erf)  }
.Ltmp3:
0x1e3: {  	v21 =	vadd.s32 $0xFFFFFF81, v19;
	v16 =	vmul.f32 v6, v16;
	(erf) = vrcp.f32 v20;
	(pc) =	sbr.rel @p1 .LBB2_5-.Ltmp3, $4  }
0x1e4: {  	v19 =	vadd.s32 $0x3F3504F3, v10;
	v6 =	vmul.f32 v4, v4;
	v23 =	vpop (erf);
	(erf) = vrcp.f32 v7  }
0x1e5: {  	v10 =	vshra.s32 v14, $0x17;
	v22 =	vadd.f32 $1.000000000e+00, v19;
	v20 =	vmul.f32 v16, v16  }
0x1e6: {  	s13 =	sadd.s32 $0x40, s13;
	v14 =	vadd.s32 $0xFFFFFF81, v10;
	v10 =	vcvt.s32.f32 v21;
	v7 =	vmul.f32 $4.000000060e-01, v6  }
0x1e7: {  	s14 =	sadd.s32 $0x40, s14;
	s19 =	sadd.s32 $0x40, s19;
	s16 =	sadd.s32 $0x40, s16;
	v23 =	vmul.f32 v23, v24;
	v21 =	vmul.f32 $4.000000060e-01, v20  }
0x1e8: {  	(erf) = vrcp.f32 v22  }
0x1e9: {  	(erf) = vrcp.f32 v17;
	_ =	sdelay $0x4  }
0x1ea: {  	v17 =	vpop (erf)  }
0x1eb: {  	v22 =	vpop (erf)  }
0x1ec: {  	v24 =	vpop (erf)  }
0x1ed: {  	v9 =	vadd.f32 v9, v1;
	v18 =	vadd.f32 $-1.000000000e+00, v18;
	v23 =	vadd.s32 $0x4AFB0D, v23;
	v25 =	vpop (erf)  }
0x1ee: {  	v15 =	vadd.f32 $-1.000000000e+00, v15;
	v55 =	vand.u32 $0x7FFFFF, v23;
	v26 =	vpop (erf)  }
0x1ef: {  	v17 =	vmul.f32 v17, v18;
	v9 =	vmul.f32 v26, v9;
	v26 =	vadd.s32 $0x3F3504F3, v55  }
0x1f0: {  	v19 =	vadd.f32 $-1.000000000e+00, v19;
	v13 =	vadd.s32 $0xFFFFFF81, v13;
	v27 =	vadd.f32 $1.000000000e+00, v26  }
0x1f1: {  	v21 =	vadd.f32 $6.666666860e-01, v21;
	v13 =	vcvt.s32.f32 v13;
	v28 =	vmul.f32 v17, v17  }
0x1f2: {  	v15 =	vmul.f32 v22, v15;
	v9 =	vadd.s32 $0x4AFB0D, v9;
	(erf) = vrcp.f32 v27  }
0x1f3: {  	v22 =	vshra.s32 v23, $0x17;
	v23 =	vmul.f32 $4.000000060e-01, v28;
	v18 =	vand.u32 $0x7FFFFF, v9  }
0x1f4: {  	v20 =	vmul.f32 v21, v20;
	v22 =	vadd.s32 $0xFFFFFF81, v22;
	v18 =	vadd.s32 $0x3F3504F3, v18  }
0x1f5: {  	v21 =	vcvt.s32.f32 v22;
	v22 =	vadd.f32 $6.666666860e-01, v23;
	v29 =	vadd.f32 $1.000000000e+00, v18  }
0x1f6: {  	v12 =	vadd.f32 $-1.000000000e+00, v12;
	v23 =	vmul.f32 v15, v15;
	v19 =	vmul.f32 v25, v19  }
0x1f7: {  	v20 =	vadd.f32 $2.000000000e+00, v20;
	v22 =	vmul.f32 v22, v28;
	(erf) = vrcp.f32 v29  }
0x1f8: {  	v56 =	vmul.f32 $4.000000060e-01, v23;
	v25 =	vmul.f32 v19, v19  }
0x1f9: {  	v12 =	vmul.f32 v24, v12;
	v16 =	vmul.f32 v20, v16;
	v20 =	vadd.f32 $2.000000000e+00, v22  }
0x1fa: {  	v26 =	vadd.f32 $-1.000000000e+00, v26;
	v24 =	vadd.f32 $6.666666860e-01, v56;
	v57 =	vmul.f32 $4.000000060e-01, v25  }
0x1fb: {  	v13 =	vmul.f32 $6.931471820e-01, v13;
	v17 =	vmul.f32 v20, v17;
	v58 =	vpop (erf)  }
0x1fc: {  	v20 =	vmul.f32 v24, v23;
	v23 =	vadd.f32 $6.666666860e-01, v57;
	v24 =	vmul.f32 v58, v26  }
0x1fd: {  	v14 =	vcvt.s32.f32 v14;
	v11 =	vmul.f32 $6.931471820e-01, v11;
	v13 =	vadd.f32 v17, v13  }
0x1fe: {  	v20 =	vadd.f32 $2.000000000e+00, v20;
	v17 =	vmul.f32 v23, v25;
	v23 =	vmul.f32 v24, v24  }
0x1ff: {  	v5 =	vshra.s32 v5, $0x17;
	v22 =	vmul.f32 v12, v12;
	v18 =	vadd.f32 $-1.000000000e+00, v18  }
0x200: {  	v5 =	vadd.s32 $0xFFFFFF81, v5;
	v15 =	vmul.f32 v20, v15;
	v60 =	vpop (erf);
	v20 =	vmul.f32 $4.000000060e-01, v23  }
0x201: {  	v14 =	vmul.f32 $6.931471820e-01, v14;
	v17 =	vadd.f32 $2.000000000e+00, v17;
	v18 =	vmul.f32 v60, v18  }
0x202: {  	v59 =	vmul.f32 $4.000000060e-01, v22;
	v11 =	vadd.f32 v15, v11;
	v15 =	vadd.f32 $6.666666860e-01, v20  }
0x203: {  	v5 =	vcvt.s32.f32 v5;
	v61 =	vmul.f32 v18, v18  }
0x204: {  	v17 =	vmul.f32 v17, v19;
	v20 =	vadd.f32 $6.666666860e-01, v59;
	v15 =	vmul.f32 v15, v23  }
0x205: {  	v7 =	vadd.f32 $6.666666860e-01, v7;
	v5 =	vmul.f32 $6.931471820e-01, v5;
	v62 =	vmul.f32 $4.000000060e-01, v61  }
0x206: {  	v14 =	vadd.f32 v17, v14;
	v17 =	vmul.f32 v20, v22;
	v15 =	vadd.f32 $2.000000000e+00, v15  }
0x207: {  	v6 =	vmul.f32 v7, v6;
	v5 =	vadd.f32 v16, v5;
	v19 =	vadd.f32 $6.666666860e-01, v62  }
0x208: {  	[tilespmem:s12+$0x10] =	vst v13;
	v13 =	vmul.f32 $6.931471820e-01, v21;
	v16 =	vadd.f32 $2.000000000e+00, v17;
	v15 =	vmul.f32 v15, v24  }
0x209: {  	v6 =	vadd.f32 $2.000000000e+00, v6;
	v9 =	vshra.s32 v9, $0x17;
	[tilespmem:s12+$0xFFFFFFF0] =	vst v11;
	v19 =	vmul.f32 v19, v61  }
0x20a: {  	v9 =	vadd.s32 $0xFFFFFF81, v9;
	[tilespmem:s23+$0xFFFFFFF0] =	vst v5;
	v11 =	vmul.f32 v16, v12;
	v12 =	vadd.f32 v15, v13  }
0x20b: {  	v10 =	vmul.f32 $6.931471820e-01, v10;
	v9 =	vcvt.s32.f32 v9;
	[tilespmem:s12+$0x0] =	vst v14;
	v7 =	vadd.f32 $2.000000000e+00, v19  }
0x20c: {  	v8 =	vmul.f32 $6.931471820e-01, v8;
	v4 =	vmul.f32 v6, v4;
	[tilespmem:s12+$0xFFFFFFE0] =	vst v12  }
0x20d: {  	v9 =	vmul.f32 $6.931471820e-01, v9;
	v6 =	vadd.f32 v11, v10;
	v7 =	vmul.f32 v7, v18;
	s8 =	rddreg [dreg:$0x11]  }
0x20e: {  	v4 =	vadd.f32 v4, v8;
	s8 =	sadd.s32 s21, s8  }
0x20f: {  	[tilespmem:s23+$0x10] =	vst v6;
	v5 =	vadd.f32 v7, v9;
	s8 =	sshll.u32 s8, $0x6  }
0x210: {  	[tilespmem:s23+$0xFFFFFFE0] =	vst v4;
	s8 =	sand.u32 $0x1FFFFF40, s8  }
0x211: {  	s14 =	simm.s32 $0x19F80;
	[tilespmem:s23+$0x0] =	vst v5;
	s9 =	sadd.s32 s10, s8  }
0x212: {  	[hbm4b:s9+s2] =	stream.linear.scatter [tilespmem:s14], [sflag:$0x4], $0x200, $0x38;
	[tilespmem:$0x1BBF0] =	vst v63  }
0x213: {  	s8 =	sadd.s32 s11, s8;
	s16 =	rddreg [dreg:$0x12]  }
0x214: {  	[hbm4b:s8+s2] =	stream.linear.scatter [tilespmem:s25], [sflag:$0x4], $0x200, $0x38;
	[tilespmem:$0x1BBF0] =	vst v63  }
0x215: {  	s8 =	sadd.s32 s21, s16  }
0x216: {  	s8 =	sshll.u32 s8, $0x6  }
0x217: {  	[spmem:s1] =	stream.indirect.scatter.add.f32 [tilespmem:s25], [sflag:$0x6], $0x1, s22, s18, $0xb8;
	[tilespmem:$0x1BBF0] =	vst v63  }
0x218: {  	s23 =	sand.u32 $0x1FFFFFC0, s8  }
0x219: {  	s19 =	simm.s32 $0x18D80;
	s8 =	sadd.s32 s4, s23  }
0x21a: {  	[tilespmem:s19], [sflag:$0x2] =	stream.linear.gather [hbm4b:s8+s2], $0x200, $0x38;
	[tilespmem:$0x1BBF0] =	vst v63  }
0x21b: {  	s26 =	simm.s32 $0x19980;
	s22 =	sadd.s32 s5, s23  }
0x21c: {  	[tilespmem:s26], [sflag:$0x2] =	stream.linear.gather [hbm4b:s22+s2], $0x200, $0x38;
	[tilespmem:$0x1BBF0] =	vst v63  }
0x21d: {  	s13 =	simm.s32 $0x19B80;
	s12 =	sadd.s32 s6, s23  }
0x21e: {  	[tilespmem:s13], [sflag:$0x2] =	stream.linear.gather [hbm4b:s12+s2], $0x200, $0x38;
	[tilespmem:$0x1BBF0] =	vst v63  }
0x21f: {  	s16 =	simm.s32 $0x19D80;
	s14 =	sadd.s32 s7, s23  }
0x220: {  	[tilespmem:s16], [sflag:$0x2] =	stream.linear.gather [hbm4b:s14+s2], $0x200, $0x38;
	[tilespmem:$0x1BBF0] =	vst v63  }
0x221: {  	_ =	swait.ge [sflag:s15], $0x200  }
0x222: {  	[sflag:s15] =	ssyncset.done $0x0  }
0x223: {  	[sflag:s15] =	ssyncadd.s32 $0xFFFFFE00  }
0x224: {  	_ =	swait.ge [sflag:s15], $0x200  }
0x225: {  	[sflag:s15] =	ssyncset.done $0x0  }
0x226: {  	[sflag:s15] =	ssyncadd.s32 $0xFFFFFE00  }
0x227: {  	_ =	swait.ge [sflag:s15], $0x200  }
0x228: {  	[sflag:s15] =	ssyncset.done $0x0  }
0x229: {  	[sflag:s15] =	ssyncadd.s32 $0xFFFFFE00  }
0x22a: {  	_ =	swait.ge [sflag:s15], $0x200  }
0x22b: {  	[sflag:s15] =	ssyncset.done $0x0  }
0x22c: {  	[sflag:s15] =	ssyncadd.s32 $0xFFFFFE00  }
0x22d: {  	_ =	swait.ge [sflag:s31], $0x200  }
0x22e: {  	[sflag:s31] =	ssyncset.done $0x0  }
0x22f: {  	[sflag:s31] =	ssyncadd.s32 $0xFFFFFE00  }
0x230: {  	_ =	swait.ge [sflag:s31], $0x200  }
0x231: {  	[sflag:s31] =	ssyncset.done $0x0  }
0x232: {  	[sflag:s31] =	ssyncadd.s32 $0xFFFFFE00  }
0x233: {  	_ =	swait.ge [sflag:s0], $0x200  }
0x234: {  	[sflag:s0] =	ssyncset.done $0x0  }
0x235: {  	s19 =	simm.s32 $0x18BA0;
	[sflag:s0] =	ssyncadd.s32 $0xFFFFFE00  }
0x236: {  	v4 =	vld [tilespmem:s19+$0xFFFFFFF0]  }
0x237: {  	s22 =	simm.s32 $0x18FA0;
	v5 =	vld [tilespmem:s19+$0xFFFFFFE0]  }
0x238: {  	v6 =	vld [tilespmem:s22+$0xFFFFFFE0]  }
0x239: {  	s26 =	simm.s32 $0x191A0;
	v7 =	vld [tilespmem:s22+$0xFFFFFFF0]  }
0x23a: {  	v8 =	vld [tilespmem:s26+$0xFFFFFFE0]  }
0x23b: {  	v9 =	vld [tilespmem:s26+$0x10]  }
0x23c: {  	s13 =	simm.s32 $0x193A0;
	v11 =	vld [tilespmem:s22+$0x10]  }
0x23d: {  	v10 =	vld [tilespmem:s13+$0xFFFFFFE0]  }
0x23e: {  	v12 =	vld [tilespmem:s19+$0x10]  }
0x23f: {  	v5 =	vld.idx.msk [tilespmem:v5+s2+$0x0], $0xffff  }
0x240: {  	v6 =	vld.idx.msk [tilespmem:v6+s2+$0x0], $0xffff  }
0x241: {  	v13 =	vld [tilespmem:s26+$0xFFFFFFF0]  }
0x242: {  	v7 =	vld.idx.msk [tilespmem:v7+s2+$0x0], $0xffff  }
0x243: {  	v15 =	vld [tilespmem:s19+$0x0]  }
0x244: {  	v11 =	vld.idx.msk [tilespmem:v11+s2+$0x0], $0xffff;
	v5 =	vsub.f32 v5, v10  }
0x245: {  	v10 =	vld [tilespmem:s22+$0x0];
	v6 =	vsub.f32 v6, v8  }
0x246: {  	v14 =	vld [tilespmem:s13+$0x10];
	v5 =	vmax.f32 v5, $-2.500000000e+01  }
0x247: {  	v4 =	vld.idx.msk [tilespmem:v4+s2+$0x0], $0xffff;
	v7 =	vsub.f32 v7, v13;
	v6 =	vmax.f32 v6, $-2.500000000e+01;
	v5 =	vmin.f32 v5, $2.500000000e+01  }
0x248: {  	v8 =	vld [tilespmem:s13+$0xFFFFFFF0];
	v6 =	vmin.f32 v6, $2.500000000e+01;
	v5 =	vmul.f32 $1.442695020e+00, v5  }
0x249: {  	v12 =	vld.idx.msk [tilespmem:v12+s2+$0x0], $0xffff;
	v7 =	vmax.f32 v7, $-2.500000000e+01;
	v6 =	vmul.f32 $1.442695020e+00, v6  }
0x24a: {  	v9 =	vsub.f32 v11, v9;
	v11 =	vld [tilespmem:s13+$0x0];
	v7 =	vmin.f32 v7, $2.500000000e+01;
	(erf) = vpow2.f32 v5  }
0x24b: {  	v7 =	vmul.f32 $1.442695020e+00, v7;
	(erf) = vpow2.f32 v6;
	v6 =	vld.idx.msk [tilespmem:v15+s2+$0x0], $0xffff  }
0x24c: {  	v5 =	vld [tilespmem:s26+$0x0]  }
0x24d: {  	v9 =	vmax.f32 v9, $-2.500000000e+01;
	v4 =	vsub.f32 v4, v8;
	(erf) = vpow2.f32 v7;
	v7 =	vld.idx.msk [tilespmem:v10+s2+$0x0], $0xffff  }
0x24e: {  	v8 =	vmin.f32 v9, $2.500000000e+01;
	v9 =	vsub.f32 v12, v14  }
0x24f: {  	v8 =	vmul.f32 $1.442695020e+00, v8;
	v4 =	vmax.f32 v4, $-2.500000000e+01  }
0x250: {  	v9 =	vmax.f32 v9, $-2.500000000e+01;
	v4 =	vmin.f32 v4, $2.500000000e+01;
	v6 =	vsub.f32 v6, v11  }
0x251: {  	(erf) = vpow2.f32 v8;
	v8 =	vmin.f32 v9, $2.500000000e+01;
	v4 =	vmul.f32 $1.442695020e+00, v4  }
0x252: {  	v8 =	vmul.f32 $1.442695020e+00, v8;
	v5 =	vsub.f32 v7, v5  }
0x253: {  	(erf) = vpow2.f32 v4;
	v4 =	vmax.f32 v6, $-2.500000000e+01  }
0x254: {  	(erf) = vpow2.f32 v8;
	v5 =	vmax.f32 v5, $-2.500000000e+01;
	v4 =	vmin.f32 v4, $2.500000000e+01;
	v6 =	vpop (erf)  }
0x255: {  	v5 =	vmin.f32 v5, $2.500000000e+01;
	v4 =	vmul.f32 $1.442695020e+00, v4;
	v7 =	vpop (erf)  }
0x256: {  	v5 =	vmul.f32 $1.442695020e+00, v5;
	v8 =	vmul.f32 v7, v2  }
0x257: {  	v9 =	vpop (erf)  }
0x258: {  	(erf) = vpow2.f32 v4;
	v10 =	vmul.f32 v9, v2;
	v4 =	vadd.f32 v8, v3;
	_ =	sdelay $0x1  }
0x259: {  	(erf) = vpow2.f32 v5;
	v5 =	vpop (erf);
	v8 =	vadd.f32 v10, v3  }
0x25a: {  	v10 =	vmul.f32 v5, v2;
	(erf) = vrcp.f32 v4  }
0x25b: {  	(erf) = vrcp.f32 v8;
	v4 =	vpop (erf)  }
0x25c: {  	v8 =	vadd.f32 v10, v3;
	v10 =	vmul.f32 v4, v2;
	v11 =	vpop (erf)  }
0x25d: {  	v12 =	vmul.f32 v11, v2  }
0x25e: {  	v7 =	vmul.f32 v7, v0;
	(erf) = vrcp.f32 v8;
	v10 =	vadd.f32 v10, v3  }
0x25f: {  	v8 =	vmul.f32 v6, v2;
	v12 =	vadd.f32 v12, v3  }
0x260: {  	v9 =	vmul.f32 v9, v0;
	v7 =	vadd.f32 v7, v1;
	v13 =	vpop (erf)  }
0x261: {  	v5 =	vmul.f32 v5, v0;
	v14 =	vadd.f32 v8, v3;
	v8 =	vmul.f32 v13, v2  }
0x262: {  	v9 =	vadd.f32 v9, v1;
	v4 =	vmul.f32 v4, v0;
	(erf) = vrcp.f32 v10;
	v10 =	vpop (erf)  }
0x263: {  	v6 =	vmul.f32 v6, v0;
	v8 =	vadd.f32 v8, v3;
	(erf) = vrcp.f32 v12;
	v12 =	vpop (erf)  }
0x264: {  	v11 =	vmul.f32 v11, v0;
	v7 =	vmul.f32 v12, v7;
	v12 =	vpop (erf)  }
0x265: {  	v21 =	vadd.f32 v6, v1;
	(erf) = vrcp.f32 v8;
	v6 =	vmul.f32 v12, v9  }
0x266: {  	v4 =	vadd.f32 v4, v1;
	v8 =	vadd.f32 v5, v1;
	v7 =	vadd.s32 $0x4AFB0D, v7  }
0x267: {  	v13 =	vmul.f32 v13, v0;
	v12 =	vpop (erf);
	v15 =	vand.u32 $0x7FFFFF, v7;
	v5 =	vadd.s32 $0x4AFB0D, v6  }
0x268: {  	v6 =	vmul.f32 v12, v8;
	v15 =	vadd.s32 $0x3F3504F3, v15;
	v8 =	vand.u32 $0x7FFFFF, v5  }
0x269: {  	v11 =	vadd.f32 v11, v1;
	v12 =	vadd.f32 $1.000000000e+00, v15;
	v16 =	vadd.s32 $0x3F3504F3, v8  }
0x26a: {  	v13 =	vadd.f32 v13, v1;
	v9 =	vmul.f32 v10, v0;
	v17 =	vadd.f32 $1.000000000e+00, v16  }
0x26b: {  	v10 =	vmul.f32 v10, v2;
	v7 =	vshra.s32 v7, $0x17;
	v18 =	vpop (erf);
	(erf) = vrcp.f32 v12  }
0x26c: {  	v6 =	vadd.s32 $0x4AFB0D, v6;
	v4 =	vmul.f32 v18, v4;
	v19 =	vpop (erf);
	(erf) = vrcp.f32 v17  }
0x26d: {  	v7 =	vadd.s32 $0xFFFFFF81, v7;
	v8 =	vand.u32 $0x7FFFFF, v6;
	v11 =	vmul.f32 v19, v11  }
0x26e: {  	v6 =	vshra.s32 v6, $0x17;
	v4 =	vadd.s32 $0x4AFB0D, v4;
	v19 =	vadd.f32 $-1.000000000e+00, v15;
	v17 =	vpop (erf)  }
0x26f: {  	(erf) = vrcp.f32 v14;
	v11 =	vadd.s32 $0x4AFB0D, v11;
	v14 =	vmul.f32 v17, v13  }
0x270: {  	v17 =	vadd.f32 v10, v3;
	v10 =	vand.u32 $0x7FFFFF, v11;
	v13 =	vshra.s32 v11, $0x17  }
0x271: {  	v11 =	vshra.s32 v4, $0x17;
	v4 =	vand.u32 $0x7FFFFF, v4;
	v18 =	vadd.s32 $0x3F3504F3, v10  }
0x272: {  	v16 =	vadd.f32 $-1.000000000e+00, v16;
	v10 =	vadd.s32 $0x4AFB0D, v14;
	v14 =	vadd.f32 $1.000000000e+00, v18  }
0x273: {  	v12 =	vadd.s32 $0x3F3504F3, v8;
	v8 =	vcvt.s32.f32 v7;
	v15 =	vadd.s32 $0x3F3504F3, v4  }
0x274: {  	v23 =	vadd.s32 $0xFFFFFF81, v6;
	v4 =	vpop (erf);
	(erf) = vrcp.f32 v14;
	v14 =	vadd.f32 $1.000000000e+00, v15  }
0x275: {  	v7 =	vadd.f32 $1.000000000e+00, v12;
	v11 =	vadd.s32 $0xFFFFFF81, v11;
	v4 =	vmul.f32 v4, v19;
	v19 =	vpop (erf)  }
0x276: {  	v20 =	vand.u32 $0x7FFFFF, v10;
	v16 =	vmul.f32 v19, v16;
	(erf) = vrcp.f32 v14  }
0x277: {  	v11 =	vcvt.s32.f32 v11;
	v19 =	vadd.s32 $0x3F3504F3, v20;
	(erf) = vrcp.f32 v7  }
0x278: {  	s9 =	simm.s32 $0x195A0;
	s8 =	simm.s32 $0x197A0;
	s12 =	simm.s32 $0x197A0;
	v14 =	vshra.s32 v10, $0x17;
	v6 =	vmul.f32 v4, v4;
	v63 =	vpop (erf);
	v20 =	vmul.f32 v16, v16  }
0x279: {  	s14 =	simm.s32 $0x191E0;
	s16 =	simm.s32 $0x193E0;
	s19 =	simm.s32 $0x18FE0;
	v10 =	vcvt.s32.f32 v23;
	v22 =	vadd.f32 $1.000000000e+00, v19;
	v23 =	vmul.f32 v63, v21  }
0x27a: {  	s13 =	simm.s32 $0x0;
	s22 =	simm.s32 $0x18BE0;
	s26 =	simm.s32 $0x195A0;
	v14 =	vadd.s32 $0xFFFFFF81, v14;
	v7 =	vmul.f32 $4.000000060e-01, v6;
	v21 =	vmul.f32 $4.000000060e-01, v20  }
.LBB2_7:
0x27b: {  	v24 =	vld [tilespmem:s22+$0xFFFFFFF0];
	s13 =	sadd.s32 $0x40, s13;
	v12 =	vadd.f32 $-1.000000000e+00, v12;
	s8 =	sadd.s32 $0x40, s8;
	s9 =	sadd.s32 $0x40, s9;
	(erf) = vrcp.f32 v22  }
0x27c: {  	v25 =	vadd.f32 $-1.000000000e+00, v18;
	v22 =	vld [tilespmem:s16+$0x0];
	p1 =	slt.u32 s13, $0x1C0;
	v23 =	vadd.s32 $0x4AFB0D, v23;
	v21 =	vadd.f32 $6.666666860e-01, v21  }
0x27d: {  	v18 =	vld [tilespmem:s14+$0xFFFFFFE0];
	v26 =	vshra.s32 v23, $0x17;
	v23 =	vand.u32 $0x7FFFFF, v23;
	(erf) = vrcp.f32 v17;
	v17 =	vpop (erf)  }
0x27e: {  	v27 =	vld [tilespmem:s14+$0x0];
	v23 =	vadd.s32 $0x3F3504F3, v23;
	v20 =	vmul.f32 v21, v20;
	v21 =	vmul.f32 v17, v25  }
0x27f: {  	v28 =	vadd.f32 $-1.000000000e+00, v15;
	v17 =	vadd.s32 $0xFFFFFF81, v26;
	v25 =	vld [tilespmem:s14+$0x10];
	v26 =	vadd.f32 $1.000000000e+00, v23;
	v29 =	vpop (erf)  }
0x280: {  	v15 =	vcvt.s32.f32 v17;
	v30 =	vld [tilespmem:s16+$0x10];
	v17 =	vadd.f32 $2.000000000e+00, v20;
	v20 =	vmul.f32 v21, v21;
	v31 =	vpop (erf)  }
0x281: {  	v28 =	vmul.f32 v29, v28;
	v32 =	vld [tilespmem:s16+$0xFFFFFFF0];
	v12 =	vmul.f32 v31, v12  }
0x282: {  	v29 =	vld [tilespmem:s16+$0xFFFFFFE0];
	v17 =	vmul.f32 v17, v16;
	v31 =	vmul.f32 $4.000000060e-01, v20  }
0x283: {  	v19 =	vadd.f32 $-1.000000000e+00, v19;
	v10 =	vmul.f32 $6.931471820e-01, v10;
	v33 =	vld [tilespmem:s19+$0x0];
	v16 =	vmul.f32 v12, v12  }
0x284: {  	v8 =	vmul.f32 $6.931471820e-01, v8;
	v34 =	vld [tilespmem:s22+$0x0];
	v31 =	vadd.f32 $6.666666860e-01, v31;
	(erf) = vrcp.f32 v26;
	v26 =	vpop (erf)  }
0x285: {  	v36 =	vmul.f32 v28, v28;
	v35 =	vld [tilespmem:s22+$0xFFFFFFE0];
	v19 =	vmul.f32 v26, v19  }
0x286: {  	v9 =	vadd.f32 v9, v1;
	v26 =	vld [tilespmem:s22+$0x10];
	v20 =	vmul.f32 v31, v20;
	v31 =	vmul.f32 $4.000000060e-01, v16;
	v37 =	vpop (erf)  }
0x287: {  	v13 =	vadd.s32 $0xFFFFFF81, v13;
	v39 =	vmul.f32 $4.000000060e-01, v36;
	v38 =	vld [tilespmem:s19+$0x10];
	v40 =	vmul.f32 v19, v19  }
0x288: {  	v13 =	vcvt.s32.f32 v13;
	v9 =	vmul.f32 v37, v9;
	v41 =	vld [tilespmem:s19+$0xFFFFFFE0];
	v20 =	vadd.f32 $2.000000000e+00, v20  }
0x289: {  	v23 =	vadd.f32 $-1.000000000e+00, v23;
	v39 =	vadd.f32 $6.666666860e-01, v39;
	v37 =	vld [tilespmem:s19+$0xFFFFFFF0];
	v42 =	vmul.f32 $4.000000060e-01, v40  }
0x28a: {  	v43 =	vmul.f32 $6.931471820e-01, v13;
	v9 =	vadd.s32 $0x4AFB0D, v9;
	v24 =	vld.idx.msk [tilespmem:v24+s2+$0x0], $0xffff;
	v20 =	vmul.f32 v20, v21  }
0x28b: {  	v21 =	vld.idx.msk [tilespmem:v33+s2+$0x0], $0xffff;
	v33 =	vmul.f32 v39, v36;
	v36 =	vadd.f32 $6.666666860e-01, v42;
	v39 =	vand.u32 $0x7FFFFF, v9  }
0x28c: {  	v9 =	vshra.s32 v9, $0x17;
	v34 =	vld.idx.msk [tilespmem:v34+s2+$0x0], $0xffff;
	v39 =	vadd.s32 $0x3F3504F3, v39;
	v20 =	vadd.f32 v20, v43  }
0x28d: {  	v35 =	vld.idx.msk [tilespmem:v35+s2+$0x0], $0xffff;
	v33 =	vadd.f32 $2.000000000e+00, v33;
	v36 =	vmul.f32 v36, v40;
	v40 =	vadd.f32 $1.000000000e+00, v39;
	v13 =	vpop (erf)  }
0x28e: {  	v14 =	vcvt.s32.f32 v14;
	v9 =	vadd.s32 $0xFFFFFF81, v9;
	v26 =	vld.idx.msk [tilespmem:v26+s2+$0x0], $0xffff;
	v13 =	vmul.f32 v13, v23;
	[tilespmem:s26+$0x10] =	vst v20  }
0x28f: {  	v11 =	vmul.f32 $6.931471820e-01, v11;
	v20 =	vld.idx.msk [tilespmem:v38+s2+$0x0], $0xffff;
	v23 =	vmul.f32 v33, v28;
	v28 =	vadd.f32 $2.000000000e+00, v36  }
0x290: {  	v14 =	vmul.f32 $6.931471820e-01, v14;
	v24 =	vsub.f32 v24, v32;
	v33 =	vld.idx.msk [tilespmem:v41+s2+$0x0], $0xffff;
	(erf) = vrcp.f32 v40  }
0x291: {  	v21 =	vsub.f32 v21, v27;
	v32 =	vld.idx.msk [tilespmem:v37+s2+$0x0], $0xffff;
	v11 =	vadd.f32 v23, v11;
	v19 =	vmul.f32 v28, v19  }
0x292: {  	v9 =	vcvt.s32.f32 v9;
	v27 =	vmul.f32 v13, v13;
	v22 =	vsub.f32 v34, v22;
	v23 =	vld [tilespmem:s14+$0xFFFFFFF0]  }
0x293: {  	v28 =	vsub.f32 v35, v29;
	v21 =	vmax.f32 v21, $-2.500000000e+01;
	[tilespmem:s26+$0xFFFFFFF0] =	vst v11;
	v11 =	vadd.f32 v19, v14  }
0x294: {  	v5 =	vshra.s32 v5, $0x17;
	v14 =	vmax.f32 v22, $-2.500000000e+01;
	v19 =	vsub.f32 v26, v30  }
0x295: {  	v24 =	vmax.f32 v24, $-2.500000000e+01;
	v22 =	vmax.f32 v28, $-2.500000000e+01;
	v20 =	vsub.f32 v20, v25;
	[tilespmem:s26+$0x0] =	vst v11  }
0x296: {  	v11 =	vmin.f32 v22, $2.500000000e+01;
	v18 =	vsub.f32 v33, v18;
	v19 =	vmax.f32 v19, $-2.500000000e+01  }
0x297: {  	v19 =	vmin.f32 v19, $2.500000000e+01;
	v20 =	vmax.f32 v20, $-2.500000000e+01;
	v22 =	vsub.f32 v32, v23  }
0x298: {  	v11 =	vmul.f32 $1.442695020e+00, v11;
	v18 =	vmax.f32 v18, $-2.500000000e+01;
	v19 =	vmul.f32 $1.442695020e+00, v19  }
0x299: {  	v20 =	vmin.f32 v20, $2.500000000e+01;
	v18 =	vmin.f32 v18, $2.500000000e+01;
	v22 =	vmax.f32 v22, $-2.500000000e+01;
	v23 =	vpop (erf)  }
0x29a: {  	v20 =	vmul.f32 $1.442695020e+00, v20;
	v18 =	vmul.f32 $1.442695020e+00, v18;
	v22 =	vmin.f32 v22, $2.500000000e+01  }
0x29b: {  	v5 =	vadd.s32 $0xFFFFFF81, v5;
	v22 =	vmul.f32 $1.442695020e+00, v22;
	(erf) = vpow2.f32 v11  }
0x29c: {  	v5 =	vcvt.s32.f32 v5;
	v11 =	vmin.f32 v24, $2.500000000e+01;
	(erf) = vpow2.f32 v18  }
0x29d: {  	v14 =	vmin.f32 v14, $2.500000000e+01;
	v11 =	vmul.f32 $1.442695020e+00, v11;
	(erf) = vpow2.f32 v22  }
0x29e: {  	v5 =	vmul.f32 $6.931471820e-01, v5;
	v18 =	vmin.f32 v21, $2.500000000e+01;
	(erf) = vpow2.f32 v20  }
0x29f: {  	v14 =	vmul.f32 $1.442695020e+00, v14;
	(erf) = vpow2.f32 v11;
	v11 =	vadd.f32 $-1.000000000e+00, v39  }
0x2a0: {  	v5 =	vadd.f32 v17, v5;
	v18 =	vmul.f32 $1.442695020e+00, v18;
	(erf) = vpow2.f32 v19  }
0x2a1: {  	(erf) = vpow2.f32 v14;
	v11 =	vmul.f32 v23, v11;
	v14 =	vadd.f32 $6.666666860e-01, v31  }
0x2a2: {  	v17 =	vmul.f32 $4.000000060e-01, v27;
	(erf) = vpow2.f32 v18;
	[tilespmem:s12+$0xFFFFFFF0] =	vst v5  }
0x2a3: {  	v5 =	vmul.f32 v11, v11;
	v14 =	vmul.f32 v14, v16  }
0x2a4: {  	v15 =	vmul.f32 $6.931471820e-01, v15;
	v17 =	vadd.f32 $6.666666860e-01, v17;
	v18 =	vmul.f32 $6.931471820e-01, v9;
	v16 =	vpop (erf)  }
0x2a5: {  	v9 =	vmul.f32 v16, v2;
	v19 =	vpop (erf);
	v20 =	vmul.f32 $4.000000060e-01, v5;
	v14 =	vadd.f32 $2.000000000e+00, v14  }
0x2a6: {  	v7 =	vadd.f32 $6.666666860e-01, v7;
	v21 =	vmul.f32 v19, v0;
	v19 =	vmul.f32 v19, v2;
	v22 =	vpop (erf)  }
0x2a7: {  	v23 =	vmul.f32 v22, v0;
	v22 =	vmul.f32 v22, v2;
	v24 =	vpop (erf);
	v20 =	vadd.f32 $6.666666860e-01, v20  }
0x2a8: {  	v6 =	vmul.f32 v7, v6;
	v29 =	vadd.f32 v19, v3;
	v25 =	vmul.f32 v24, v2;
	v26 =	vpop (erf)  }
0x2a9: {  	v17 =	vmul.f32 v17, v27;
	v7 =	vmul.f32 v26, v2;
	v30 =	vadd.f32 v22, v3;
	v28 =	vpop (erf)  }
0x2aa: {  	v27 =	vmul.f32 v28, v2;
	v25 =	vadd.f32 v25, v3;
	(erf) = vrcp.f32 v29;
	v19 =	vpop (erf)  }
0x2ab: {  	v28 =	vmul.f32 v28, v0;
	v7 =	vadd.f32 v7, v3;
	(erf) = vrcp.f32 v30;
	v22 =	vpop (erf)  }
0x2ac: {  	v29 =	vadd.f32 v9, v3;
	v9 =	vadd.f32 v27, v3;
	(erf) = vrcp.f32 v25  }
0x2ad: {  	v25 =	vmul.f32 v19, v2;
	(erf) = vrcp.f32 v7  }
0x2ae: {  	v5 =	vmul.f32 v20, v5;
	v7 =	vadd.f32 $2.000000000e+00, v17;
	(erf) = vrcp.f32 v9  }
0x2af: {  	v17 =	vmul.f32 v24, v0;
	v9 =	vmul.f32 v16, v0;
	v16 =	vadd.f32 v25, v3  }
0x2b0: {  	v6 =	vadd.f32 $2.000000000e+00, v6;
	v5 =	vadd.f32 $2.000000000e+00, v5;
	v19 =	vmul.f32 v19, v0  }
0x2b1: {  	v20 =	vmul.f32 v26, v0;
	v24 =	vadd.f32 v9, v1;
	(erf) = vrcp.f32 v16  }
0x2b2: {  	v4 =	vmul.f32 v6, v4;
	v21 =	vadd.f32 v21, v1;
	v6 =	vmul.f32 v5, v11  }
0x2b3: {  	v12 =	vmul.f32 v14, v12;
	v5 =	vadd.f32 v23, v1;
	v9 =	vmul.f32 v22, v0;
	v11 =	vpop (erf)  }
0x2b4: {  	v17 =	vadd.f32 v17, v1;
	v7 =	vmul.f32 v7, v13;
	v11 =	vmul.f32 v11, v21;
	v16 =	vpop (erf)  }
0x2b5: {  	v4 =	vadd.f32 v4, v8;
	v13 =	vadd.f32 v28, v1;
	v5 =	vmul.f32 v16, v5;
	v16 =	vpop (erf)  }
0x2b6: {  	v7 =	vadd.f32 v7, v15;
	v8 =	vadd.s32 $0x4AFB0D, v11;
	v11 =	vmul.f32 v16, v17;
	v14 =	vpop (erf)  }
0x2b7: {  	v6 =	vadd.f32 v6, v18;
	v15 =	vand.u32 $0x7FFFFF, v8;
	v5 =	vadd.s32 $0x4AFB0D, v5;
	v16 =	vpop (erf)  }
0x2b8: {  	v15 =	vadd.s32 $0x3F3504F3, v15;
	v17 =	vand.u32 $0x7FFFFF, v5;
	[tilespmem:s26+$0xFFFFFFE0] =	vst v7;
	v7 =	vadd.f32 v12, v10;
	s26 =	smov.u32 s9  }
0x2b9: {  	v11 =	vadd.s32 $0x4AFB0D, v11;
	v10 =	vadd.f32 $1.000000000e+00, v15;
	v21 =	vadd.s32 $0x3F3504F3, v17;
	[tilespmem:s12+$0x0] =	vst v6  }
0x2ba: {  	v6 =	vshra.s32 v8, $0x17;
	v8 =	vand.u32 $0x7FFFFF, v11;
	v17 =	vadd.f32 $1.000000000e+00, v21;
	v18 =	vpop (erf);
	[tilespmem:s12+$0x10] =	vst v7  }
0x2bb: {  	v6 =	vadd.s32 $0xFFFFFF81, v6;
	v12 =	vadd.s32 $0x3F3504F3, v8;
	(erf) = vrcp.f32 v10;
	[tilespmem:s12+$0xFFFFFFE0] =	vst v4;
	s12 =	smov.u32 s8  }
0x2bc: {  	v8 =	vcvt.s32.f32 v6;
	v7 =	vadd.f32 $1.000000000e+00, v12;
	(erf) = vrcp.f32 v17  }
0x2bd: {  	v4 =	vadd.f32 v20, v1;
	v6 =	vadd.f32 v19, v1;
	v10 =	vmul.f32 v16, v13  }
0x2be: {  	v13 =	vmul.f32 v22, v2;
	v19 =	vshra.s32 v11, $0x17;
	(erf) = vrcp.f32 v29  }
0x2bf: {  	v4 =	vmul.f32 v14, v4;
	v6 =	vmul.f32 v18, v6;
	v10 =	vadd.s32 $0x4AFB0D, v10  }
0x2c0: {  	v17 =	vadd.f32 v13, v3;
	v13 =	vshra.s32 v10, $0x17;
	v10 =	vand.u32 $0x7FFFFF, v10  }
0x2c1: {  	v4 =	vadd.s32 $0x4AFB0D, v4;
	v14 =	vadd.s32 $0x4AFB0D, v6;
	v18 =	vadd.s32 $0x3F3504F3, v10  }
0x2c2: {  	v6 =	vshra.s32 v4, $0x17;
	v22 =	vand.u32 $0x7FFFFF, v4;
	v10 =	vadd.f32 $1.000000000e+00, v18  }
0x2c3: {  	v11 =	vadd.f32 $-1.000000000e+00, v15;
	v23 =	vadd.s32 $0xFFFFFF81, v6;
	v15 =	vadd.s32 $0x3F3504F3, v22  }
0x2c4: {  	v16 =	vadd.f32 $-1.000000000e+00, v21;
	v20 =	vadd.f32 $1.000000000e+00, v15;
	v4 =	vpop (erf);
	(erf) = vrcp.f32 v10  }
0x2c5: {  	v10 =	vand.u32 $0x7FFFFF, v14;
	v4 =	vmul.f32 v4, v11;
	v11 =	vcvt.s32.f32 v23;
	v6 =	vpop (erf)  }
.Ltmp4:
0x2c6: {  	v21 =	vadd.s32 $0xFFFFFF81, v19;
	v16 =	vmul.f32 v6, v16;
	(erf) = vrcp.f32 v20;
	(pc) =	sbr.rel @p1 .LBB2_7-.Ltmp4, $4  }
0x2c7: {  	v19 =	vadd.s32 $0x3F3504F3, v10;
	v6 =	vmul.f32 v4, v4;
	v23 =	vpop (erf);
	(erf) = vrcp.f32 v7  }
0x2c8: {  	v10 =	vshra.s32 v14, $0x17;
	v22 =	vadd.f32 $1.000000000e+00, v19;
	v20 =	vmul.f32 v16, v16  }
0x2c9: {  	s14 =	sadd.s32 $0x40, s14;
	v14 =	vadd.s32 $0xFFFFFF81, v10;
	v10 =	vcvt.s32.f32 v21;
	v7 =	vmul.f32 $4.000000060e-01, v6  }
0x2ca: {  	s16 =	sadd.s32 $0x40, s16;
	s22 =	sadd.s32 $0x40, s22;
	s19 =	sadd.s32 $0x40, s19;
	v23 =	vmul.f32 v23, v24;
	v21 =	vmul.f32 $4.000000060e-01, v20  }
0x2cb: {  	(erf) = vrcp.f32 v22  }
0x2cc: {  	(erf) = vrcp.f32 v17;
	_ =	sdelay $0x4  }
0x2cd: {  	v17 =	vpop (erf)  }
0x2ce: {  	v22 =	vpop (erf)  }
0x2cf: {  	v24 =	vpop (erf)  }
0x2d0: {  	v9 =	vadd.f32 v9, v1;
	v18 =	vadd.f32 $-1.000000000e+00, v18;
	v25 =	vpop (erf)  }
0x2d1: {  	v15 =	vadd.f32 $-1.000000000e+00, v15;
	v19 =	vadd.f32 $-1.000000000e+00, v19;
	v23 =	vadd.s32 $0x4AFB0D, v23;
	v26 =	vpop (erf)  }
0x2d2: {  	v13 =	vadd.s32 $0xFFFFFF81, v13;
	v55 =	vand.u32 $0x7FFFFF, v23;
	v9 =	vmul.f32 v26, v9  }
0x2d3: {  	v14 =	vcvt.s32.f32 v14;
	v17 =	vmul.f32 v17, v18;
	v26 =	vadd.s32 $0x3F3504F3, v55  }
0x2d4: {  	v11 =	vmul.f32 $6.931471820e-01, v11;
	v27 =	vadd.f32 $1.000000000e+00, v26;
	v9 =	vadd.s32 $0x4AFB0D, v9  }
0x2d5: {  	v21 =	vadd.f32 $6.666666860e-01, v21;
	v28 =	vmul.f32 v17, v17;
	v18 =	vand.u32 $0x7FFFFF, v9  }
0x2d6: {  	v15 =	vmul.f32 v22, v15;
	(erf) = vrcp.f32 v27;
	v18 =	vadd.s32 $0x3F3504F3, v18  }
0x2d7: {  	v22 =	vshra.s32 v23, $0x17;
	v23 =	vmul.f32 $4.000000060e-01, v28;
	v29 =	vadd.f32 $1.000000000e+00, v18  }
0x2d8: {  	v13 =	vcvt.s32.f32 v13;
	v20 =	vmul.f32 v21, v20;
	v22 =	vadd.s32 $0xFFFFFF81, v22  }
0x2d9: {  	v21 =	vcvt.s32.f32 v22;
	v22 =	vadd.f32 $6.666666860e-01, v23;
	(erf) = vrcp.f32 v29  }
0x2da: {  	v12 =	vadd.f32 $-1.000000000e+00, v12;
	v23 =	vmul.f32 v15, v15;
	v19 =	vmul.f32 v25, v19  }
0x2db: {  	v14 =	vmul.f32 $6.931471820e-01, v14;
	v20 =	vadd.f32 $2.000000000e+00, v20;
	v22 =	vmul.f32 v22, v28  }
0x2dc: {  	v5 =	vshra.s32 v5, $0x17;
	v56 =	vmul.f32 $4.000000060e-01, v23;
	v25 =	vmul.f32 v19, v19  }
0x2dd: {  	v12 =	vmul.f32 v24, v12;
	v16 =	vmul.f32 v20, v16;
	v20 =	vadd.f32 $2.000000000e+00, v22  }
0x2de: {  	v26 =	vadd.f32 $-1.000000000e+00, v26;
	v24 =	vadd.f32 $6.666666860e-01, v56;
	v57 =	vmul.f32 $4.000000060e-01, v25  }
0x2df: {  	v5 =	vadd.s32 $0xFFFFFF81, v5;
	v13 =	vmul.f32 $6.931471820e-01, v13;
	v17 =	vmul.f32 v20, v17;
	v58 =	vpop (erf)  }
0x2e0: {  	v20 =	vmul.f32 v24, v23;
	v23 =	vadd.f32 $6.666666860e-01, v57;
	v24 =	vmul.f32 v58, v26  }
0x2e1: {  	v5 =	vcvt.s32.f32 v5;
	v18 =	vadd.f32 $-1.000000000e+00, v18;
	v13 =	vadd.f32 v17, v13  }
0x2e2: {  	v20 =	vadd.f32 $2.000000000e+00, v20;
	v17 =	vmul.f32 v23, v25;
	v23 =	vmul.f32 v24, v24;
	v60 =	vpop (erf)  }
0x2e3: {  	v22 =	vmul.f32 v12, v12;
	v18 =	vmul.f32 v60, v18  }
0x2e4: {  	v7 =	vadd.f32 $6.666666860e-01, v7;
	v15 =	vmul.f32 v20, v15;
	v20 =	vmul.f32 $4.000000060e-01, v23  }
0x2e5: {  	v59 =	vmul.f32 $4.000000060e-01, v22;
	v17 =	vadd.f32 $2.000000000e+00, v17;
	v61 =	vmul.f32 v18, v18  }
0x2e6: {  	v6 =	vmul.f32 v7, v6;
	v11 =	vadd.f32 v15, v11;
	v15 =	vadd.f32 $6.666666860e-01, v20  }
0x2e7: {  	v17 =	vmul.f32 v17, v19;
	v20 =	vadd.f32 $6.666666860e-01, v59;
	v62 =	vmul.f32 $4.000000060e-01, v61  }
0x2e8: {  	v5 =	vmul.f32 $6.931471820e-01, v5;
	v6 =	vadd.f32 $2.000000000e+00, v6;
	v15 =	vmul.f32 v15, v23  }
0x2e9: {  	v14 =	vadd.f32 v17, v14;
	v17 =	vmul.f32 v20, v22;
	v19 =	vadd.f32 $6.666666860e-01, v62  }
0x2ea: {  	v10 =	vmul.f32 $6.931471820e-01, v10;
	v5 =	vadd.f32 v16, v5;
	v15 =	vadd.f32 $2.000000000e+00, v15  }
0x2eb: {  	v9 =	vshra.s32 v9, $0x17;
	v16 =	vadd.f32 $2.000000000e+00, v17;
	v19 =	vmul.f32 v19, v61  }
0x2ec: {  	v9 =	vadd.s32 $0xFFFFFF81, v9;
	[tilespmem:s26+$0x10] =	vst v13;
	v13 =	vmul.f32 $6.931471820e-01, v21;
	v15 =	vmul.f32 v15, v24  }
0x2ed: {  	v9 =	vcvt.s32.f32 v9;
	[tilespmem:s26+$0xFFFFFFF0] =	vst v11;
	v11 =	vmul.f32 v16, v12;
	v7 =	vadd.f32 $2.000000000e+00, v19  }
0x2ee: {  	v8 =	vmul.f32 $6.931471820e-01, v8;
	v4 =	vmul.f32 v6, v4;
	[tilespmem:s12+$0xFFFFFFF0] =	vst v5;
	v12 =	vadd.f32 v15, v13  }
0x2ef: {  	v9 =	vmul.f32 $6.931471820e-01, v9;
	[tilespmem:s26+$0x0] =	vst v14;
	v6 =	vadd.f32 v11, v10;
	v7 =	vmul.f32 v7, v18  }
0x2f0: {  	v4 =	vadd.f32 v4, v8;
	[tilespmem:s26+$0xFFFFFFE0] =	vst v12  }
0x2f1: {  	[tilespmem:s12+$0x10] =	vst v6;
	v5 =	vadd.f32 v7, v9  }
0x2f2: {  	[tilespmem:s12+$0xFFFFFFE0] =	vst v4  }
0x2f3: {  	s8 =	sadd.s32 s10, s24;
	s26 =	simm.s32 $0x19580;
	[tilespmem:s12+$0x0] =	vst v5  }
0x2f4: {  	[hbm4b:s8+s2] =	stream.linear.scatter [tilespmem:s26], [sflag:$0x3], $0x200, $0x38;
	[tilespmem:$0x1BBF0] =	vst v63  }
0x2f5: {  	p1 =	seq.s32 s28, $0x18;
	s8 =	rddreg [dreg:$0x14]  }
0x2f6: {  	s13 =	sadd.s32 s11, s24;
	s8 =	sadd.s32 @!p1 s21, s8  }
0x2f7: {  	[hbm4b:s13+s2] =	stream.linear.scatter [tilespmem:s17], [sflag:$0x3], $0x200, $0x38;
	[tilespmem:$0x1BBF0] =	vst v63  }
0x2f8: {  	s8 =	sshll.u32 @!p1 s8, $0x6  }
0x2f9: {  	s14 =	simm.s32 $0x18B80;
	s8 =	sand.u32 @!p1 $0x1FFFFF00, s8  }
0x2fa: {  	[spmem:s1] =	stream.indirect.scatter.add.f32 [tilespmem:s17], [sflag:$0x5], $0x1, s14, s18, $0xb8;
	[tilespmem:$0x1BBF0] =	vst v63  }
0x2fb: {  	s12 =	simm.s32 @!p1 $0x0;
	s13 =	simm.s32 @!p1 $0x18780;
	s9 =	sadd.s32 @!p1 s4, s8  }
0x2fc: {  	[tilespmem:s13], [sflag:$0x1] =	stream.linear.gather @!p1 [hbm4b:s9+s12], $0x200, $0x38;
	[tilespmem:$0x1BBF0] =	vst v63  }
0x2fd: {  	s9 =	sadd.s32 @!p1 s5, s8;
	s13 =	simm.s32 @!p1 $0x18F80  }
0x2fe: {  	[tilespmem:s13], [sflag:$0x1] =	stream.linear.gather @!p1 [hbm4b:s9+s12], $0x200, $0x38;
	[tilespmem:$0x1BBF0] =	vst v63  }
0x2ff: {  	s9 =	sadd.s32 @!p1 s6, s8;
	s13 =	simm.s32 @!p1 $0x19180  }
0x300: {  	[tilespmem:s13], [sflag:$0x1] =	stream.linear.gather @!p1 [hbm4b:s9+s12], $0x200, $0x38;
	[tilespmem:$0x1BBF0] =	vst v63  }
0x301: {  	s8 =	sadd.s32 @!p1 s7, s8;
	s9 =	simm.s32 @!p1 $0x19380  }
0x302: {  	[tilespmem:s9], [sflag:$0x1] =	stream.linear.gather @!p1 [hbm4b:s8+s12], $0x200, $0x38;
	[tilespmem:$0x1BBF0] =	vst v63  }
0x303: {  	_ =	swait.ge [sflag:s20], $0x200  }
0x304: {  	[sflag:s20] =	ssyncset.done $0x0  }
0x305: {  	[sflag:s20] =	ssyncadd.s32 $0xFFFFFE00  }
0x306: {  	_ =	swait.ge [sflag:s20], $0x200  }
0x307: {  	[sflag:s20] =	ssyncset.done $0x0  }
0x308: {  	[sflag:s20] =	ssyncadd.s32 $0xFFFFFE00  }
0x309: {  	_ =	swait.ge [sflag:s20], $0x200  }
0x30a: {  	[sflag:s20] =	ssyncset.done $0x0  }
0x30b: {  	[sflag:s20] =	ssyncadd.s32 $0xFFFFFE00  }
0x30c: {  	_ =	swait.ge [sflag:s20], $0x200  }
0x30d: {  	[sflag:s20] =	ssyncset.done $0x0  }
0x30e: {  	[sflag:s20] =	ssyncadd.s32 $0xFFFFFE00  }
0x30f: {  	_ =	swait.ge [sflag:s30], $0x200  }
0x310: {  	[sflag:s30] =	ssyncset.done $0x0  }
0x311: {  	[sflag:s30] =	ssyncadd.s32 $0xFFFFFE00  }
0x312: {  	_ =	swait.ge [sflag:s30], $0x200  }
0x313: {  	[sflag:s30] =	ssyncset.done $0x0  }
0x314: {  	[sflag:s30] =	ssyncadd.s32 $0xFFFFFE00  }
0x315: {  	_ =	swait.ge [sflag:s3], $0x200  }
0x316: {  	[sflag:s3] =	ssyncset.done $0x0  }
0x317: {  	s16 =	simm.s32 $0x18DA0;
	[sflag:s3] =	ssyncadd.s32 $0xFFFFFE00  }
0x318: {  	v4 =	vld [tilespmem:s16+$0xFFFFFFF0]  }
0x319: {  	s19 =	simm.s32 $0x199A0;
	v5 =	vld [tilespmem:s16+$0xFFFFFFE0]  }
0x31a: {  	v6 =	vld [tilespmem:s19+$0xFFFFFFE0]  }
0x31b: {  	s22 =	simm.s32 $0x19BA0;
	v7 =	vld [tilespmem:s19+$0xFFFFFFF0]  }
0x31c: {  	v8 =	vld [tilespmem:s22+$0xFFFFFFE0]  }
0x31d: {  	v9 =	vld [tilespmem:s22+$0x10]  }
0x31e: {  	s24 =	simm.s32 $0x19DA0;
	v11 =	vld [tilespmem:s19+$0x10]  }
0x31f: {  	v10 =	vld [tilespmem:s24+$0xFFFFFFE0]  }
0x320: {  	v12 =	vld [tilespmem:s16+$0x10]  }
0x321: {  	v5 =	vld.idx.msk [tilespmem:v5+s2+$0x0], $0xffff  }
0x322: {  	v6 =	vld.idx.msk [tilespmem:v6+s2+$0x0], $0xffff  }
0x323: {  	v13 =	vld [tilespmem:s22+$0xFFFFFFF0]  }
0x324: {  	v7 =	vld.idx.msk [tilespmem:v7+s2+$0x0], $0xffff  }
0x325: {  	v15 =	vld [tilespmem:s16+$0x0]  }
0x326: {  	v11 =	vld.idx.msk [tilespmem:v11+s2+$0x0], $0xffff;
	v5 =	vsub.f32 v5, v10  }
0x327: {  	v10 =	vld [tilespmem:s19+$0x0];
	v6 =	vsub.f32 v6, v8  }
0x328: {  	v14 =	vld [tilespmem:s24+$0x10];
	v5 =	vmax.f32 v5, $-2.500000000e+01  }
0x329: {  	v4 =	vld.idx.msk [tilespmem:v4+s2+$0x0], $0xffff;
	v7 =	vsub.f32 v7, v13;
	v6 =	vmax.f32 v6, $-2.500000000e+01;
	v5 =	vmin.f32 v5, $2.500000000e+01  }
0x32a: {  	v8 =	vld [tilespmem:s24+$0xFFFFFFF0];
	v6 =	vmin.f32 v6, $2.500000000e+01;
	v5 =	vmul.f32 $1.442695020e+00, v5  }
0x32b: {  	v12 =	vld.idx.msk [tilespmem:v12+s2+$0x0], $0xffff;
	v7 =	vmax.f32 v7, $-2.500000000e+01;
	v6 =	vmul.f32 $1.442695020e+00, v6  }
0x32c: {  	v9 =	vsub.f32 v11, v9;
	v11 =	vld [tilespmem:s24+$0x0];
	v7 =	vmin.f32 v7, $2.500000000e+01;
	(erf) = vpow2.f32 v5  }
0x32d: {  	v7 =	vmul.f32 $1.442695020e+00, v7;
	(erf) = vpow2.f32 v6;
	v6 =	vld.idx.msk [tilespmem:v15+s2+$0x0], $0xffff  }
0x32e: {  	v5 =	vld [tilespmem:s22+$0x0]  }
0x32f: {  	v9 =	vmax.f32 v9, $-2.500000000e+01;
	v4 =	vsub.f32 v4, v8;
	(erf) = vpow2.f32 v7;
	v7 =	vld.idx.msk [tilespmem:v10+s2+$0x0], $0xffff  }
0x330: {  	v8 =	vmin.f32 v9, $2.500000000e+01;
	v9 =	vsub.f32 v12, v14  }
0x331: {  	v8 =	vmul.f32 $1.442695020e+00, v8;
	v4 =	vmax.f32 v4, $-2.500000000e+01  }
0x332: {  	v9 =	vmax.f32 v9, $-2.500000000e+01;
	v4 =	vmin.f32 v4, $2.500000000e+01;
	v6 =	vsub.f32 v6, v11  }
0x333: {  	(erf) = vpow2.f32 v8;
	v8 =	vmin.f32 v9, $2.500000000e+01;
	v4 =	vmul.f32 $1.442695020e+00, v4  }
0x334: {  	v8 =	vmul.f32 $1.442695020e+00, v8;
	v5 =	vsub.f32 v7, v5  }
0x335: {  	(erf) = vpow2.f32 v4;
	v4 =	vmax.f32 v6, $-2.500000000e+01  }
0x336: {  	(erf) = vpow2.f32 v8;
	v5 =	vmax.f32 v5, $-2.500000000e+01;
	v4 =	vmin.f32 v4, $2.500000000e+01;
	v6 =	vpop (erf)  }
0x337: {  	v5 =	vmin.f32 v5, $2.500000000e+01;
	v4 =	vmul.f32 $1.442695020e+00, v4;
	v7 =	vpop (erf)  }
0x338: {  	v5 =	vmul.f32 $1.442695020e+00, v5;
	v8 =	vmul.f32 v7, v2  }
0x339: {  	v9 =	vpop (erf)  }
0x33a: {  	(erf) = vpow2.f32 v4;
	v10 =	vmul.f32 v9, v2;
	v4 =	vadd.f32 v8, v3;
	_ =	sdelay $0x1  }
0x33b: {  	(erf) = vpow2.f32 v5;
	v5 =	vpop (erf);
	v8 =	vadd.f32 v10, v3  }
0x33c: {  	v10 =	vmul.f32 v5, v2;
	(erf) = vrcp.f32 v4  }
0x33d: {  	(erf) = vrcp.f32 v8;
	v4 =	vpop (erf)  }
0x33e: {  	v8 =	vadd.f32 v10, v3;
	v10 =	vmul.f32 v4, v2;
	v11 =	vpop (erf)  }
0x33f: {  	v12 =	vmul.f32 v11, v2  }
0x340: {  	v7 =	vmul.f32 v7, v0;
	(erf) = vrcp.f32 v8;
	v10 =	vadd.f32 v10, v3  }
0x341: {  	v8 =	vmul.f32 v6, v2;
	v12 =	vadd.f32 v12, v3  }
0x342: {  	v9 =	vmul.f32 v9, v0;
	v7 =	vadd.f32 v7, v1;
	v13 =	vpop (erf)  }
0x343: {  	v5 =	vmul.f32 v5, v0;
	v14 =	vadd.f32 v8, v3;
	v8 =	vmul.f32 v13, v2  }
0x344: {  	v9 =	vadd.f32 v9, v1;
	v4 =	vmul.f32 v4, v0;
	(erf) = vrcp.f32 v10;
	v10 =	vpop (erf)  }
0x345: {  	v6 =	vmul.f32 v6, v0;
	v8 =	vadd.f32 v8, v3;
	(erf) = vrcp.f32 v12;
	v12 =	vpop (erf)  }
0x346: {  	v11 =	vmul.f32 v11, v0;
	v7 =	vmul.f32 v12, v7;
	v12 =	vpop (erf)  }
0x347: {  	v21 =	vadd.f32 v6, v1;
	(erf) = vrcp.f32 v8;
	v6 =	vmul.f32 v12, v9  }
0x348: {  	v4 =	vadd.f32 v4, v1;
	v8 =	vadd.f32 v5, v1;
	v7 =	vadd.s32 $0x4AFB0D, v7  }
0x349: {  	v13 =	vmul.f32 v13, v0;
	v12 =	vpop (erf);
	v15 =	vand.u32 $0x7FFFFF, v7;
	v5 =	vadd.s32 $0x4AFB0D, v6  }
0x34a: {  	v6 =	vmul.f32 v12, v8;
	v15 =	vadd.s32 $0x3F3504F3, v15;
	v8 =	vand.u32 $0x7FFFFF, v5  }
0x34b: {  	v11 =	vadd.f32 v11, v1;
	v12 =	vadd.f32 $1.000000000e+00, v15;
	v16 =	vadd.s32 $0x3F3504F3, v8  }
0x34c: {  	v13 =	vadd.f32 v13, v1;
	v9 =	vmul.f32 v10, v0;
	v17 =	vadd.f32 $1.000000000e+00, v16  }
0x34d: {  	v10 =	vmul.f32 v10, v2;
	v7 =	vshra.s32 v7, $0x17;
	v18 =	vpop (erf);
	(erf) = vrcp.f32 v12  }
0x34e: {  	v6 =	vadd.s32 $0x4AFB0D, v6;
	v4 =	vmul.f32 v18, v4;
	v19 =	vpop (erf);
	(erf) = vrcp.f32 v17  }
0x34f: {  	v7 =	vadd.s32 $0xFFFFFF81, v7;
	v8 =	vand.u32 $0x7FFFFF, v6;
	v11 =	vmul.f32 v19, v11  }
0x350: {  	v6 =	vshra.s32 v6, $0x17;
	v4 =	vadd.s32 $0x4AFB0D, v4;
	v19 =	vadd.f32 $-1.000000000e+00, v15;
	v17 =	vpop (erf)  }
0x351: {  	(erf) = vrcp.f32 v14;
	v11 =	vadd.s32 $0x4AFB0D, v11;
	v14 =	vmul.f32 v17, v13  }
0x352: {  	v17 =	vadd.f32 v10, v3;
	v10 =	vand.u32 $0x7FFFFF, v11;
	v13 =	vshra.s32 v11, $0x17  }
0x353: {  	v11 =	vshra.s32 v4, $0x17;
	v4 =	vand.u32 $0x7FFFFF, v4;
	v18 =	vadd.s32 $0x3F3504F3, v10  }
0x354: {  	v16 =	vadd.f32 $-1.000000000e+00, v16;
	v10 =	vadd.s32 $0x4AFB0D, v14;
	v14 =	vadd.f32 $1.000000000e+00, v18  }
0x355: {  	v12 =	vadd.s32 $0x3F3504F3, v8;
	v8 =	vcvt.s32.f32 v7;
	v15 =	vadd.s32 $0x3F3504F3, v4  }
0x356: {  	v23 =	vadd.s32 $0xFFFFFF81, v6;
	v4 =	vpop (erf);
	(erf) = vrcp.f32 v14;
	v14 =	vadd.f32 $1.000000000e+00, v15  }
0x357: {  	v7 =	vadd.f32 $1.000000000e+00, v12;
	v11 =	vadd.s32 $0xFFFFFF81, v11;
	v4 =	vmul.f32 v4, v19;
	v19 =	vpop (erf)  }
0x358: {  	v20 =	vand.u32 $0x7FFFFF, v10;
	v16 =	vmul.f32 v19, v16;
	(erf) = vrcp.f32 v14  }
0x359: {  	v11 =	vcvt.s32.f32 v11;
	v19 =	vadd.s32 $0x3F3504F3, v20;
	(erf) = vrcp.f32 v7  }
0x35a: {  	s14 =	simm.s32 $0x19BE0;
	s13 =	simm.s32 $0x0;
	s8 =	simm.s32 $0x1A1A0;
	v14 =	vshra.s32 v10, $0x17;
	v6 =	vmul.f32 v4, v4;
	v63 =	vpop (erf);
	v20 =	vmul.f32 v16, v16  }
0x35b: {  	s9 =	simm.s32 $0x19FA0;
	s12 =	simm.s32 $0x1A1A0;
	s16 =	simm.s32 $0x19DE0;
	v10 =	vcvt.s32.f32 v23;
	v22 =	vadd.f32 $1.000000000e+00, v19;
	v23 =	vmul.f32 v63, v21  }
0x35c: {  	s19 =	simm.s32 $0x199E0;
	s24 =	simm.s32 $0x19FA0;
	s22 =	simm.s32 $0x18DE0;
	v14 =	vadd.s32 $0xFFFFFF81, v14;
	v7 =	vmul.f32 $4.000000060e-01, v6;
	v21 =	vmul.f32 $4.000000060e-01, v20  }
.LBB2_9:
0x35d: {  	v24 =	vld [tilespmem:s22+$0xFFFFFFF0];
	s13 =	sadd.s32 $0x40, s13;
	v12 =	vadd.f32 $-1.000000000e+00, v12;
	s8 =	sadd.s32 $0x40, s8;
	s9 =	sadd.s32 $0x40, s9;
	(erf) = vrcp.f32 v22  }
0x35e: {  	v25 =	vadd.f32 $-1.000000000e+00, v18;
	v22 =	vld [tilespmem:s16+$0x0];
	p2 =	slt.u32 s13, $0x1C0;
	v23 =	vadd.s32 $0x4AFB0D, v23;
	v21 =	vadd.f32 $6.666666860e-01, v21  }
0x35f: {  	v18 =	vld [tilespmem:s14+$0xFFFFFFE0];
	v26 =	vshra.s32 v23, $0x17;
	v23 =	vand.u32 $0x7FFFFF, v23;
	(erf) = vrcp.f32 v17;
	v17 =	vpop (erf)  }
0x360: {  	v27 =	vld [tilespmem:s14+$0x0];
	v23 =	vadd.s32 $0x3F3504F3, v23;
	v20 =	vmul.f32 v21, v20;
	v21 =	vmul.f32 v17, v25  }
0x361: {  	v28 =	vadd.f32 $-1.000000000e+00, v15;
	v17 =	vadd.s32 $0xFFFFFF81, v26;
	v25 =	vld [tilespmem:s14+$0x10];
	v26 =	vadd.f32 $1.000000000e+00, v23;
	v29 =	vpop (erf)  }
0x362: {  	v15 =	vcvt.s32.f32 v17;
	v30 =	vld [tilespmem:s16+$0x10];
	v17 =	vadd.f32 $2.000000000e+00, v20;
	v20 =	vmul.f32 v21, v21;
	v31 =	vpop (erf)  }
0x363: {  	v28 =	vmul.f32 v29, v28;
	v32 =	vld [tilespmem:s16+$0xFFFFFFF0];
	v12 =	vmul.f32 v31, v12  }
0x364: {  	v29 =	vld [tilespmem:s16+$0xFFFFFFE0];
	v17 =	vmul.f32 v17, v16;
	v31 =	vmul.f32 $4.000000060e-01, v20  }
0x365: {  	v19 =	vadd.f32 $-1.000000000e+00, v19;
	v10 =	vmul.f32 $6.931471820e-01, v10;
	v33 =	vld [tilespmem:s19+$0x0];
	v16 =	vmul.f32 v12, v12  }
0x366: {  	v8 =	vmul.f32 $6.931471820e-01, v8;
	v34 =	vld [tilespmem:s22+$0x0];
	v31 =	vadd.f32 $6.666666860e-01, v31;
	(erf) = vrcp.f32 v26;
	v26 =	vpop (erf)  }
0x367: {  	v36 =	vmul.f32 v28, v28;
	v35 =	vld [tilespmem:s22+$0xFFFFFFE0];
	v19 =	vmul.f32 v26, v19  }
0x368: {  	v9 =	vadd.f32 v9, v1;
	v26 =	vld [tilespmem:s22+$0x10];
	v20 =	vmul.f32 v31, v20;
	v31 =	vmul.f32 $4.000000060e-01, v16;
	v37 =	vpop (erf)  }
0x369: {  	v13 =	vadd.s32 $0xFFFFFF81, v13;
	v39 =	vmul.f32 $4.000000060e-01, v36;
	v38 =	vld [tilespmem:s19+$0x10];
	v40 =	vmul.f32 v19, v19  }
0x36a: {  	v13 =	vcvt.s32.f32 v13;
	v9 =	vmul.f32 v37, v9;
	v41 =	vld [tilespmem:s19+$0xFFFFFFE0];
	v20 =	vadd.f32 $2.000000000e+00, v20  }
0x36b: {  	v23 =	vadd.f32 $-1.000000000e+00, v23;
	v39 =	vadd.f32 $6.666666860e-01, v39;
	v37 =	vld [tilespmem:s19+$0xFFFFFFF0];
	v42 =	vmul.f32 $4.000000060e-01, v40  }
0x36c: {  	v43 =	vmul.f32 $6.931471820e-01, v13;
	v9 =	vadd.s32 $0x4AFB0D, v9;
	v24 =	vld.idx.msk [tilespmem:v24+s2+$0x0], $0xffff;
	v20 =	vmul.f32 v20, v21  }
0x36d: {  	v21 =	vld.idx.msk [tilespmem:v33+s2+$0x0], $0xffff;
	v33 =	vmul.f32 v39, v36;
	v36 =	vadd.f32 $6.666666860e-01, v42;
	v39 =	vand.u32 $0x7FFFFF, v9  }
0x36e: {  	v9 =	vshra.s32 v9, $0x17;
	v34 =	vld.idx.msk [tilespmem:v34+s2+$0x0], $0xffff;
	v39 =	vadd.s32 $0x3F3504F3, v39;
	v20 =	vadd.f32 v20, v43  }
0x36f: {  	v35 =	vld.idx.msk [tilespmem:v35+s2+$0x0], $0xffff;
	v33 =	vadd.f32 $2.000000000e+00, v33;
	v36 =	vmul.f32 v36, v40;
	v40 =	vadd.f32 $1.000000000e+00, v39;
	v13 =	vpop (erf)  }
0x370: {  	v14 =	vcvt.s32.f32 v14;
	v9 =	vadd.s32 $0xFFFFFF81, v9;
	v26 =	vld.idx.msk [tilespmem:v26+s2+$0x0], $0xffff;
	v13 =	vmul.f32 v13, v23;
	[tilespmem:s24+$0x10] =	vst v20  }
0x371: {  	v11 =	vmul.f32 $6.931471820e-01, v11;
	v20 =	vld.idx.msk [tilespmem:v38+s2+$0x0], $0xffff;
	v23 =	vmul.f32 v33, v28;
	v28 =	vadd.f32 $2.000000000e+00, v36  }
0x372: {  	v14 =	vmul.f32 $6.931471820e-01, v14;
	v24 =	vsub.f32 v24, v32;
	v33 =	vld.idx.msk [tilespmem:v41+s2+$0x0], $0xffff;
	(erf) = vrcp.f32 v40  }
0x373: {  	v21 =	vsub.f32 v21, v27;
	v32 =	vld.idx.msk [tilespmem:v37+s2+$0x0], $0xffff;
	v11 =	vadd.f32 v23, v11;
	v19 =	vmul.f32 v28, v19  }
0x374: {  	v9 =	vcvt.s32.f32 v9;
	v27 =	vmul.f32 v13, v13;
	v22 =	vsub.f32 v34, v22;
	v23 =	vld [tilespmem:s14+$0xFFFFFFF0]  }
0x375: {  	v28 =	vsub.f32 v35, v29;
	v21 =	vmax.f32 v21, $-2.500000000e+01;
	[tilespmem:s24+$0xFFFFFFF0] =	vst v11;
	v11 =	vadd.f32 v19, v14  }
0x376: {  	v5 =	vshra.s32 v5, $0x17;
	v14 =	vmax.f32 v22, $-2.500000000e+01;
	v19 =	vsub.f32 v26, v30  }
0x377: {  	v24 =	vmax.f32 v24, $-2.500000000e+01;
	v22 =	vmax.f32 v28, $-2.500000000e+01;
	v20 =	vsub.f32 v20, v25;
	[tilespmem:s24+$0x0] =	vst v11  }
0x378: {  	v11 =	vmin.f32 v22, $2.500000000e+01;
	v18 =	vsub.f32 v33, v18;
	v19 =	vmax.f32 v19, $-2.500000000e+01  }
0x379: {  	v19 =	vmin.f32 v19, $2.500000000e+01;
	v20 =	vmax.f32 v20, $-2.500000000e+01;
	v22 =	vsub.f32 v32, v23  }
0x37a: {  	v11 =	vmul.f32 $1.442695020e+00, v11;
	v18 =	vmax.f32 v18, $-2.500000000e+01;
	v19 =	vmul.f32 $1.442695020e+00, v19  }
0x37b: {  	v20 =	vmin.f32 v20, $2.500000000e+01;
	v18 =	vmin.f32 v18, $2.500000000e+01;
	v22 =	vmax.f32 v22, $-2.500000000e+01;
	v23 =	vpop (erf)  }
0x37c: {  	v20 =	vmul.f32 $1.442695020e+00, v20;
	v18 =	vmul.f32 $1.442695020e+00, v18;
	v22 =	vmin.f32 v22, $2.500000000e+01  }
0x37d: {  	v5 =	vadd.s32 $0xFFFFFF81, v5;
	v22 =	vmul.f32 $1.442695020e+00, v22;
	(erf) = vpow2.f32 v11  }
0x37e: {  	v5 =	vcvt.s32.f32 v5;
	v11 =	vmin.f32 v24, $2.500000000e+01;
	(erf) = vpow2.f32 v18  }
0x37f: {  	v14 =	vmin.f32 v14, $2.500000000e+01;
	v11 =	vmul.f32 $1.442695020e+00, v11;
	(erf) = vpow2.f32 v22  }
0x380: {  	v5 =	vmul.f32 $6.931471820e-01, v5;
	v18 =	vmin.f32 v21, $2.500000000e+01;
	(erf) = vpow2.f32 v20  }
0x381: {  	v14 =	vmul.f32 $1.442695020e+00, v14;
	(erf) = vpow2.f32 v11;
	v11 =	vadd.f32 $-1.000000000e+00, v39  }
0x382: {  	v5 =	vadd.f32 v17, v5;
	v18 =	vmul.f32 $1.442695020e+00, v18;
	(erf) = vpow2.f32 v19  }
0x383: {  	(erf) = vpow2.f32 v14;
	v11 =	vmul.f32 v23, v11;
	v14 =	vadd.f32 $6.666666860e-01, v31  }
0x384: {  	v17 =	vmul.f32 $4.000000060e-01, v27;
	(erf) = vpow2.f32 v18;
	[tilespmem:s12+$0xFFFFFFF0] =	vst v5  }
0x385: {  	v5 =	vmul.f32 v11, v11;
	v14 =	vmul.f32 v14, v16  }
0x386: {  	v15 =	vmul.f32 $6.931471820e-01, v15;
	v17 =	vadd.f32 $6.666666860e-01, v17;
	v18 =	vmul.f32 $6.931471820e-01, v9;
	v16 =	vpop (erf)  }
0x387: {  	v9 =	vmul.f32 v16, v2;
	v19 =	vpop (erf);
	v20 =	vmul.f32 $4.000000060e-01, v5;
	v14 =	vadd.f32 $2.000000000e+00, v14  }
0x388: {  	v7 =	vadd.f32 $6.666666860e-01, v7;
	v21 =	vmul.f32 v19, v0;
	v19 =	vmul.f32 v19, v2;
	v22 =	vpop (erf)  }
0x389: {  	v23 =	vmul.f32 v22, v0;
	v22 =	vmul.f32 v22, v2;
	v24 =	vpop (erf);
	v20 =	vadd.f32 $6.666666860e-01, v20  }
0x38a: {  	v6 =	vmul.f32 v7, v6;
	v29 =	vadd.f32 v19, v3;
	v25 =	vmul.f32 v24, v2;
	v26 =	vpop (erf)  }
0x38b: {  	v17 =	vmul.f32 v17, v27;
	v7 =	vmul.f32 v26, v2;
	v30 =	vadd.f32 v22, v3;
	v28 =	vpop (erf)  }
0x38c: {  	v27 =	vmul.f32 v28, v2;
	v25 =	vadd.f32 v25, v3;
	(erf) = vrcp.f32 v29;
	v19 =	vpop (erf)  }
0x38d: {  	v28 =	vmul.f32 v28, v0;
	v7 =	vadd.f32 v7, v3;
	(erf) = vrcp.f32 v30;
	v22 =	vpop (erf)  }
0x38e: {  	v29 =	vadd.f32 v9, v3;
	v9 =	vadd.f32 v27, v3;
	(erf) = vrcp.f32 v25  }
0x38f: {  	v25 =	vmul.f32 v19, v2;
	(erf) = vrcp.f32 v7  }
0x390: {  	v5 =	vmul.f32 v20, v5;
	v7 =	vadd.f32 $2.000000000e+00, v17;
	(erf) = vrcp.f32 v9  }
0x391: {  	v17 =	vmul.f32 v24, v0;
	v9 =	vmul.f32 v16, v0;
	v16 =	vadd.f32 v25, v3  }
0x392: {  	v6 =	vadd.f32 $2.000000000e+00, v6;
	v5 =	vadd.f32 $2.000000000e+00, v5;
	v19 =	vmul.f32 v19, v0  }
0x393: {  	v20 =	vmul.f32 v26, v0;
	v24 =	vadd.f32 v9, v1;
	(erf) = vrcp.f32 v16  }
0x394: {  	v4 =	vmul.f32 v6, v4;
	v21 =	vadd.f32 v21, v1;
	v6 =	vmul.f32 v5, v11  }
0x395: {  	v12 =	vmul.f32 v14, v12;
	v5 =	vadd.f32 v23, v1;
	v9 =	vmul.f32 v22, v0;
	v11 =	vpop (erf)  }
0x396: {  	v17 =	vadd.f32 v17, v1;
	v7 =	vmul.f32 v7, v13;
	v11 =	vmul.f32 v11, v21;
	v16 =	vpop (erf)  }
0x397: {  	v4 =	vadd.f32 v4, v8;
	v13 =	vadd.f32 v28, v1;
	v5 =	vmul.f32 v16, v5;
	v16 =	vpop (erf)  }
0x398: {  	v7 =	vadd.f32 v7, v15;
	v8 =	vadd.s32 $0x4AFB0D, v11;
	v11 =	vmul.f32 v16, v17;
	v14 =	vpop (erf)  }
0x399: {  	v6 =	vadd.f32 v6, v18;
	v15 =	vand.u32 $0x7FFFFF, v8;
	v5 =	vadd.s32 $0x4AFB0D, v5;
	v16 =	vpop (erf)  }
0x39a: {  	v15 =	vadd.s32 $0x3F3504F3, v15;
	v17 =	vand.u32 $0x7FFFFF, v5;
	[tilespmem:s24+$0xFFFFFFE0] =	vst v7;
	v7 =	vadd.f32 v12, v10;
	s24 =	smov.u32 s9  }
0x39b: {  	v11 =	vadd.s32 $0x4AFB0D, v11;
	v10 =	vadd.f32 $1.000000000e+00, v15;
	v21 =	vadd.s32 $0x3F3504F3, v17;
	[tilespmem:s12+$0x0] =	vst v6  }
0x39c: {  	v6 =	vshra.s32 v8, $0x17;
	v8 =	vand.u32 $0x7FFFFF, v11;
	v17 =	vadd.f32 $1.000000000e+00, v21;
	v18 =	vpop (erf);
	[tilespmem:s12+$0x10] =	vst v7  }
0x39d: {  	v6 =	vadd.s32 $0xFFFFFF81, v6;
	v12 =	vadd.s32 $0x3F3504F3, v8;
	(erf) = vrcp.f32 v10;
	[tilespmem:s12+$0xFFFFFFE0] =	vst v4;
	s12 =	smov.u32 s8  }
0x39e: {  	v8 =	vcvt.s32.f32 v6;
	v7 =	vadd.f32 $1.000000000e+00, v12;
	(erf) = vrcp.f32 v17  }
0x39f: {  	v4 =	vadd.f32 v20, v1;
	v6 =	vadd.f32 v19, v1;
	v10 =	vmul.f32 v16, v13  }
0x3a0: {  	v13 =	vmul.f32 v22, v2;
	v19 =	vshra.s32 v11, $0x17;
	(erf) = vrcp.f32 v29  }
0x3a1: {  	v4 =	vmul.f32 v14, v4;
	v6 =	vmul.f32 v18, v6;
	v10 =	vadd.s32 $0x4AFB0D, v10  }
0x3a2: {  	v17 =	vadd.f32 v13, v3;
	v13 =	vshra.s32 v10, $0x17;
	v10 =	vand.u32 $0x7FFFFF, v10  }
0x3a3: {  	v4 =	vadd.s32 $0x4AFB0D, v4;
	v14 =	vadd.s32 $0x4AFB0D, v6;
	v18 =	vadd.s32 $0x3F3504F3, v10  }
0x3a4: {  	v6 =	vshra.s32 v4, $0x17;
	v22 =	vand.u32 $0x7FFFFF, v4;
	v10 =	vadd.f32 $1.000000000e+00, v18  }
0x3a5: {  	v11 =	vadd.f32 $-1.000000000e+00, v15;
	v23 =	vadd.s32 $0xFFFFFF81, v6;
	v15 =	vadd.s32 $0x3F3504F3, v22  }
0x3a6: {  	v16 =	vadd.f32 $-1.000000000e+00, v21;
	v20 =	vadd.f32 $1.000000000e+00, v15;
	v4 =	vpop (erf);
	(erf) = vrcp.f32 v10  }
0x3a7: {  	v10 =	vand.u32 $0x7FFFFF, v14;
	v4 =	vmul.f32 v4, v11;
	v11 =	vcvt.s32.f32 v23;
	v6 =	vpop (erf)  }
.Ltmp5:
0x3a8: {  	v21 =	vadd.s32 $0xFFFFFF81, v19;
	v16 =	vmul.f32 v6, v16;
	(erf) = vrcp.f32 v20;
	(pc) =	sbr.rel @p2 .LBB2_9-.Ltmp5, $4  }
0x3a9: {  	v19 =	vadd.s32 $0x3F3504F3, v10;
	v6 =	vmul.f32 v4, v4;
	v23 =	vpop (erf);
	(erf) = vrcp.f32 v7  }
0x3aa: {  	v10 =	vshra.s32 v14, $0x17;
	v22 =	vadd.f32 $1.000000000e+00, v19;
	v20 =	vmul.f32 v16, v16  }
0x3ab: {  	s14 =	sadd.s32 $0x40, s14;
	v14 =	vadd.s32 $0xFFFFFF81, v10;
	v10 =	vcvt.s32.f32 v21;
	v7 =	vmul.f32 $4.000000060e-01, v6  }
0x3ac: {  	s16 =	sadd.s32 $0x40, s16;
	s22 =	sadd.s32 $0x40, s22;
	s19 =	sadd.s32 $0x40, s19;
	v23 =	vmul.f32 v23, v24;
	v21 =	vmul.f32 $4.000000060e-01, v20  }
0x3ad: {  	(erf) = vrcp.f32 v22  }
0x3ae: {  	(erf) = vrcp.f32 v17;
	_ =	sdelay $0x4  }
0x3af: {  	v31 =	vpop (erf)  }
0x3b0: {  	v32 =	vpop (erf)  }
0x3b1: {  	v9 =	vadd.f32 v9, v1;
	v24 =	vpop (erf)  }
0x3b2: {  	v18 =	vadd.f32 $-1.000000000e+00, v18;
	v15 =	vadd.f32 $-1.000000000e+00, v15;
	v13 =	vadd.s32 $0xFFFFFF81, v13;
	v25 =	vpop (erf)  }
0x3b3: {  	v14 =	vcvt.s32.f32 v14;
	v11 =	vmul.f32 $6.931471820e-01, v11;
	v5 =	vshra.s32 v5, $0x17;
	v26 =	vpop (erf)  }
0x3b4: {  	v7 =	vadd.f32 $6.666666860e-01, v7;
	v23 =	vadd.s32 $0x4AFB0D, v23;
	v9 =	vmul.f32 v26, v9  }
0x3b5: {  	v10 =	vmul.f32 $6.931471820e-01, v10;
	v21 =	vadd.f32 $6.666666860e-01, v21;
	v33 =	vand.u32 $0x7FFFFF, v23  }
0x3b6: {  	v13 =	vcvt.s32.f32 v13;
	v26 =	vadd.s32 $0x3F3504F3, v33;
	v9 =	vadd.s32 $0x4AFB0D, v9  }
0x3b7: {  	v5 =	vadd.s32 $0xFFFFFF81, v5;
	v27 =	vadd.f32 $1.000000000e+00, v26;
	v34 =	vand.u32 $0x7FFFFF, v9  }
0x3b8: {  	v14 =	vmul.f32 $6.931471820e-01, v14;
	v17 =	vmul.f32 v31, v18;
	v18 =	vadd.s32 $0x3F3504F3, v34  }
0x3b9: {  	v5 =	vcvt.s32.f32 v5;
	(erf) = vrcp.f32 v27;
	v29 =	vadd.f32 $1.000000000e+00, v18  }
0x3ba: {  	v35 =	vshra.s32 v23, $0x17;
	v6 =	vmul.f32 v7, v6;
	v20 =	vmul.f32 v21, v20  }
0x3bb: {  	v22 =	vadd.s32 $0xFFFFFF81, v35;
	v15 =	vmul.f32 v32, v15;
	(erf) = vrcp.f32 v29  }
0x3bc: {  	v12 =	vadd.f32 $-1.000000000e+00, v12;
	v13 =	vmul.f32 $6.931471820e-01, v13;
	v37 =	vcvt.s32.f32 v22  }
0x3bd: {  	v28 =	vmul.f32 v17, v17;
	v39 =	vmul.f32 v15, v15  }
0x3be: {  	v19 =	vadd.f32 $-1.000000000e+00, v19;
	v5 =	vmul.f32 $6.931471820e-01, v5;
	v12 =	vmul.f32 v24, v12  }
0x3bf: {  	v20 =	vadd.f32 $2.000000000e+00, v20;
	v36 =	vmul.f32 $4.000000060e-01, v28;
	v40 =	vmul.f32 $4.000000060e-01, v39  }
0x3c0: {  	v42 =	vmul.f32 v12, v12;
	v19 =	vmul.f32 v25, v19  }
0x3c1: {  	v16 =	vmul.f32 v20, v16;
	v24 =	vadd.f32 $6.666666860e-01, v40;
	v26 =	vadd.f32 $-1.000000000e+00, v26  }
0x3c2: {  	v38 =	vadd.f32 $6.666666860e-01, v36;
	v47 =	vmul.f32 $4.000000060e-01, v42;
	v25 =	vmul.f32 v19, v19;
	v46 =	vpop (erf)  }
0x3c3: {  	v44 =	vmul.f32 v24, v39;
	v18 =	vadd.f32 $-1.000000000e+00, v18;
	v24 =	vmul.f32 v46, v26  }
0x3c4: {  	v22 =	vmul.f32 v38, v28;
	v56 =	vadd.f32 $6.666666860e-01, v47;
	v43 =	vmul.f32 $4.000000060e-01, v25;
	v48 =	vpop (erf)  }
0x3c5: {  	v50 =	vmul.f32 v24, v24;
	v18 =	vmul.f32 v48, v18  }
0x3c6: {  	v41 =	vadd.f32 $2.000000000e+00, v22;
	v57 =	vmul.f32 v56, v42;
	v20 =	vadd.f32 $2.000000000e+00, v44  }
0x3c7: {  	v45 =	vadd.f32 $6.666666860e-01, v43;
	v52 =	vmul.f32 $4.000000060e-01, v50;
	v51 =	vmul.f32 v18, v18  }
0x3c8: {  	v17 =	vmul.f32 v41, v17;
	v60 =	vadd.f32 $2.000000000e+00, v57;
	v15 =	vmul.f32 v20, v15  }
0x3c9: {  	v49 =	vmul.f32 v45, v25;
	v54 =	vadd.f32 $6.666666860e-01, v52;
	v53 =	vmul.f32 $4.000000060e-01, v51  }
0x3ca: {  	v9 =	vshra.s32 v9, $0x17;
	v13 =	vadd.f32 v17, v13;
	v11 =	vadd.f32 v15, v11  }
0x3cb: {  	v17 =	vadd.f32 $2.000000000e+00, v49;
	v15 =	vmul.f32 v54, v50;
	v55 =	vadd.f32 $6.666666860e-01, v53  }
0x3cc: {  	v6 =	vadd.f32 $2.000000000e+00, v6;
	v9 =	vadd.s32 $0xFFFFFF81, v9;
	v61 =	vmul.f32 v60, v12  }
0x3cd: {  	v17 =	vmul.f32 v17, v19;
	v15 =	vadd.f32 $2.000000000e+00, v15;
	v19 =	vmul.f32 v55, v51  }
0x3ce: {  	v59 =	vmul.f32 $6.931471820e-01, v37;
	v5 =	vadd.f32 v16, v5;
	v9 =	vcvt.s32.f32 v9;
	[tilespmem:s24+$0x10] =	vst v13  }
0x3cf: {  	v63 =	vadd.f32 v61, v10;
	[tilespmem:s24+$0xFFFFFFF0] =	vst v11;
	v15 =	vmul.f32 v15, v24;
	v58 =	vadd.f32 $2.000000000e+00, v19  }
0x3d0: {  	v8 =	vmul.f32 $6.931471820e-01, v8;
	v4 =	vmul.f32 v6, v4;
	[tilespmem:s12+$0xFFFFFFF0] =	vst v5;
	v14 =	vadd.f32 v17, v14  }
0x3d1: {  	v9 =	vmul.f32 $6.931471820e-01, v9;
	[tilespmem:s12+$0x10] =	vst v63;
	v62 =	vadd.f32 v15, v59;
	v7 =	vmul.f32 v58, v18  }
0x3d2: {  	v4 =	vadd.f32 v4, v8;
	[tilespmem:s24+$0x0] =	vst v14  }
0x3d3: {  	[tilespmem:s24+$0xFFFFFFE0] =	vst v62;
	v5 =	vadd.f32 v7, v9  }
0x3d4: {  	[tilespmem:s12+$0xFFFFFFE0] =	vst v4  }
0x3d5: {  	s8 =	sadd.s32 s10, s23;
	s9 =	simm.s32 $0x19F80;
	[tilespmem:s12+$0x0] =	vst v5  }
0x3d6: {  	[hbm4b:s8+s2] =	stream.linear.scatter [tilespmem:s9], [sflag:$0x4], $0x200, $0x38;
	[tilespmem:$0x1BBF0] =	vst v63  }
.Ltmp6:
0x3d7: {  	_ = 	snop;
	(pc) =	sbr.rel @p1 .LBB2_12-.Ltmp6, $4  }
0x3d8: {  	s23 =	sadd.s32 s11, s23  }
0x3d9: {  	[hbm4b:s23+s2] =	stream.linear.scatter [tilespmem:s25], [sflag:$0x4], $0x200, $0x38;
	[tilespmem:$0x1BBF0] =	vst v63  }
0x3da: {  	s24 =	simm.s32 $0x18D80  }
0x3db: {  	[spmem:s1] =	stream.indirect.scatter.add.f32 [tilespmem:s25], [sflag:$0x6], $0x1, s24, s18, $0xb8;
	[tilespmem:$0x1BBF0] =	vst v63  }
0x3dc: {  	s8 =	rddreg [dreg:$0x15]  }
0x3dd: {  	s8 =	sadd.s32 s21, s8  }
0x3de: {  	s8 =	sshll.u32 s8, $0x6  }
0x3df: {  	s8 =	sand.u32 $0x1FFFFF40, s8  }
0x3e0: {  	s22 =	simm.s32 $0x18980;
	s9 =	sadd.s32 s4, s8  }
0x3e1: {  	[tilespmem:s22], [sflag:$0x2] =	stream.linear.gather [hbm4b:s9+s2], $0x200, $0x38;
	[tilespmem:$0x1BBF0] =	vst v63  }
0x3e2: {  	s12 =	simm.s32 $0x19980;
	s19 =	sadd.s32 s5, s8  }
0x3e3: {  	[tilespmem:s12], [sflag:$0x2] =	stream.linear.gather [hbm4b:s19+s2], $0x200, $0x38;
	[tilespmem:$0x1BBF0] =	vst v63  }
.Ltmp7:
0x3e4: {  	_ = 	snop;
	(pc) =	sbr.rel .LBB2_2-.Ltmp7, $4  }
0x3e5: {  	s23 =	simm.s32 $0x19B80;
	s21 =	sadd.s32 s6, s8  }
0x3e6: {  	[tilespmem:s23], [sflag:$0x2] =	stream.linear.gather [hbm4b:s21+s2], $0x200, $0x38;
	[tilespmem:$0x1BBF0] =	vst v63  }
0x3e7: {  	s24 =	simm.s32 $0x19D80;
	s28 =	sadd.s32 $0x1, s28;
	s8 =	sadd.s32 s7, s8  }
0x3e8: {  	[tilespmem:s24], [sflag:$0x2] =	stream.linear.gather [hbm4b:s8+s2], $0x200, $0x38;
	[tilespmem:$0x1BBF0] =	vst v63  }
.LBB2_13:
0x3e9: {  	_ =	sfence.sel $0x180000  }
0x3ea: {  	[bflag:$0x0] =	sbarrier.arrive $0xFFFF  }
0x3eb: {  	_ =	strace $0x90000047  }
0x3ec: {  	[bflag:$0x2] =	sbarrier.arrive $0xFFFF  }
0x3ed: {  	s0 =	rddreg [dreg:$0x3]  }
0x3ee: {  	s0 =	sadd.s32 @!p0 $0x100000, s0  }
0x3ef: {  	[sflag:s0] =	ssyncadd.tile.s32 @!p0 $0x1;
	_ =	shalt  }
.Lfunc_end2:
_tile_overlayer_lowered:
.L_overlay_start_2:
0x3f0: {  	(tag) =	ssettag $0x2  }
0x3f1: {  	s0 =	rddreg [dreg:$0x0];
	s2 =	stileid.u32  }
0x3f2: {  	s1 =	rddreg [dreg:$0x1];
	p0 =	sne.s32 s2, $0x0  }
0x3f3: {  	s3 =	rddreg [dreg:$0x2];
	[bflag:$0x3] =	sbarrier.arrive $0xFFFF;
	s2 =	simm.s32 @!p0 $0x1C07  }
0x3f4: {  	[timem:s3], [sflag:s2] =	dma.local @!p0 [hbm:s0], s1  }
0x3f5: {  	s0 =	simm.s32 @!p0 $0x7  }
0x3f6: {  	_ =	swait.ge @!p0 [sflag:s0], s1  }
0x3f7: {  	s1 =	ssub.s32 @!p0 $0x0, s1;
	[sflag:s0] =	ssyncset.done @!p0 $0x0  }
0x3f8: {  	[sflag:s0] =	ssyncadd.s32 @!p0 s1  }
0x3f9: {  	[bflag:$0x3] =	sbarrier.arrive $0xFFFF  }
0x3fa: {  	_ =	shalt  }

</sc_bundles>
